<compile_context>
chip_gen: v7x
topology: tpu7x:2x2x1
jax: 0.10.2.dev20260603
libtpu: 0.0.44.dev20260713+nightly
codegen_flags: <defaults>
</compile_context>

<pallas_src>
import jax
import jax.numpy as jnp
from jax import lax
from jax.experimental import pallas as pl
from jax.experimental.pallas import tpu as pltpu
from jax.experimental.pallas import tpu_sc as plsc

N = 100000
D = 128
S = 256

NC = 2
NS = 16
NW = NC * NS
CHUNK = 75
NCHUNK = 15
RPW = CHUNK * NCHUNK
K = NW * RPW
UNROLL = 3
BB = 1152

B = 4000
MB = (N - K) // B
OFF = K // B


def _sc_body(x_hbm, batch_hbm, w_hbm, b_hbm, pacc_hbm, pden_hbm,
             xb0, xb1, wv, bv, bb, acc, den, sem0, sem1):
    cid = lax.axis_index("c")
    sid = lax.axis_index("s")
    wid = sid * NC + cid
    row0 = wid * RPW
    al = (row0 // 8) * 8
    extra = row0 - al

    pltpu.sync_copy(batch_hbm.at[pl.ds(al, BB)], bb)
    pltpu.sync_copy(w_hbm, wv)
    pltpu.sync_copy(b_hbm, bv)

    zero16 = jnp.zeros((16,), jnp.float32)

    def zacc(i, carry):
        acc[i // 8, pl.ds((i % 8) * 16, 16)] = zero16
        return carry

    lax.fori_loop(0, S * (D // 16), zacc, 0)

    def zden(i, carry):
        den[i, pl.ds(0, 16)] = zero16
        return carry

    lax.fori_loop(0, S, zden, 0)

    wvecs = [wv[pl.ds(16 * j, 16)] for j in range(D // 16)]
    bvec = bv[...]
    lane = lax.iota(jnp.int32, 16)

    def _slice(c):
        return x_hbm.at[pl.ds((row0 + c * CHUNK) * D, CHUNK * D)]

    def start(c, buf, sem):
        pltpu.async_copy(_slice(c), buf, sem)

    def wait(c, buf, sem):
        pltpu.make_async_copy(_slice(c), buf, sem).wait()

    def group(buf, c, q):
        r0 = q * UNROLL
        segs = [bb[pl.ds(extra + c * CHUNK + r0 + u, 16)][0] for u in range(UNROLL)]
        xvs = [[buf[pl.ds((r0 + u) * D + 16 * j, 16)] for j in range(D // 16)]
               for u in range(UNROLL)]
        parts = []
        for u in range(UNROLL):
            prods = [xvs[u][j] * wvecs[j] for j in range(D // 16)]
            while len(prods) > 1:
                prods = [prods[i] + prods[i + 1] for i in range(0, len(prods), 2)]
            parts.append(prods[0])
        for k in (8, 4, 2, 1):
            parts = [p + jnp.take(p, lane ^ k, axis=0) for p in parts]
        evs = [jnp.exp(bvec + p) for p in parts]
        for u in range(UNROLL):
            for j in range(D // 16):
                plsc.addupdate(acc.at[segs[u], pl.ds(16 * j, 16)], evs[u] * xvs[u][j])
            plsc.addupdate(den.at[segs[u], pl.ds(0, 16)], evs[u])

    def process(buf, c):
        def rb(q, carry):
            group(buf, c, q)
            return carry

        lax.fori_loop(0, CHUNK // UNROLL, rb, 0)

    start(0, xb0, sem0)

    def pair_body(i, carry):
        c0 = 2 * i
        start(c0 + 1, xb1, sem1)
        wait(c0, xb0, sem0)
        process(xb0, c0)
        start(c0 + 2, xb0, sem0)
        wait(c0 + 1, xb1, sem1)
        process(xb1, c0 + 1)
        return carry

    lax.fori_loop(0, (NCHUNK - 1) // 2, pair_body, 0)
    wait(NCHUNK - 1, xb0, sem0)
    process(xb0, NCHUNK - 1)

    pltpu.sync_copy(acc, pacc_hbm.at[pl.ds(wid * S, S)])
    pltpu.sync_copy(den, pden_hbm.at[pl.ds(wid * S, S)])


def _sc_pool(xflat, batch, wflat, b16):
    mesh = plsc.VectorSubcoreMesh(core_axis_name="c", subcore_axis_name="s")
    f = pl.kernel(
        _sc_body,
        out_type=(
            jax.ShapeDtypeStruct((NW * S, D), jnp.float32),
            jax.ShapeDtypeStruct((NW * S, 16), jnp.float32),
        ),
        mesh=mesh,
        scratch_types=[
            pltpu.VMEM((CHUNK * D,), jnp.float32),
            pltpu.VMEM((CHUNK * D,), jnp.float32),
            pltpu.VMEM((D,), jnp.float32),
            pltpu.VMEM((16,), jnp.float32),
            pltpu.VMEM((BB,), jnp.int32),
            pltpu.VMEM((S, D), jnp.float32),
            pltpu.VMEM((S, 16), jnp.float32),
            pltpu.SemaphoreType.DMA,
            pltpu.SemaphoreType.DMA,
        ],
    )
    return f(xflat, batch, wflat, b16)


def _tc_body(batch_ref, x_ref, w8_ref, b_ref, num_out, den_out, acc_ref):
    i = pl.program_id(0)

    @pl.when(i == 0)
    def _():
        acc_ref[...] = jnp.zeros_like(acc_ref)

    x = x_ref[...]
    g8 = jax.lax.dot(x, w8_ref[...], preferred_element_type=jnp.float32)
    e = jnp.exp(g8[:, 0:1] + b_ref[0, 0])
    bv = batch_ref[0]
    ids = jax.lax.broadcasted_iota(jnp.int32, (S, B), 0)
    oh = (ids == bv).astype(jnp.bfloat16)
    xe = (x * e).astype(jnp.bfloat16)
    e8 = jnp.broadcast_to(e, (B, 8)).astype(jnp.bfloat16)
    xep = jnp.concatenate([xe, e8], axis=1)
    acc_ref[...] += jax.lax.dot(oh, xep, preferred_element_type=jnp.float32)

    @pl.when(i == MB - 1)
    def _():
        num_out[...] = acc_ref[:, :D]
        den_out[...] = acc_ref[:, D:]


def _tc_pool(x, batchT, W8, b2):
    return pl.pallas_call(
        _tc_body,
        grid=(MB,),
        in_specs=[
            pl.BlockSpec((1, 1, B), lambda i: (i + OFF, 0, 0)),
            pl.BlockSpec((B, D), lambda i: (i + OFF, 0)),
            pl.BlockSpec((D, 8), lambda i: (0, 0)),
            pl.BlockSpec((1, 1), lambda i: (0, 0)),
        ],
        out_specs=[
            pl.BlockSpec((S, D), lambda i: (0, 0)),
            pl.BlockSpec((S, 8), lambda i: (0, 0)),
        ],
        out_shape=[
            jax.ShapeDtypeStruct((S, D), jnp.float32),
            jax.ShapeDtypeStruct((S, 8), jnp.float32),
        ],
        scratch_shapes=[
            pltpu.VMEM((S, D + 8), jnp.float32),
        ],
        compiler_params=pltpu.CompilerParams(
            dimension_semantics=("arbitrary",),
        ),
    )(batchT, x, W8, b2)


def _ep_body(pacc_ref, pden_ref, num_ref, den8_ref, out_ref):
    s = num_ref[...] + jnp.sum(pacc_ref[...], axis=0)
    dn = den8_ref[..., 0:1] + jnp.sum(pden_ref[..., 0:1], axis=0)
    out_ref[...] = s / jnp.maximum(dn, 1e-30)


def kernel(x, batch, W, b):
    batch32 = batch.astype(jnp.int32)
    batchT = batch32.reshape(N // B, 1, B)
    wflat = W.reshape(D).astype(jnp.float32)
    b16 = jnp.broadcast_to(b.astype(jnp.float32), (16,))
    W8 = jnp.pad(W.reshape(D, 1).astype(jnp.float32), ((0, 0), (0, 7)))
    b2 = b.reshape(1, 1).astype(jnp.float32)
    pacc, pden = _sc_pool(x.reshape(N * D), batch32, wflat, b16)
    num_tc, den_tc = _tc_pool(x, batchT, W8, b2)
    out = pl.pallas_call(
        _ep_body,
        out_shape=jax.ShapeDtypeStruct((S, D), jnp.float32),
    )(pacc.reshape(NW, S, D), pden.reshape(NW, S, 16), num_tc, den_tc)
    return out

# --- scband reference (transcript-rebuilt; emitter-appended) ---
"""Pipeline reference for scband-global-attention-pooling-86294482911450 (READ-ONLY COPY).

The authoritative reference and input builder live on the scoring server;
editing this copy changes nothing except your own understanding.
"""

import jax, jax.numpy as jnp
import numpy as np

N = 100000
D = 128
NUM_SEGMENTS = 256

def setup_inputs(seed: int = 0) -> dict:
    key = jax.random.key(seed)
    k1, k2, k3, k4 = jax.random.split(key, 4)
    x = jax.random.normal(k1, (N, D), dtype=jnp.float32)
    batch = jnp.sort(jax.random.randint(k2, (N,), 0, NUM_SEGMENTS, dtype=jnp.int64))
    # gate_nn = nn.Linear(in_features=128, out_features=1)
    W = jax.random.normal(k3, (1, D), dtype=jnp.float32) * (1.0 / np.sqrt(D))
    b = jax.random.normal(k4, (1,), dtype=jnp.float32) * (1.0 / np.sqrt(D))
    return {"x": x, "batch": batch, "W": W, "b": b}

def reference(x, batch, W, b):
    # gate = gate_nn(x) -> [N, 1]
    gate = x @ W.T + b
    g = gate[:, 0]
    # segment-wise softmax over nodes of each graph (numerically stable)
    seg_max = jax.ops.segment_max(g, batch, num_segments=NUM_SEGMENTS)
    g_shift = g - seg_max[batch]
    e = jnp.exp(g_shift)
    denom = jax.ops.segment_sum(e, batch, num_segments=NUM_SEGMENTS)
    alpha = e / denom[batch]
    # weighted sum of node features per graph -> [NUM_SEGMENTS, D]
    out = jax.ops.segment_sum(alpha[:, None] * x, batch, num_segments=NUM_SEGMENTS)
    return out

if __name__ == "__main__":
    import jax
    _d = setup_inputs()
    print(jax.jit(kernel)(*tuple(_d.values())))

</pallas_src>

<mosaic_0001>
#map = affine_map<(d0, d1) -> (0)>
#map1 = affine_map<(d0, d1) -> (0, 0)>
module attributes {stable_mosaic.version = 14 : i64} {
  func.func @_sc_body(%arg0: i32, %arg1: i32, %arg2: memref<12800000xf32, #tpu.memory_space<hbm>>, %arg3: memref<100000xi32, #tpu.memory_space<hbm>>, %arg4: memref<128xf32, #tpu.memory_space<hbm>>, %arg5: memref<16xf32, #tpu.memory_space<hbm>>, %arg6: memref<8192x128xf32, #tpu.memory_space<hbm>>, %arg7: memref<8192x16xf32, #tpu.memory_space<hbm>>, %arg8: memref<9600xf32, #tpu.memory_space<vmem>>, %arg9: memref<9600xf32, #tpu.memory_space<vmem>>, %arg10: memref<128xf32, #tpu.memory_space<vmem>>, %arg11: memref<16xf32, #tpu.memory_space<vmem>>, %arg12: memref<1152xi32, #tpu.memory_space<vmem>>, %arg13: memref<256x128xf32, #tpu.memory_space<vmem>>, %arg14: memref<256x16xf32, #tpu.memory_space<vmem>>, %arg15: memref<!tpu.dma_semaphore, #tpu.memory_space<semaphore_mem>>, %arg16: memref<!tpu.dma_semaphore, #tpu.memory_space<semaphore_mem>>) attributes {dimension_semantics = [#tpu.dimension_semantics<core_parallel>, #tpu.dimension_semantics<subcore_parallel>], iteration_bounds = array<i64: 2, 16>, scalar_prefetch = 0 : i64, scratch_operands = 9 : i64, tpu.core_type = #tpu.core_type<sc_vector_subcore>, window_params = [{transform_indices = #map}, {transform_indices = #map}, {transform_indices = #map}, {transform_indices = #map}, {transform_indices = #map1}, {transform_indices = #map1}]} {
    %mul3A = arith.constant 2 : i32
    %mul3A_0 = arith.muli %arg1, %mul3A : i32
    %add3A = arith.addi %mul3A_0, %arg0 : i32
    %mul3A_1 = arith.constant 1125 : i32
    %mul3A_2 = arith.muli %add3A, %mul3A_1 : i32
    %jit3A = arith.constant 8 : i32
    %div3A = arith.divsi %mul3A_2, %jit3A : i32
    %sign3A = arith.constant 0 : i32
    %sign3A_3 = arith.cmpi sgt, %mul3A_2, %sign3A : i32
    %sign3A_4 = arith.extui %sign3A_3 : i1 to i32
    %sign3A_5 = arith.constant 0 : i32
    %sign3A_6 = arith.cmpi slt, %mul3A_2, %sign3A_5 : i32
    %sign3A_7 = arith.extui %sign3A_6 : i1 to i32
    %sign3A_8 = arith.subi %sign3A_4, %sign3A_7 : i32
    %sign3A_9 = arith.constant 0 : i32
    %sign3A_10 = arith.cmpi sgt, %jit3A, %sign3A_9 : i32
    %sign3A_11 = arith.extui %sign3A_10 : i1 to i32
    %sign3A_12 = arith.constant 0 : i32
    %sign3A_13 = arith.cmpi slt, %jit3A, %sign3A_12 : i32
    %sign3A_14 = arith.extui %sign3A_13 : i1 to i32
    %sign3A_15 = arith.subi %sign3A_11, %sign3A_14 : i32
    %ne3A = arith.cmpi ne, %sign3A_8, %sign3A_15 : i32
    %rem3A = arith.remsi %mul3A_2, %jit3A : i32
    %ne3A_16 = arith.constant 0 : i32
    %ne3A_17 = arith.cmpi ne, %rem3A, %ne3A_16 : i32
    %and3A = arith.andi %ne3A, %ne3A_17 : i1
    %sub3A = arith.constant 1 : i32
    %sub3A_18 = arith.subi %div3A, %sub3A : i32
    %select_n3A = arith.select %and3A, %sub3A_18, %div3A : i32
    %mul3A_19 = arith.constant 8 : i32
    %mul3A_20 = arith.muli %select_n3A, %mul3A_19 : i32
    %sub3A_21 = arith.subi %mul3A_2, %mul3A_20 : i32
    "tpu.region"() ({
      %run_scoped3A = tpu.sem_alloc : memref<!tpu.dma_semaphore, #tpu.memory_space<semaphore_mem>>
      %dma_start3A_86 = tpu.memref_slice %arg3[%mul3A_20] : memref<100000xi32, #tpu.memory_space<hbm>> -> memref<1152xi32, #tpu.memory_space<hbm>>
      %dma_start3A_87 = tpu.memref_slice %arg3[%mul3A_20] : memref<100000xi32, #tpu.memory_space<hbm>> -> memref<1152xi32, #tpu.memory_space<hbm>>
      tpu.enqueue_dma source(%dma_start3A_87 : memref<1152xi32, #tpu.memory_space<hbm>>) target(%arg12 : memref<1152xi32, #tpu.memory_space<vmem>>) target_semaphore(%run_scoped3A : memref<!tpu.dma_semaphore, #tpu.memory_space<semaphore_mem>>)
      %dma_wait3A_88 = tpu.memref_slice %arg3[%mul3A_20] : memref<100000xi32, #tpu.memory_space<hbm>> -> memref<1152xi32, #tpu.memory_space<hbm>>
      %dma_wait3A_89 = tpu.memref_slice %arg3[%mul3A_20] : memref<100000xi32, #tpu.memory_space<hbm>> -> memref<1152xi32, #tpu.memory_space<hbm>>
      tpu.wait_dma2 semaphore(%run_scoped3A : memref<!tpu.dma_semaphore, #tpu.memory_space<semaphore_mem>>) src(%dma_wait3A_89 : memref<1152xi32, #tpu.memory_space<hbm>>) dst(%arg12 : memref<1152xi32, #tpu.memory_space<vmem>>)
      tpu.yield
    }) : () -> ()
    "tpu.region"() ({
      %run_scoped3A = tpu.sem_alloc : memref<!tpu.dma_semaphore, #tpu.memory_space<semaphore_mem>>
      tpu.enqueue_dma source(%arg4 : memref<128xf32, #tpu.memory_space<hbm>>) target(%arg10 : memref<128xf32, #tpu.memory_space<vmem>>) target_semaphore(%run_scoped3A : memref<!tpu.dma_semaphore, #tpu.memory_space<semaphore_mem>>)
      tpu.wait_dma2 semaphore(%run_scoped3A : memref<!tpu.dma_semaphore, #tpu.memory_space<semaphore_mem>>) src(%arg4 : memref<128xf32, #tpu.memory_space<hbm>>) dst(%arg10 : memref<128xf32, #tpu.memory_space<vmem>>)
      tpu.yield
    }) : () -> ()
    "tpu.region"() ({
      %run_scoped3A = tpu.sem_alloc : memref<!tpu.dma_semaphore, #tpu.memory_space<semaphore_mem>>
      tpu.enqueue_dma source(%arg5 : memref<16xf32, #tpu.memory_space<hbm>>) target(%arg11 : memref<16xf32, #tpu.memory_space<vmem>>) target_semaphore(%run_scoped3A : memref<!tpu.dma_semaphore, #tpu.memory_space<semaphore_mem>>)
      tpu.wait_dma2 semaphore(%run_scoped3A : memref<!tpu.dma_semaphore, #tpu.memory_space<semaphore_mem>>) src(%arg5 : memref<16xf32, #tpu.memory_space<hbm>>) dst(%arg11 : memref<16xf32, #tpu.memory_space<vmem>>)
      tpu.yield
    }) : () -> ()
    %broadcast_in_dim3A = arith.constant 0.000000e+00 : f32
    %broadcast_in_dim3A_22 = vector.broadcast %broadcast_in_dim3A : f32 to vector<16xf32>
    %scan3A = arith.constant 0 : i32
    %scan3A_23 = arith.constant 0 : i32
    %scan3A_24 = arith.constant 2048 : i32
    %scan3A_25 = arith.addi %scan3A_23, %scan3A_24 : i32
    %scan3A_26 = arith.constant 1 : i32
    scf.for %scan3A_86 = %scan3A_23 to %scan3A_25 step %scan3A_26  : i32 {
      %jit3A_87 = arith.constant 8 : i32
      %div3A_88 = arith.divsi %scan3A_86, %jit3A_87 : i32
      %sign3A_89 = arith.constant 0 : i32
      %sign3A_90 = arith.cmpi sgt, %scan3A_86, %sign3A_89 : i32
      %sign3A_91 = arith.extui %sign3A_90 : i1 to i32
      %sign3A_92 = arith.constant 0 : i32
      %sign3A_93 = arith.cmpi slt, %scan3A_86, %sign3A_92 : i32
      %sign3A_94 = arith.extui %sign3A_93 : i1 to i32
      %sign3A_95 = arith.subi %sign3A_91, %sign3A_94 : i32
      %sign3A_96 = arith.constant 0 : i32
      %sign3A_97 = arith.cmpi sgt, %jit3A_87, %sign3A_96 : i32
      %sign3A_98 = arith.extui %sign3A_97 : i1 to i32
      %sign3A_99 = arith.constant 0 : i32
      %sign3A_100 = arith.cmpi slt, %jit3A_87, %sign3A_99 : i32
      %sign3A_101 = arith.extui %sign3A_100 : i1 to i32
      %sign3A_102 = arith.subi %sign3A_98, %sign3A_101 : i32
      %ne3A_103 = arith.cmpi ne, %sign3A_95, %sign3A_102 : i32
      %rem3A_104 = arith.remsi %scan3A_86, %jit3A_87 : i32
      %ne3A_105 = arith.constant 0 : i32
      %ne3A_106 = arith.cmpi ne, %rem3A_104, %ne3A_105 : i32
      %and3A_107 = arith.andi %ne3A_103, %ne3A_106 : i1
      %sub3A_108 = arith.constant 1 : i32
      %sub3A_109 = arith.subi %div3A_88, %sub3A_108 : i32
      %select_n3A_110 = arith.select %and3A_107, %sub3A_109, %div3A_88 : i32
      %jit3A_111 = arith.constant 8 : i32
      %eq3A = arith.constant 0 : i32
      %eq3A_112 = arith.cmpi eq, %jit3A_111, %eq3A : i32
      %jit3A_113 = arith.constant 1 : i32
      %select_n3A_114 = arith.select %eq3A_112, %jit3A_113, %jit3A_111 : i32
      %rem3A_115 = arith.remsi %scan3A_86, %select_n3A_114 : i32
      %ne3A_116 = arith.constant 0 : i32
      %ne3A_117 = arith.cmpi ne, %rem3A_115, %ne3A_116 : i32
      %lt3A = arith.constant 0 : i32
      %lt3A_118 = arith.cmpi slt, %rem3A_115, %lt3A : i32
      %lt3A_119 = arith.constant 0 : i32
      %lt3A_120 = arith.cmpi slt, %select_n3A_114, %lt3A_119 : i32
      %ne3A_121 = arith.xori %lt3A_118, %lt3A_120 : i1
      %and3A_122 = arith.andi %ne3A_121, %ne3A_117 : i1
      %add3A_123 = arith.addi %rem3A_115, %select_n3A_114 : i32
      %select_n3A_124 = arith.select %and3A_122, %add3A_123, %rem3A_115 : i32
      %mul3A_125 = arith.constant 16 : i32
      %mul3A_126 = arith.muli %select_n3A_124, %mul3A_125 : i32
      %swap3A = arith.index_cast %select_n3A_110 : i32 to index
      %swap3A_127 = arith.index_cast %mul3A_126 : i32 to index
      %swap3A_128 = tpu.vector_load %arg13[%swap3A, %swap3A_127] {strides = array<i32>} : memref<256x128xf32, #tpu.memory_space<vmem>>, vector<1x16xf32>,
      %swap3A_129 = vector.shape_cast %swap3A_128 : vector<1x16xf32> to vector<16xf32>
      %swap3A_130 = vector.shape_cast %broadcast_in_dim3A_22 : vector<16xf32> to vector<1x16xf32>
      tpu.vector_store %arg13[%swap3A, %swap3A_127], %swap3A_130 {strides = array<i32>} : memref<256x128xf32, #tpu.memory_space<vmem>>, vector<1x16xf32>,
    }
    %scan3A_27 = arith.constant 2048 : i32
    %scan3A_28 = arith.constant 0 : i32
    %scan3A_29 = arith.constant 0 : i32
    %scan3A_30 = arith.constant 256 : i32
    %scan3A_31 = arith.addi %scan3A_29, %scan3A_30 : i32
    %scan3A_32 = arith.constant 1 : i32
    scf.for %scan3A_86 = %scan3A_29 to %scan3A_31 step %scan3A_32  : i32 {
      %swap3A = arith.index_cast %scan3A_86 : i32 to index
      %swap3A_87 = arith.constant 0 : index
      %swap3A_88 = tpu.vector_load %arg14[%swap3A, %swap3A_87] {strides = array<i32>} : memref<256x16xf32, #tpu.memory_space<vmem>>, vector<1x16xf32>,
      %swap3A_89 = vector.shape_cast %swap3A_88 : vector<1x16xf32> to vector<16xf32>
      %swap3A_90 = vector.shape_cast %broadcast_in_dim3A_22 : vector<16xf32> to vector<1x16xf32>
      tpu.vector_store %arg14[%swap3A, %swap3A_87], %swap3A_90 {strides = array<i32>} : memref<256x16xf32, #tpu.memory_space<vmem>>, vector<1x16xf32>,
    }
    %scan3A_33 = arith.constant 256 : i32
    %get3A = arith.constant 0 : index
    %get3A_34 = tpu.vector_load %arg10[%get3A] {strides = array<i32>} : memref<128xf32, #tpu.memory_space<vmem>>, vector<16xf32>,
    %get3A_35 = vector.shape_cast %get3A_34 : vector<16xf32> to vector<16xf32>
    %get3A_36 = arith.constant 16 : index
    %get3A_37 = tpu.vector_load %arg10[%get3A_36] {strides = array<i32>} : memref<128xf32, #tpu.memory_space<vmem>>, vector<16xf32>,
    %get3A_38 = vector.shape_cast %get3A_37 : vector<16xf32> to vector<16xf32>
    %get3A_39 = arith.constant 32 : index
    %get3A_40 = tpu.vector_load %arg10[%get3A_39] {strides = array<i32>} : memref<128xf32, #tpu.memory_space<vmem>>, vector<16xf32>,
    %get3A_41 = vector.shape_cast %get3A_40 : vector<16xf32> to vector<16xf32>
    %get3A_42 = arith.constant 48 : index
    %get3A_43 = tpu.vector_load %arg10[%get3A_42] {strides = array<i32>} : memref<128xf32, #tpu.memory_space<vmem>>, vector<16xf32>,
    %get3A_44 = vector.shape_cast %get3A_43 : vector<16xf32> to vector<16xf32>
    %get3A_45 = arith.constant 64 : index
    %get3A_46 = tpu.vector_load %arg10[%get3A_45] {strides = array<i32>} : memref<128xf32, #tpu.memory_space<vmem>>, vector<16xf32>,
    %get3A_47 = vector.shape_cast %get3A_46 : vector<16xf32> to vector<16xf32>
    %get3A_48 = arith.constant 80 : index
    %get3A_49 = tpu.vector_load %arg10[%get3A_48] {strides = array<i32>} : memref<128xf32, #tpu.memory_space<vmem>>, vector<16xf32>,
    %get3A_50 = vector.shape_cast %get3A_49 : vector<16xf32> to vector<16xf32>
    %get3A_51 = arith.constant 96 : index
    %get3A_52 = tpu.vector_load %arg10[%get3A_51] {strides = array<i32>} : memref<128xf32, #tpu.memory_space<vmem>>, vector<16xf32>,
    %get3A_53 = vector.shape_cast %get3A_52 : vector<16xf32> to vector<16xf32>
    %get3A_54 = arith.constant 112 : index
    %get3A_55 = tpu.vector_load %arg10[%get3A_54] {strides = array<i32>} : memref<128xf32, #tpu.memory_space<vmem>>, vector<16xf32>,
    %get3A_56 = vector.shape_cast %get3A_55 : vector<16xf32> to vector<16xf32>
    %get3A_57 = arith.constant 0 : index
    %get3A_58 = tpu.vector_load %arg11[%get3A_57] {strides = array<i32>} : memref<16xf32, #tpu.memory_space<vmem>>, vector<16xf32>,
    %get3A_59 = vector.shape_cast %get3A_58 : vector<16xf32> to vector<16xf32>
    %iota3A = tpu.iota {dimensions = array<i32: 0>} : vector<16xi32>
    %add3A_60 = arith.constant 0 : i32
    %add3A_61 = arith.addi %mul3A_2, %add3A_60 : i32
    %mul3A_62 = arith.constant 128 : i32
    %mul3A_63 = arith.muli %add3A_61, %mul3A_62 : i32
    %dma_start3A = tpu.memref_slice %arg2[%mul3A_63] : memref<12800000xf32, #tpu.memory_space<hbm>> -> memref<9600xf32, #tpu.memory_space<hbm>>
    %dma_start3A_64 = tpu.memref_slice %arg2[%mul3A_63] : memref<12800000xf32, #tpu.memory_space<hbm>> -> memref<9600xf32, #tpu.memory_space<hbm>>
    tpu.enqueue_dma source(%dma_start3A_64 : memref<9600xf32, #tpu.memory_space<hbm>>) target(%arg8 : memref<9600xf32, #tpu.memory_space<vmem>>) target_semaphore(%arg15 : memref<!tpu.dma_semaphore, #tpu.memory_space<semaphore_mem>>)
    %scan3A_65 = arith.constant 0 : i32
    %scan3A_66 = arith.constant 0 : i32
    %scan3A_67 = arith.constant 7 : i32
    %scan3A_68 = arith.addi %scan3A_66, %scan3A_67 : i32
    %scan3A_69 = arith.constant 1 : i32
    scf.for %scan3A_86 = %scan3A_66 to %scan3A_68 step %scan3A_69  : i32 {
      %mul3A_87 = arith.constant 2 : i32
      %mul3A_88 = arith.muli %mul3A_87, %scan3A_86 : i32
      %add3A_89 = arith.constant 1 : i32
      %add3A_90 = arith.addi %mul3A_88, %add3A_89 : i32
      %mul3A_91 = arith.constant 75 : i32
      %mul3A_92 = arith.muli %add3A_90, %mul3A_91 : i32
      %add3A_93 = arith.addi %mul3A_2, %mul3A_92 : i32
      %mul3A_94 = arith.constant 128 : i32
      %mul3A_95 = arith.muli %add3A_93, %mul3A_94 : i32
      %dma_start3A_96 = tpu.memref_slice %arg2[%mul3A_95] : memref<12800000xf32, #tpu.memory_space<hbm>> -> memref<9600xf32, #tpu.memory_space<hbm>>
      %dma_start3A_97 = tpu.memref_slice %arg2[%mul3A_95] : memref<12800000xf32, #tpu.memory_space<hbm>> -> memref<9600xf32, #tpu.memory_space<hbm>>
      tpu.enqueue_dma source(%dma_start3A_97 : memref<9600xf32, #tpu.memory_space<hbm>>) target(%arg9 : memref<9600xf32, #tpu.memory_space<vmem>>) target_semaphore(%arg16 : memref<!tpu.dma_semaphore, #tpu.memory_space<semaphore_mem>>)
      %mul3A_98 = arith.constant 75 : i32
      %mul3A_99 = arith.muli %mul3A_88, %mul3A_98 : i32
      %add3A_100 = arith.addi %mul3A_2, %mul3A_99 : i32
      %mul3A_101 = arith.constant 128 : i32
      %mul3A_102 = arith.muli %add3A_100, %mul3A_101 : i32
      %dma_wait3A_103 = tpu.memref_slice %arg2[%mul3A_102] : memref<12800000xf32, #tpu.memory_space<hbm>> -> memref<9600xf32, #tpu.memory_space<hbm>>
      %dma_wait3A_104 = tpu.memref_slice %arg2[%mul3A_102] : memref<12800000xf32, #tpu.memory_space<hbm>> -> memref<9600xf32, #tpu.memory_space<hbm>>
      tpu.wait_dma2 semaphore(%arg15 : memref<!tpu.dma_semaphore, #tpu.memory_space<semaphore_mem>>) src(%dma_wait3A_104 : memref<9600xf32, #tpu.memory_space<hbm>>) dst(%arg8 : memref<9600xf32, #tpu.memory_space<vmem>>)
      %scan3A_105 = arith.constant 0 : i32
      %scan3A_106 = arith.constant 0 : i32
      %scan3A_107 = arith.constant 25 : i32
      %scan3A_108 = arith.addi %scan3A_106, %scan3A_107 : i32
      %scan3A_109 = arith.constant 1 : i32
      scf.for %scan3A_137 = %scan3A_106 to %scan3A_108 step %scan3A_109  : i32 {
        %mul3A_138 = arith.constant 3 : i32
        %mul3A_139 = arith.muli %scan3A_137, %mul3A_138 : i32
        %mul3A_140 = arith.constant 75 : i32
        %mul3A_141 = arith.muli %mul3A_88, %mul3A_140 : i32
        %add3A_142 = arith.addi %sub3A_21, %mul3A_141 : i32
        %add3A_143 = arith.addi %add3A_142, %mul3A_139 : i32
        %add3A_144 = arith.constant 0 : i32
        %add3A_145 = arith.addi %add3A_143, %add3A_144 : i32
        %get3A_146 = arith.index_cast %add3A_145 : i32 to index
        %get3A_147 = tpu.vector_load %arg12[%get3A_146] {strides = array<i32>} : memref<1152xi32, #tpu.memory_space<vmem>>, vector<16xi32>,
        %get3A_148 = vector.shape_cast %get3A_147 : vector<16xi32> to vector<16xi32>
        %slice3A = vector.extract_strided_slice %get3A_148 {offsets = [0], sizes = [1], strides = [1]} : vector<16xi32> to vector<1xi32>
        %squeeze3A = vector.extract %slice3A[0] : i32 from vector<1xi32>
        %mul3A_149 = arith.constant 75 : i32
        %mul3A_150 = arith.muli %mul3A_88, %mul3A_149 : i32
        %add3A_151 = arith.addi %sub3A_21, %mul3A_150 : i32
        %add3A_152 = arith.addi %add3A_151, %mul3A_139 : i32
        %add3A_153 = arith.constant 1 : i32
        %add3A_154 = arith.addi %add3A_152, %add3A_153 : i32
        %get3A_155 = arith.index_cast %add3A_154 : i32 to index
        %get3A_156 = tpu.vector_load %arg12[%get3A_155] {strides = array<i32>} : memref<1152xi32, #tpu.memory_space<vmem>>, vector<16xi32>,
        %get3A_157 = vector.shape_cast %get3A_156 : vector<16xi32> to vector<16xi32>
        %slice3A_158 = vector.extract_strided_slice %get3A_157 {offsets = [0], sizes = [1], strides = [1]} : vector<16xi32> to vector<1xi32>
        %squeeze3A_159 = vector.extract %slice3A_158[0] : i32 from vector<1xi32>
        %mul3A_160 = arith.constant 75 : i32
        %mul3A_161 = arith.muli %mul3A_88, %mul3A_160 : i32
        %add3A_162 = arith.addi %sub3A_21, %mul3A_161 : i32
        %add3A_163 = arith.addi %add3A_162, %mul3A_139 : i32
        %add3A_164 = arith.constant 2 : i32
        %add3A_165 = arith.addi %add3A_163, %add3A_164 : i32
        %get3A_166 = arith.index_cast %add3A_165 : i32 to index
        %get3A_167 = tpu.vector_load %arg12[%get3A_166] {strides = array<i32>} : memref<1152xi32, #tpu.memory_space<vmem>>, vector<16xi32>,
        %get3A_168 = vector.shape_cast %get3A_167 : vector<16xi32> to vector<16xi32>
        %slice3A_169 = vector.extract_strided_slice %get3A_168 {offsets = [0], sizes = [1], strides = [1]} : vector<16xi32> to vector<1xi32>
        %squeeze3A_170 = vector.extract %slice3A_169[0] : i32 from vector<1xi32>
        %add3A_171 = arith.constant 0 : i32
        %add3A_172 = arith.addi %mul3A_139, %add3A_171 : i32
        %mul3A_173 = arith.constant 128 : i32
        %mul3A_174 = arith.muli %add3A_172, %mul3A_173 : i32
        %add3A_175 = arith.constant 0 : i32
        %add3A_176 = arith.addi %mul3A_174, %add3A_175 : i32
        %get3A_177 = arith.index_cast %add3A_176 : i32 to index
        %get3A_178 = tpu.vector_load %arg8[%get3A_177] {strides = array<i32>} : memref<9600xf32, #tpu.memory_space<vmem>>, vector<16xf32>,
        %get3A_179 = vector.shape_cast %get3A_178 : vector<16xf32> to vector<16xf32>
        %add3A_180 = arith.constant 0 : i32
        %add3A_181 = arith.addi %mul3A_139, %add3A_180 : i32
        %mul3A_182 = arith.constant 128 : i32
        %mul3A_183 = arith.muli %add3A_181, %mul3A_182 : i32
        %add3A_184 = arith.constant 16 : i32
        %add3A_185 = arith.addi %mul3A_183, %add3A_184 : i32
        %get3A_186 = arith.index_cast %add3A_185 : i32 to index
        %get3A_187 = tpu.vector_load %arg8[%get3A_186] {strides = array<i32>} : memref<9600xf32, #tpu.memory_space<vmem>>, vector<16xf32>,
        %get3A_188 = vector.shape_cast %get3A_187 : vector<16xf32> to vector<16xf32>
        %add3A_189 = arith.constant 0 : i32
        %add3A_190 = arith.addi %mul3A_139, %add3A_189 : i32
        %mul3A_191 = arith.constant 128 : i32
        %mul3A_192 = arith.muli %add3A_190, %mul3A_191 : i32
        %add3A_193 = arith.constant 32 : i32
        %add3A_194 = arith.addi %mul3A_192, %add3A_193 : i32
        %get3A_195 = arith.index_cast %add3A_194 : i32 to index
        %get3A_196 = tpu.vector_load %arg8[%get3A_195] {strides = array<i32>} : memref<9600xf32, #tpu.memory_space<vmem>>, vector<16xf32>,
        %get3A_197 = vector.shape_cast %get3A_196 : vector<16xf32> to vector<16xf32>
        %add3A_198 = arith.constant 0 : i32
        %add3A_199 = arith.addi %mul3A_139, %add3A_198 : i32
        %mul3A_200 = arith.constant 128 : i32
        %mul3A_201 = arith.muli %add3A_199, %mul3A_200 : i32
        %add3A_202 = arith.constant 48 : i32
        %add3A_203 = arith.addi %mul3A_201, %add3A_202 : i32
        %get3A_204 = arith.index_cast %add3A_203 : i32 to index
        %get3A_205 = tpu.vector_load %arg8[%get3A_204] {strides = array<i32>} : memref<9600xf32, #tpu.memory_space<vmem>>, vector<16xf32>,
        %get3A_206 = vector.shape_cast %get3A_205 : vector<16xf32> to vector<16xf32>
        %add3A_207 = arith.constant 0 : i32
        %add3A_208 = arith.addi %mul3A_139, %add3A_207 : i32
        %mul3A_209 = arith.constant 128 : i32
        %mul3A_210 = arith.muli %add3A_208, %mul3A_209 : i32
        %add3A_211 = arith.constant 64 : i32
        %add3A_212 = arith.addi %mul3A_210, %add3A_211 : i32
        %get3A_213 = arith.index_cast %add3A_212 : i32 to index
        %get3A_214 = tpu.vector_load %arg8[%get3A_213] {strides = array<i32>} : memref<9600xf32, #tpu.memory_space<vmem>>, vector<16xf32>,
        %get3A_215 = vector.shape_cast %get3A_214 : vector<16xf32> to vector<16xf32>
        %add3A_216 = arith.constant 0 : i32
        %add3A_217 = arith.addi %mul3A_139, %add3A_216 : i32
        %mul3A_218 = arith.constant 128 : i32
        %mul3A_219 = arith.muli %add3A_217, %mul3A_218 : i32
        %add3A_220 = arith.constant 80 : i32
        %add3A_221 = arith.addi %mul3A_219, %add3A_220 : i32
        %get3A_222 = arith.index_cast %add3A_221 : i32 to index
        %get3A_223 = tpu.vector_load %arg8[%get3A_222] {strides = array<i32>} : memref<9600xf32, #tpu.memory_space<vmem>>, vector<16xf32>,
        %get3A_224 = vector.shape_cast %get3A_223 : vector<16xf32> to vector<16xf32>
        %add3A_225 = arith.constant 0 : i32
        %add3A_226 = arith.addi %mul3A_139, %add3A_225 : i32
        %mul3A_227 = arith.constant 128 : i32
        %mul3A_228 = arith.muli %add3A_226, %mul3A_227 : i32
        %add3A_229 = arith.constant 96 : i32
        %add3A_230 = arith.addi %mul3A_228, %add3A_229 : i32
        %get3A_231 = arith.index_cast %add3A_230 : i32 to index
        %get3A_232 = tpu.vector_load %arg8[%get3A_231] {strides = array<i32>} : memref<9600xf32, #tpu.memory_space<vmem>>, vector<16xf32>,
        %get3A_233 = vector.shape_cast %get3A_232 : vector<16xf32> to vector<16xf32>
        %add3A_234 = arith.constant 0 : i32
        %add3A_235 = arith.addi %mul3A_139, %add3A_234 : i32
        %mul3A_236 = arith.constant 128 : i32
        %mul3A_237 = arith.muli %add3A_235, %mul3A_236 : i32
        %add3A_238 = arith.constant 112 : i32
        %add3A_239 = arith.addi %mul3A_237, %add3A_238 : i32
        %get3A_240 = arith.index_cast %add3A_239 : i32 to index
        %get3A_241 = tpu.vector_load %arg8[%get3A_240] {strides = array<i32>} : memref<9600xf32, #tpu.memory_space<vmem>>, vector<16xf32>,
        %get3A_242 = vector.shape_cast %get3A_241 : vector<16xf32> to vector<16xf32>
        %add3A_243 = arith.constant 1 : i32
        %add3A_244 = arith.addi %mul3A_139, %add3A_243 : i32
        %mul3A_245 = arith.constant 128 : i32
        %mul3A_246 = arith.muli %add3A_244, %mul3A_245 : i32
        %add3A_247 = arith.constant 0 : i32
        %add3A_248 = arith.addi %mul3A_246, %add3A_247 : i32
        %get3A_249 = arith.index_cast %add3A_248 : i32 to index
        %get3A_250 = tpu.vector_load %arg8[%get3A_249] {strides = array<i32>} : memref<9600xf32, #tpu.memory_space<vmem>>, vector<16xf32>,
        %get3A_251 = vector.shape_cast %get3A_250 : vector<16xf32> to vector<16xf32>
        %add3A_252 = arith.constant 1 : i32
        %add3A_253 = arith.addi %mul3A_139, %add3A_252 : i32
        %mul3A_254 = arith.constant 128 : i32
        %mul3A_255 = arith.muli %add3A_253, %mul3A_254 : i32
        %add3A_256 = arith.constant 16 : i32
        %add3A_257 = arith.addi %mul3A_255, %add3A_256 : i32
        %get3A_258 = arith.index_cast %add3A_257 : i32 to index
        %get3A_259 = tpu.vector_load %arg8[%get3A_258] {strides = array<i32>} : memref<9600xf32, #tpu.memory_space<vmem>>, vector<16xf32>,
        %get3A_260 = vector.shape_cast %get3A_259 : vector<16xf32> to vector<16xf32>
        %add3A_261 = arith.constant 1 : i32
        %add3A_262 = arith.addi %mul3A_139, %add3A_261 : i32
        %mul3A_263 = arith.constant 128 : i32
        %mul3A_264 = arith.muli %add3A_262, %mul3A_263 : i32
        %add3A_265 = arith.constant 32 : i32
        %add3A_266 = arith.addi %mul3A_264, %add3A_265 : i32
        %get3A_267 = arith.index_cast %add3A_266 : i32 to index
        %get3A_268 = tpu.vector_load %arg8[%get3A_267] {strides = array<i32>} : memref<9600xf32, #tpu.memory_space<vmem>>, vector<16xf32>,
        %get3A_269 = vector.shape_cast %get3A_268 : vector<16xf32> to vector<16xf32>
        %add3A_270 = arith.constant 1 : i32
        %add3A_271 = arith.addi %mul3A_139, %add3A_270 : i32
        %mul3A_272 = arith.constant 128 : i32
        %mul3A_273 = arith.muli %add3A_271, %mul3A_272 : i32
        %add3A_274 = arith.constant 48 : i32
        %add3A_275 = arith.addi %mul3A_273, %add3A_274 : i32
        %get3A_276 = arith.index_cast %add3A_275 : i32 to index
        %get3A_277 = tpu.vector_load %arg8[%get3A_276] {strides = array<i32>} : memref<9600xf32, #tpu.memory_space<vmem>>, vector<16xf32>,
        %get3A_278 = vector.shape_cast %get3A_277 : vector<16xf32> to vector<16xf32>
        %add3A_279 = arith.constant 1 : i32
        %add3A_280 = arith.addi %mul3A_139, %add3A_279 : i32
        %mul3A_281 = arith.constant 128 : i32
        %mul3A_282 = arith.muli %add3A_280, %mul3A_281 : i32
        %add3A_283 = arith.constant 64 : i32
        %add3A_284 = arith.addi %mul3A_282, %add3A_283 : i32
        %get3A_285 = arith.index_cast %add3A_284 : i32 to index
        %get3A_286 = tpu.vector_load %arg8[%get3A_285] {strides = array<i32>} : memref<9600xf32, #tpu.memory_space<vmem>>, vector<16xf32>,
        %get3A_287 = vector.shape_cast %get3A_286 : vector<16xf32> to vector<16xf32>
        %add3A_288 = arith.constant 1 : i32
        %add3A_289 = arith.addi %mul3A_139, %add3A_288 : i32
        %mul3A_290 = arith.constant 128 : i32
        %mul3A_291 = arith.muli %add3A_289, %mul3A_290 : i32
        %add3A_292 = arith.constant 80 : i32
        %add3A_293 = arith.addi %mul3A_291, %add3A_292 : i32
        %get3A_294 = arith.index_cast %add3A_293 : i32 to index
        %get3A_295 = tpu.vector_load %arg8[%get3A_294] {strides = array<i32>} : memref<9600xf32, #tpu.memory_space<vmem>>, vector<16xf32>,
        %get3A_296 = vector.shape_cast %get3A_295 : vector<16xf32> to vector<16xf32>
        %add3A_297 = arith.constant 1 : i32
        %add3A_298 = arith.addi %mul3A_139, %add3A_297 : i32
        %mul3A_299 = arith.constant 128 : i32
        %mul3A_300 = arith.muli %add3A_298, %mul3A_299 : i32
        %add3A_301 = arith.constant 96 : i32
        %add3A_302 = arith.addi %mul3A_300, %add3A_301 : i32
        %get3A_303 = arith.index_cast %add3A_302 : i32 to index
        %get3A_304 = tpu.vector_load %arg8[%get3A_303] {strides = array<i32>} : memref<9600xf32, #tpu.memory_space<vmem>>, vector<16xf32>,
        %get3A_305 = vector.shape_cast %get3A_304 : vector<16xf32> to vector<16xf32>
        %add3A_306 = arith.constant 1 : i32
        %add3A_307 = arith.addi %mul3A_139, %add3A_306 : i32
        %mul3A_308 = arith.constant 128 : i32
        %mul3A_309 = arith.muli %add3A_307, %mul3A_308 : i32
        %add3A_310 = arith.constant 112 : i32
        %add3A_311 = arith.addi %mul3A_309, %add3A_310 : i32
        %get3A_312 = arith.index_cast %add3A_311 : i32 to index
        %get3A_313 = tpu.vector_load %arg8[%get3A_312] {strides = array<i32>} : memref<9600xf32, #tpu.memory_space<vmem>>, vector<16xf32>,
        %get3A_314 = vector.shape_cast %get3A_313 : vector<16xf32> to vector<16xf32>
        %add3A_315 = arith.constant 2 : i32
        %add3A_316 = arith.addi %mul3A_139, %add3A_315 : i32
        %mul3A_317 = arith.constant 128 : i32
        %mul3A_318 = arith.muli %add3A_316, %mul3A_317 : i32
        %add3A_319 = arith.constant 0 : i32
        %add3A_320 = arith.addi %mul3A_318, %add3A_319 : i32
        %get3A_321 = arith.index_cast %add3A_320 : i32 to index
        %get3A_322 = tpu.vector_load %arg8[%get3A_321] {strides = array<i32>} : memref<9600xf32, #tpu.memory_space<vmem>>, vector<16xf32>,
        %get3A_323 = vector.shape_cast %get3A_322 : vector<16xf32> to vector<16xf32>
        %add3A_324 = arith.constant 2 : i32
        %add3A_325 = arith.addi %mul3A_139, %add3A_324 : i32
        %mul3A_326 = arith.constant 128 : i32
        %mul3A_327 = arith.muli %add3A_325, %mul3A_326 : i32
        %add3A_328 = arith.constant 16 : i32
        %add3A_329 = arith.addi %mul3A_327, %add3A_328 : i32
        %get3A_330 = arith.index_cast %add3A_329 : i32 to index
        %get3A_331 = tpu.vector_load %arg8[%get3A_330] {strides = array<i32>} : memref<9600xf32, #tpu.memory_space<vmem>>, vector<16xf32>,
        %get3A_332 = vector.shape_cast %get3A_331 : vector<16xf32> to vector<16xf32>
        %add3A_333 = arith.constant 2 : i32
        %add3A_334 = arith.addi %mul3A_139, %add3A_333 : i32
        %mul3A_335 = arith.constant 128 : i32
        %mul3A_336 = arith.muli %add3A_334, %mul3A_335 : i32
        %add3A_337 = arith.constant 32 : i32
        %add3A_338 = arith.addi %mul3A_336, %add3A_337 : i32
        %get3A_339 = arith.index_cast %add3A_338 : i32 to index
        %get3A_340 = tpu.vector_load %arg8[%get3A_339] {strides = array<i32>} : memref<9600xf32, #tpu.memory_space<vmem>>, vector<16xf32>,
        %get3A_341 = vector.shape_cast %get3A_340 : vector<16xf32> to vector<16xf32>
        %add3A_342 = arith.constant 2 : i32
        %add3A_343 = arith.addi %mul3A_139, %add3A_342 : i32
        %mul3A_344 = arith.constant 128 : i32
        %mul3A_345 = arith.muli %add3A_343, %mul3A_344 : i32
        %add3A_346 = arith.constant 48 : i32
        %add3A_347 = arith.addi %mul3A_345, %add3A_346 : i32
        %get3A_348 = arith.index_cast %add3A_347 : i32 to index
        %get3A_349 = tpu.vector_load %arg8[%get3A_348] {strides = array<i32>} : memref<9600xf32, #tpu.memory_space<vmem>>, vector<16xf32>,
        %get3A_350 = vector.shape_cast %get3A_349 : vector<16xf32> to vector<16xf32>
        %add3A_351 = arith.constant 2 : i32
        %add3A_352 = arith.addi %mul3A_139, %add3A_351 : i32
        %mul3A_353 = arith.constant 128 : i32
        %mul3A_354 = arith.muli %add3A_352, %mul3A_353 : i32
        %add3A_355 = arith.constant 64 : i32
        %add3A_356 = arith.addi %mul3A_354, %add3A_355 : i32
        %get3A_357 = arith.index_cast %add3A_356 : i32 to index
        %get3A_358 = tpu.vector_load %arg8[%get3A_357] {strides = array<i32>} : memref<9600xf32, #tpu.memory_space<vmem>>, vector<16xf32>,
        %get3A_359 = vector.shape_cast %get3A_358 : vector<16xf32> to vector<16xf32>
        %add3A_360 = arith.constant 2 : i32
        %add3A_361 = arith.addi %mul3A_139, %add3A_360 : i32
        %mul3A_362 = arith.constant 128 : i32
        %mul3A_363 = arith.muli %add3A_361, %mul3A_362 : i32
        %add3A_364 = arith.constant 80 : i32
        %add3A_365 = arith.addi %mul3A_363, %add3A_364 : i32
        %get3A_366 = arith.index_cast %add3A_365 : i32 to index
        %get3A_367 = tpu.vector_load %arg8[%get3A_366] {strides = array<i32>} : memref<9600xf32, #tpu.memory_space<vmem>>, vector<16xf32>,
        %get3A_368 = vector.shape_cast %get3A_367 : vector<16xf32> to vector<16xf32>
        %add3A_369 = arith.constant 2 : i32
        %add3A_370 = arith.addi %mul3A_139, %add3A_369 : i32
        %mul3A_371 = arith.constant 128 : i32
        %mul3A_372 = arith.muli %add3A_370, %mul3A_371 : i32
        %add3A_373 = arith.constant 96 : i32
        %add3A_374 = arith.addi %mul3A_372, %add3A_373 : i32
        %get3A_375 = arith.index_cast %add3A_374 : i32 to index
        %get3A_376 = tpu.vector_load %arg8[%get3A_375] {strides = array<i32>} : memref<9600xf32, #tpu.memory_space<vmem>>, vector<16xf32>,
        %get3A_377 = vector.shape_cast %get3A_376 : vector<16xf32> to vector<16xf32>
        %add3A_378 = arith.constant 2 : i32
        %add3A_379 = arith.addi %mul3A_139, %add3A_378 : i32
        %mul3A_380 = arith.constant 128 : i32
        %mul3A_381 = arith.muli %add3A_379, %mul3A_380 : i32
        %add3A_382 = arith.constant 112 : i32
        %add3A_383 = arith.addi %mul3A_381, %add3A_382 : i32
        %get3A_384 = arith.index_cast %add3A_383 : i32 to index
        %get3A_385 = tpu.vector_load %arg8[%get3A_384] {strides = array<i32>} : memref<9600xf32, #tpu.memory_space<vmem>>, vector<16xf32>,
        %get3A_386 = vector.shape_cast %get3A_385 : vector<16xf32> to vector<16xf32>
        %mul3A_387 = arith.mulf %get3A_179, %get3A_35 : vector<16xf32>
        %mul3A_388 = arith.mulf %get3A_188, %get3A_38 : vector<16xf32>
        %mul3A_389 = arith.mulf %get3A_197, %get3A_41 : vector<16xf32>
        %mul3A_390 = arith.mulf %get3A_206, %get3A_44 : vector<16xf32>
        %mul3A_391 = arith.mulf %get3A_215, %get3A_47 : vector<16xf32>
        %mul3A_392 = arith.mulf %get3A_224, %get3A_50 : vector<16xf32>
        %mul3A_393 = arith.mulf %get3A_233, %get3A_53 : vector<16xf32>
        %mul3A_394 = arith.mulf %get3A_242, %get3A_56 : vector<16xf32>
        %add3A_395 = arith.addf %mul3A_387, %mul3A_388 : vector<16xf32>
        %add3A_396 = arith.addf %mul3A_389, %mul3A_390 : vector<16xf32>
        %add3A_397 = arith.addf %mul3A_391, %mul3A_392 : vector<16xf32>
        %add3A_398 = arith.addf %mul3A_393, %mul3A_394 : vector<16xf32>
        %add3A_399 = arith.addf %add3A_395, %add3A_396 : vector<16xf32>
        %add3A_400 = arith.addf %add3A_397, %add3A_398 : vector<16xf32>
        %add3A_401 = arith.addf %add3A_399, %add3A_400 : vector<16xf32>
        %mul3A_402 = arith.mulf %get3A_251, %get3A_35 : vector<16xf32>
        %mul3A_403 = arith.mulf %get3A_260, %get3A_38 : vector<16xf32>
        %mul3A_404 = arith.mulf %get3A_269, %get3A_41 : vector<16xf32>
        %mul3A_405 = arith.mulf %get3A_278, %get3A_44 : vector<16xf32>
        %mul3A_406 = arith.mulf %get3A_287, %get3A_47 : vector<16xf32>
        %mul3A_407 = arith.mulf %get3A_296, %get3A_50 : vector<16xf32>
        %mul3A_408 = arith.mulf %get3A_305, %get3A_53 : vector<16xf32>
        %mul3A_409 = arith.mulf %get3A_314, %get3A_56 : vector<16xf32>
        %add3A_410 = arith.addf %mul3A_402, %mul3A_403 : vector<16xf32>
        %add3A_411 = arith.addf %mul3A_404, %mul3A_405 : vector<16xf32>
        %add3A_412 = arith.addf %mul3A_406, %mul3A_407 : vector<16xf32>
        %add3A_413 = arith.addf %mul3A_408, %mul3A_409 : vector<16xf32>
        %add3A_414 = arith.addf %add3A_410, %add3A_411 : vector<16xf32>
        %add3A_415 = arith.addf %add3A_412, %add3A_413 : vector<16xf32>
        %add3A_416 = arith.addf %add3A_414, %add3A_415 : vector<16xf32>
        %mul3A_417 = arith.mulf %get3A_323, %get3A_35 : vector<16xf32>
        %mul3A_418 = arith.mulf %get3A_332, %get3A_38 : vector<16xf32>
        %mul3A_419 = arith.mulf %get3A_341, %get3A_41 : vector<16xf32>
        %mul3A_420 = arith.mulf %get3A_350, %get3A_44 : vector<16xf32>
        %mul3A_421 = arith.mulf %get3A_359, %get3A_47 : vector<16xf32>
        %mul3A_422 = arith.mulf %get3A_368, %get3A_50 : vector<16xf32>
        %mul3A_423 = arith.mulf %get3A_377, %get3A_53 : vector<16xf32>
        %mul3A_424 = arith.mulf %get3A_386, %get3A_56 : vector<16xf32>
        %add3A_425 = arith.addf %mul3A_417, %mul3A_418 : vector<16xf32>
        %add3A_426 = arith.addf %mul3A_419, %mul3A_420 : vector<16xf32>
        %add3A_427 = arith.addf %mul3A_421, %mul3A_422 : vector<16xf32>
        %add3A_428 = arith.addf %mul3A_423, %mul3A_424 : vector<16xf32>
        %add3A_429 = arith.addf %add3A_425, %add3A_426 : vector<16xf32>
        %add3A_430 = arith.addf %add3A_427, %add3A_428 : vector<16xf32>
        %add3A_431 = arith.addf %add3A_429, %add3A_430 : vector<16xf32>
        %xor3A = arith.constant 8 : i32
        %xor3A_432 = vector.broadcast %xor3A : i32 to vector<16xi32>
        %xor3A_433 = arith.xori %iota3A, %xor3A_432 : vector<16xi32>
        %lt3A = arith.constant 0 : i32
        %lt3A_434 = vector.broadcast %lt3A : i32 to vector<16xi32>
        %lt3A_435 = arith.cmpi slt, %xor3A_433, %lt3A_434 : vector<16xi32>
        %add3A_436 = arith.constant 16 : i32
        %add3A_437 = vector.broadcast %add3A_436 : i32 to vector<16xi32>
        %add3A_438 = arith.addi %xor3A_433, %add3A_437 : vector<16xi32>
        %select_n3A_439 = arith.select %lt3A_435, %add3A_438, %xor3A_433 : vector<16xi1>, vector<16xi32>
        %broadcast_in_dim3A_440 = vector.shape_cast %select_n3A_439 : vector<16xi32> to vector<16x1xi32>
        %gather3A = vector.shape_cast %broadcast_in_dim3A_440 : vector<16x1xi32> to vector<16xi32>
        %gather3A_441 = tpu.dynamic_gather %add3A_401[%gather3A] in [0] : vector<16xf32>, vector<16xi32> -> vector<16xf32>
        %add3A_442 = arith.addf %add3A_401, %gather3A_441 : vector<16xf32>
        %xor3A_443 = arith.constant 8 : i32
        %xor3A_444 = vector.broadcast %xor3A_443 : i32 to vector<16xi32>
        %xor3A_445 = arith.xori %iota3A, %xor3A_444 : vector<16xi32>
        %lt3A_446 = arith.constant 0 : i32
        %lt3A_447 = vector.broadcast %lt3A_446 : i32 to vector<16xi32>
        %lt3A_448 = arith.cmpi slt, %xor3A_445, %lt3A_447 : vector<16xi32>
        %add3A_449 = arith.constant 16 : i32
        %add3A_450 = vector.broadcast %add3A_449 : i32 to vector<16xi32>
        %add3A_451 = arith.addi %xor3A_445, %add3A_450 : vector<16xi32>
        %select_n3A_452 = arith.select %lt3A_448, %add3A_451, %xor3A_445 : vector<16xi1>, vector<16xi32>
        %broadcast_in_dim3A_453 = vector.shape_cast %select_n3A_452 : vector<16xi32> to vector<16x1xi32>
        %gather3A_454 = vector.shape_cast %broadcast_in_dim3A_453 : vector<16x1xi32> to vector<16xi32>
        %gather3A_455 = tpu.dynamic_gather %add3A_416[%gather3A_454] in [0] : vector<16xf32>, vector<16xi32> -> vector<16xf32>
        %add3A_456 = arith.addf %add3A_416, %gather3A_455 : vector<16xf32>
        %xor3A_457 = arith.constant 8 : i32
        %xor3A_458 = vector.broadcast %xor3A_457 : i32 to vector<16xi32>
        %xor3A_459 = arith.xori %iota3A, %xor3A_458 : vector<16xi32>
        %lt3A_460 = arith.constant 0 : i32
        %lt3A_461 = vector.broadcast %lt3A_460 : i32 to vector<16xi32>
        %lt3A_462 = arith.cmpi slt, %xor3A_459, %lt3A_461 : vector<16xi32>
        %add3A_463 = arith.constant 16 : i32
        %add3A_464 = vector.broadcast %add3A_463 : i32 to vector<16xi32>
        %add3A_465 = arith.addi %xor3A_459, %add3A_464 : vector<16xi32>
        %select_n3A_466 = arith.select %lt3A_462, %add3A_465, %xor3A_459 : vector<16xi1>, vector<16xi32>
        %broadcast_in_dim3A_467 = vector.shape_cast %select_n3A_466 : vector<16xi32> to vector<16x1xi32>
        %gather3A_468 = vector.shape_cast %broadcast_in_dim3A_467 : vector<16x1xi32> to vector<16xi32>
        %gather3A_469 = tpu.dynamic_gather %add3A_431[%gather3A_468] in [0] : vector<16xf32>, vector<16xi32> -> vector<16xf32>
        %add3A_470 = arith.addf %add3A_431, %gather3A_469 : vector<16xf32>
        %xor3A_471 = arith.constant 4 : i32
        %xor3A_472 = vector.broadcast %xor3A_471 : i32 to vector<16xi32>
        %xor3A_473 = arith.xori %iota3A, %xor3A_472 : vector<16xi32>
        %lt3A_474 = arith.constant 0 : i32
        %lt3A_475 = vector.broadcast %lt3A_474 : i32 to vector<16xi32>
        %lt3A_476 = arith.cmpi slt, %xor3A_473, %lt3A_475 : vector<16xi32>
        %add3A_477 = arith.constant 16 : i32
        %add3A_478 = vector.broadcast %add3A_477 : i32 to vector<16xi32>
        %add3A_479 = arith.addi %xor3A_473, %add3A_478 : vector<16xi32>
        %select_n3A_480 = arith.select %lt3A_476, %add3A_479, %xor3A_473 : vector<16xi1>, vector<16xi32>
        %broadcast_in_dim3A_481 = vector.shape_cast %select_n3A_480 : vector<16xi32> to vector<16x1xi32>
        %gather3A_482 = vector.shape_cast %broadcast_in_dim3A_481 : vector<16x1xi32> to vector<16xi32>
        %gather3A_483 = tpu.dynamic_gather %add3A_442[%gather3A_482] in [0] : vector<16xf32>, vector<16xi32> -> vector<16xf32>
        %add3A_484 = arith.addf %add3A_442, %gather3A_483 : vector<16xf32>
        %xor3A_485 = arith.constant 4 : i32
        %xor3A_486 = vector.broadcast %xor3A_485 : i32 to vector<16xi32>
        %xor3A_487 = arith.xori %iota3A, %xor3A_486 : vector<16xi32>
        %lt3A_488 = arith.constant 0 : i32
        %lt3A_489 = vector.broadcast %lt3A_488 : i32 to vector<16xi32>
        %lt3A_490 = arith.cmpi slt, %xor3A_487, %lt3A_489 : vector<16xi32>
        %add3A_491 = arith.constant 16 : i32
        %add3A_492 = vector.broadcast %add3A_491 : i32 to vector<16xi32>
        %add3A_493 = arith.addi %xor3A_487, %add3A_492 : vector<16xi32>
        %select_n3A_494 = arith.select %lt3A_490, %add3A_493, %xor3A_487 : vector<16xi1>, vector<16xi32>
        %broadcast_in_dim3A_495 = vector.shape_cast %select_n3A_494 : vector<16xi32> to vector<16x1xi32>
        %gather3A_496 = vector.shape_cast %broadcast_in_dim3A_495 : vector<16x1xi32> to vector<16xi32>
        %gather3A_497 = tpu.dynamic_gather %add3A_456[%gather3A_496] in [0] : vector<16xf32>, vector<16xi32> -> vector<16xf32>
        %add3A_498 = arith.addf %add3A_456, %gather3A_497 : vector<16xf32>
        %xor3A_499 = arith.constant 4 : i32
        %xor3A_500 = vector.broadcast %xor3A_499 : i32 to vector<16xi32>
        %xor3A_501 = arith.xori %iota3A, %xor3A_500 : vector<16xi32>
        %lt3A_502 = arith.constant 0 : i32
        %lt3A_503 = vector.broadcast %lt3A_502 : i32 to vector<16xi32>
        %lt3A_504 = arith.cmpi slt, %xor3A_501, %lt3A_503 : vector<16xi32>
        %add3A_505 = arith.constant 16 : i32
        %add3A_506 = vector.broadcast %add3A_505 : i32 to vector<16xi32>
        %add3A_507 = arith.addi %xor3A_501, %add3A_506 : vector<16xi32>
        %select_n3A_508 = arith.select %lt3A_504, %add3A_507, %xor3A_501 : vector<16xi1>, vector<16xi32>
        %broadcast_in_dim3A_509 = vector.shape_cast %select_n3A_508 : vector<16xi32> to vector<16x1xi32>
        %gather3A_510 = vector.shape_cast %broadcast_in_dim3A_509 : vector<16x1xi32> to vector<16xi32>
        %gather3A_511 = tpu.dynamic_gather %add3A_470[%gather3A_510] in [0] : vector<16xf32>, vector<16xi32> -> vector<16xf32>
        %add3A_512 = arith.addf %add3A_470, %gather3A_511 : vector<16xf32>
        %xor3A_513 = arith.constant 2 : i32
        %xor3A_514 = vector.broadcast %xor3A_513 : i32 to vector<16xi32>
        %xor3A_515 = arith.xori %iota3A, %xor3A_514 : vector<16xi32>
        %lt3A_516 = arith.constant 0 : i32
        %lt3A_517 = vector.broadcast %lt3A_516 : i32 to vector<16xi32>
        %lt3A_518 = arith.cmpi slt, %xor3A_515, %lt3A_517 : vector<16xi32>
        %add3A_519 = arith.constant 16 : i32
        %add3A_520 = vector.broadcast %add3A_519 : i32 to vector<16xi32>
        %add3A_521 = arith.addi %xor3A_515, %add3A_520 : vector<16xi32>
        %select_n3A_522 = arith.select %lt3A_518, %add3A_521, %xor3A_515 : vector<16xi1>, vector<16xi32>
        %broadcast_in_dim3A_523 = vector.shape_cast %select_n3A_522 : vector<16xi32> to vector<16x1xi32>
        %gather3A_524 = vector.shape_cast %broadcast_in_dim3A_523 : vector<16x1xi32> to vector<16xi32>
        %gather3A_525 = tpu.dynamic_gather %add3A_484[%gather3A_524] in [0] : vector<16xf32>, vector<16xi32> -> vector<16xf32>
        %add3A_526 = arith.addf %add3A_484, %gather3A_525 : vector<16xf32>
        %xor3A_527 = arith.constant 2 : i32
        %xor3A_528 = vector.broadcast %xor3A_527 : i32 to vector<16xi32>
        %xor3A_529 = arith.xori %iota3A, %xor3A_528 : vector<16xi32>
        %lt3A_530 = arith.constant 0 : i32
        %lt3A_531 = vector.broadcast %lt3A_530 : i32 to vector<16xi32>
        %lt3A_532 = arith.cmpi slt, %xor3A_529, %lt3A_531 : vector<16xi32>
        %add3A_533 = arith.constant 16 : i32
        %add3A_534 = vector.broadcast %add3A_533 : i32 to vector<16xi32>
        %add3A_535 = arith.addi %xor3A_529, %add3A_534 : vector<16xi32>
        %select_n3A_536 = arith.select %lt3A_532, %add3A_535, %xor3A_529 : vector<16xi1>, vector<16xi32>
        %broadcast_in_dim3A_537 = vector.shape_cast %select_n3A_536 : vector<16xi32> to vector<16x1xi32>
        %gather3A_538 = vector.shape_cast %broadcast_in_dim3A_537 : vector<16x1xi32> to vector<16xi32>
        %gather3A_539 = tpu.dynamic_gather %add3A_498[%gather3A_538] in [0] : vector<16xf32>, vector<16xi32> -> vector<16xf32>
        %add3A_540 = arith.addf %add3A_498, %gather3A_539 : vector<16xf32>
        %xor3A_541 = arith.constant 2 : i32
        %xor3A_542 = vector.broadcast %xor3A_541 : i32 to vector<16xi32>
        %xor3A_543 = arith.xori %iota3A, %xor3A_542 : vector<16xi32>
        %lt3A_544 = arith.constant 0 : i32
        %lt3A_545 = vector.broadcast %lt3A_544 : i32 to vector<16xi32>
        %lt3A_546 = arith.cmpi slt, %xor3A_543, %lt3A_545 : vector<16xi32>
        %add3A_547 = arith.constant 16 : i32
        %add3A_548 = vector.broadcast %add3A_547 : i32 to vector<16xi32>
        %add3A_549 = arith.addi %xor3A_543, %add3A_548 : vector<16xi32>
        %select_n3A_550 = arith.select %lt3A_546, %add3A_549, %xor3A_543 : vector<16xi1>, vector<16xi32>
        %broadcast_in_dim3A_551 = vector.shape_cast %select_n3A_550 : vector<16xi32> to vector<16x1xi32>
        %gather3A_552 = vector.shape_cast %broadcast_in_dim3A_551 : vector<16x1xi32> to vector<16xi32>
        %gather3A_553 = tpu.dynamic_gather %add3A_512[%gather3A_552] in [0] : vector<16xf32>, vector<16xi32> -> vector<16xf32>
        %add3A_554 = arith.addf %add3A_512, %gather3A_553 : vector<16xf32>
        %xor3A_555 = arith.constant 1 : i32
        %xor3A_556 = vector.broadcast %xor3A_555 : i32 to vector<16xi32>
        %xor3A_557 = arith.xori %iota3A, %xor3A_556 : vector<16xi32>
        %lt3A_558 = arith.constant 0 : i32
        %lt3A_559 = vector.broadcast %lt3A_558 : i32 to vector<16xi32>
        %lt3A_560 = arith.cmpi slt, %xor3A_557, %lt3A_559 : vector<16xi32>
        %add3A_561 = arith.constant 16 : i32
        %add3A_562 = vector.broadcast %add3A_561 : i32 to vector<16xi32>
        %add3A_563 = arith.addi %xor3A_557, %add3A_562 : vector<16xi32>
        %select_n3A_564 = arith.select %lt3A_560, %add3A_563, %xor3A_557 : vector<16xi1>, vector<16xi32>
        %broadcast_in_dim3A_565 = vector.shape_cast %select_n3A_564 : vector<16xi32> to vector<16x1xi32>
        %gather3A_566 = vector.shape_cast %broadcast_in_dim3A_565 : vector<16x1xi32> to vector<16xi32>
        %gather3A_567 = tpu.dynamic_gather %add3A_526[%gather3A_566] in [0] : vector<16xf32>, vector<16xi32> -> vector<16xf32>
        %add3A_568 = arith.addf %add3A_526, %gather3A_567 : vector<16xf32>
        %xor3A_569 = arith.constant 1 : i32
        %xor3A_570 = vector.broadcast %xor3A_569 : i32 to vector<16xi32>
        %xor3A_571 = arith.xori %iota3A, %xor3A_570 : vector<16xi32>
        %lt3A_572 = arith.constant 0 : i32
        %lt3A_573 = vector.broadcast %lt3A_572 : i32 to vector<16xi32>
        %lt3A_574 = arith.cmpi slt, %xor3A_571, %lt3A_573 : vector<16xi32>
        %add3A_575 = arith.constant 16 : i32
        %add3A_576 = vector.broadcast %add3A_575 : i32 to vector<16xi32>
        %add3A_577 = arith.addi %xor3A_571, %add3A_576 : vector<16xi32>
        %select_n3A_578 = arith.select %lt3A_574, %add3A_577, %xor3A_571 : vector<16xi1>, vector<16xi32>
        %broadcast_in_dim3A_579 = vector.shape_cast %select_n3A_578 : vector<16xi32> to vector<16x1xi32>
        %gather3A_580 = vector.shape_cast %broadcast_in_dim3A_579 : vector<16x1xi32> to vector<16xi32>
        %gather3A_581 = tpu.dynamic_gather %add3A_540[%gather3A_580] in [0] : vector<16xf32>, vector<16xi32> -> vector<16xf32>
        %add3A_582 = arith.addf %add3A_540, %gather3A_581 : vector<16xf32>
        %xor3A_583 = arith.constant 1 : i32
        %xor3A_584 = vector.broadcast %xor3A_583 : i32 to vector<16xi32>
        %xor3A_585 = arith.xori %iota3A, %xor3A_584 : vector<16xi32>
        %lt3A_586 = arith.constant 0 : i32
        %lt3A_587 = vector.broadcast %lt3A_586 : i32 to vector<16xi32>
        %lt3A_588 = arith.cmpi slt, %xor3A_585, %lt3A_587 : vector<16xi32>
        %add3A_589 = arith.constant 16 : i32
        %add3A_590 = vector.broadcast %add3A_589 : i32 to vector<16xi32>
        %add3A_591 = arith.addi %xor3A_585, %add3A_590 : vector<16xi32>
        %select_n3A_592 = arith.select %lt3A_588, %add3A_591, %xor3A_585 : vector<16xi1>, vector<16xi32>
        %broadcast_in_dim3A_593 = vector.shape_cast %select_n3A_592 : vector<16xi32> to vector<16x1xi32>
        %gather3A_594 = vector.shape_cast %broadcast_in_dim3A_593 : vector<16x1xi32> to vector<16xi32>
        %gather3A_595 = tpu.dynamic_gather %add3A_554[%gather3A_594] in [0] : vector<16xf32>, vector<16xi32> -> vector<16xf32>
        %add3A_596 = arith.addf %add3A_554, %gather3A_595 : vector<16xf32>
        %add3A_597 = arith.addf %get3A_59, %add3A_568 : vector<16xf32>
        %exp3A = math.exp %add3A_597 : vector<16xf32>
        %add3A_598 = arith.addf %get3A_59, %add3A_582 : vector<16xf32>
        %exp3A_599 = math.exp %add3A_598 : vector<16xf32>
        %add3A_600 = arith.addf %get3A_59, %add3A_596 : vector<16xf32>
        %exp3A_601 = math.exp %add3A_600 : vector<16xf32>
        %mul3A_602 = arith.mulf %exp3A, %get3A_179 : vector<16xf32>
        %swap3A = arith.index_cast %squeeze3A : i32 to index
        %swap3A_603 = arith.constant 0 : index
        %swap3A_604 = tpu.vector_load %arg13[%swap3A, %swap3A_603] {strides = array<i32>} : memref<256x128xf32, #tpu.memory_space<vmem>>, vector<1x16xf32>,
        %swap3A_605 = vector.shape_cast %swap3A_604 : vector<1x16xf32> to vector<16xf32>
        %swap3A_606 = vector.shape_cast %mul3A_602 : vector<16xf32> to vector<1x16xf32>
        tpu.vector_store %arg13[%swap3A, %swap3A_603], %swap3A_606 {add = true, strides = array<i32>} : memref<256x128xf32, #tpu.memory_space<vmem>>, vector<1x16xf32>,
        %mul3A_607 = arith.mulf %exp3A, %get3A_188 : vector<16xf32>
        %swap3A_608 = arith.index_cast %squeeze3A : i32 to index
        %swap3A_609 = arith.constant 16 : index
        %swap3A_610 = tpu.vector_load %arg13[%swap3A_608, %swap3A_609] {strides = array<i32>} : memref<256x128xf32, #tpu.memory_space<vmem>>, vector<1x16xf32>,
        %swap3A_611 = vector.shape_cast %swap3A_610 : vector<1x16xf32> to vector<16xf32>
        %swap3A_612 = vector.shape_cast %mul3A_607 : vector<16xf32> to vector<1x16xf32>
        tpu.vector_store %arg13[%swap3A_608, %swap3A_609], %swap3A_612 {add = true, strides = array<i32>} : memref<256x128xf32, #tpu.memory_space<vmem>>, vector<1x16xf32>,
        %mul3A_613 = arith.mulf %exp3A, %get3A_197 : vector<16xf32>
        %swap3A_614 = arith.index_cast %squeeze3A : i32 to index
        %swap3A_615 = arith.constant 32 : index
        %swap3A_616 = tpu.vector_load %arg13[%swap3A_614, %swap3A_615] {strides = array<i32>} : memref<256x128xf32, #tpu.memory_space<vmem>>, vector<1x16xf32>,
        %swap3A_617 = vector.shape_cast %swap3A_616 : vector<1x16xf32> to vector<16xf32>
        %swap3A_618 = vector.shape_cast %mul3A_613 : vector<16xf32> to vector<1x16xf32>
        tpu.vector_store %arg13[%swap3A_614, %swap3A_615], %swap3A_618 {add = true, strides = array<i32>} : memref<256x128xf32, #tpu.memory_space<vmem>>, vector<1x16xf32>,
        %mul3A_619 = arith.mulf %exp3A, %get3A_206 : vector<16xf32>
        %swap3A_620 = arith.index_cast %squeeze3A : i32 to index
        %swap3A_621 = arith.constant 48 : index
        %swap3A_622 = tpu.vector_load %arg13[%swap3A_620, %swap3A_621] {strides = array<i32>} : memref<256x128xf32, #tpu.memory_space<vmem>>, vector<1x16xf32>,
        %swap3A_623 = vector.shape_cast %swap3A_622 : vector<1x16xf32> to vector<16xf32>
        %swap3A_624 = vector.shape_cast %mul3A_619 : vector<16xf32> to vector<1x16xf32>
        tpu.vector_store %arg13[%swap3A_620, %swap3A_621], %swap3A_624 {add = true, strides = array<i32>} : memref<256x128xf32, #tpu.memory_space<vmem>>, vector<1x16xf32>,
        %mul3A_625 = arith.mulf %exp3A, %get3A_215 : vector<16xf32>
        %swap3A_626 = arith.index_cast %squeeze3A : i32 to index
        %swap3A_627 = arith.constant 64 : index
        %swap3A_628 = tpu.vector_load %arg13[%swap3A_626, %swap3A_627] {strides = array<i32>} : memref<256x128xf32, #tpu.memory_space<vmem>>, vector<1x16xf32>,
        %swap3A_629 = vector.shape_cast %swap3A_628 : vector<1x16xf32> to vector<16xf32>
        %swap3A_630 = vector.shape_cast %mul3A_625 : vector<16xf32> to vector<1x16xf32>
        tpu.vector_store %arg13[%swap3A_626, %swap3A_627], %swap3A_630 {add = true, strides = array<i32>} : memref<256x128xf32, #tpu.memory_space<vmem>>, vector<1x16xf32>,
        %mul3A_631 = arith.mulf %exp3A, %get3A_224 : vector<16xf32>
        %swap3A_632 = arith.index_cast %squeeze3A : i32 to index
        %swap3A_633 = arith.constant 80 : index
        %swap3A_634 = tpu.vector_load %arg13[%swap3A_632, %swap3A_633] {strides = array<i32>} : memref<256x128xf32, #tpu.memory_space<vmem>>, vector<1x16xf32>,
        %swap3A_635 = vector.shape_cast %swap3A_634 : vector<1x16xf32> to vector<16xf32>
        %swap3A_636 = vector.shape_cast %mul3A_631 : vector<16xf32> to vector<1x16xf32>
        tpu.vector_store %arg13[%swap3A_632, %swap3A_633], %swap3A_636 {add = true, strides = array<i32>} : memref<256x128xf32, #tpu.memory_space<vmem>>, vector<1x16xf32>,
        %mul3A_637 = arith.mulf %exp3A, %get3A_233 : vector<16xf32>
        %swap3A_638 = arith.index_cast %squeeze3A : i32 to index
        %swap3A_639 = arith.constant 96 : index
        %swap3A_640 = tpu.vector_load %arg13[%swap3A_638, %swap3A_639] {strides = array<i32>} : memref<256x128xf32, #tpu.memory_space<vmem>>, vector<1x16xf32>,
        %swap3A_641 = vector.shape_cast %swap3A_640 : vector<1x16xf32> to vector<16xf32>
        %swap3A_642 = vector.shape_cast %mul3A_637 : vector<16xf32> to vector<1x16xf32>
        tpu.vector_store %arg13[%swap3A_638, %swap3A_639], %swap3A_642 {add = true, strides = array<i32>} : memref<256x128xf32, #tpu.memory_space<vmem>>, vector<1x16xf32>,
        %mul3A_643 = arith.mulf %exp3A, %get3A_242 : vector<16xf32>
        %swap3A_644 = arith.index_cast %squeeze3A : i32 to index
        %swap3A_645 = arith.constant 112 : index
        %swap3A_646 = tpu.vector_load %arg13[%swap3A_644, %swap3A_645] {strides = array<i32>} : memref<256x128xf32, #tpu.memory_space<vmem>>, vector<1x16xf32>,
        %swap3A_647 = vector.shape_cast %swap3A_646 : vector<1x16xf32> to vector<16xf32>
        %swap3A_648 = vector.shape_cast %mul3A_643 : vector<16xf32> to vector<1x16xf32>
        tpu.vector_store %arg13[%swap3A_644, %swap3A_645], %swap3A_648 {add = true, strides = array<i32>} : memref<256x128xf32, #tpu.memory_space<vmem>>, vector<1x16xf32>,
        %swap3A_649 = arith.index_cast %squeeze3A : i32 to index
        %swap3A_650 = arith.constant 0 : index
        %swap3A_651 = tpu.vector_load %arg14[%swap3A_649, %swap3A_650] {strides = array<i32>} : memref<256x16xf32, #tpu.memory_space<vmem>>, vector<1x16xf32>,
        %swap3A_652 = vector.shape_cast %swap3A_651 : vector<1x16xf32> to vector<16xf32>
        %swap3A_653 = vector.shape_cast %exp3A : vector<16xf32> to vector<1x16xf32>
        tpu.vector_store %arg14[%swap3A_649, %swap3A_650], %swap3A_653 {add = true, strides = array<i32>} : memref<256x16xf32, #tpu.memory_space<vmem>>, vector<1x16xf32>,
        %mul3A_654 = arith.mulf %exp3A_599, %get3A_251 : vector<16xf32>
        %swap3A_655 = arith.index_cast %squeeze3A_159 : i32 to index
        %swap3A_656 = arith.constant 0 : index
        %swap3A_657 = tpu.vector_load %arg13[%swap3A_655, %swap3A_656] {strides = array<i32>} : memref<256x128xf32, #tpu.memory_space<vmem>>, vector<1x16xf32>,
        %swap3A_658 = vector.shape_cast %swap3A_657 : vector<1x16xf32> to vector<16xf32>
        %swap3A_659 = vector.shape_cast %mul3A_654 : vector<16xf32> to vector<1x16xf32>
        tpu.vector_store %arg13[%swap3A_655, %swap3A_656], %swap3A_659 {add = true, strides = array<i32>} : memref<256x128xf32, #tpu.memory_space<vmem>>, vector<1x16xf32>,
        %mul3A_660 = arith.mulf %exp3A_599, %get3A_260 : vector<16xf32>
        %swap3A_661 = arith.index_cast %squeeze3A_159 : i32 to index
        %swap3A_662 = arith.constant 16 : index
        %swap3A_663 = tpu.vector_load %arg13[%swap3A_661, %swap3A_662] {strides = array<i32>} : memref<256x128xf32, #tpu.memory_space<vmem>>, vector<1x16xf32>,
        %swap3A_664 = vector.shape_cast %swap3A_663 : vector<1x16xf32> to vector<16xf32>
        %swap3A_665 = vector.shape_cast %mul3A_660 : vector<16xf32> to vector<1x16xf32>
        tpu.vector_store %arg13[%swap3A_661, %swap3A_662], %swap3A_665 {add = true, strides = array<i32>} : memref<256x128xf32, #tpu.memory_space<vmem>>, vector<1x16xf32>,
        %mul3A_666 = arith.mulf %exp3A_599, %get3A_269 : vector<16xf32>
        %swap3A_667 = arith.index_cast %squeeze3A_159 : i32 to index
        %swap3A_668 = arith.constant 32 : index
        %swap3A_669 = tpu.vector_load %arg13[%swap3A_667, %swap3A_668] {strides = array<i32>} : memref<256x128xf32, #tpu.memory_space<vmem>>, vector<1x16xf32>,
        %swap3A_670 = vector.shape_cast %swap3A_669 : vector<1x16xf32> to vector<16xf32>
        %swap3A_671 = vector.shape_cast %mul3A_666 : vector<16xf32> to vector<1x16xf32>
        tpu.vector_store %arg13[%swap3A_667, %swap3A_668], %swap3A_671 {add = true, strides = array<i32>} : memref<256x128xf32, #tpu.memory_space<vmem>>, vector<1x16xf32>,
        %mul3A_672 = arith.mulf %exp3A_599, %get3A_278 : vector<16xf32>
        %swap3A_673 = arith.index_cast %squeeze3A_159 : i32 to index
        %swap3A_674 = arith.constant 48 : index
        %swap3A_675 = tpu.vector_load %arg13[%swap3A_673, %swap3A_674] {strides = array<i32>} : memref<256x128xf32, #tpu.memory_space<vmem>>, vector<1x16xf32>,
        %swap3A_676 = vector.shape_cast %swap3A_675 : vector<1x16xf32> to vector<16xf32>
        %swap3A_677 = vector.shape_cast %mul3A_672 : vector<16xf32> to vector<1x16xf32>
        tpu.vector_store %arg13[%swap3A_673, %swap3A_674], %swap3A_677 {add = true, strides = array<i32>} : memref<256x128xf32, #tpu.memory_space<vmem>>, vector<1x16xf32>,
        %mul3A_678 = arith.mulf %exp3A_599, %get3A_287 : vector<16xf32>
        %swap3A_679 = arith.index_cast %squeeze3A_159 : i32 to index
        %swap3A_680 = arith.constant 64 : index
        %swap3A_681 = tpu.vector_load %arg13[%swap3A_679, %swap3A_680] {strides = array<i32>} : memref<256x128xf32, #tpu.memory_space<vmem>>, vector<1x16xf32>,
        %swap3A_682 = vector.shape_cast %swap3A_681 : vector<1x16xf32> to vector<16xf32>
        %swap3A_683 = vector.shape_cast %mul3A_678 : vector<16xf32> to vector<1x16xf32>
        tpu.vector_store %arg13[%swap3A_679, %swap3A_680], %swap3A_683 {add = true, strides = array<i32>} : memref<256x128xf32, #tpu.memory_space<vmem>>, vector<1x16xf32>,
        %mul3A_684 = arith.mulf %exp3A_599, %get3A_296 : vector<16xf32>
        %swap3A_685 = arith.index_cast %squeeze3A_159 : i32 to index
        %swap3A_686 = arith.constant 80 : index
        %swap3A_687 = tpu.vector_load %arg13[%swap3A_685, %swap3A_686] {strides = array<i32>} : memref<256x128xf32, #tpu.memory_space<vmem>>, vector<1x16xf32>,
        %swap3A_688 = vector.shape_cast %swap3A_687 : vector<1x16xf32> to vector<16xf32>
        %swap3A_689 = vector.shape_cast %mul3A_684 : vector<16xf32> to vector<1x16xf32>
        tpu.vector_store %arg13[%swap3A_685, %swap3A_686], %swap3A_689 {add = true, strides = array<i32>} : memref<256x128xf32, #tpu.memory_space<vmem>>, vector<1x16xf32>,
        %mul3A_690 = arith.mulf %exp3A_599, %get3A_305 : vector<16xf32>
        %swap3A_691 = arith.index_cast %squeeze3A_159 : i32 to index
        %swap3A_692 = arith.constant 96 : index
        %swap3A_693 = tpu.vector_load %arg13[%swap3A_691, %swap3A_692] {strides = array<i32>} : memref<256x128xf32, #tpu.memory_space<vmem>>, vector<1x16xf32>,
        %swap3A_694 = vector.shape_cast %swap3A_693 : vector<1x16xf32> to vector<16xf32>
        %swap3A_695 = vector.shape_cast %mul3A_690 : vector<16xf32> to vector<1x16xf32>
        tpu.vector_store %arg13[%swap3A_691, %swap3A_692], %swap3A_695 {add = true, strides = array<i32>} : memref<256x128xf32, #tpu.memory_space<vmem>>, vector<1x16xf32>,
        %mul3A_696 = arith.mulf %exp3A_599, %get3A_314 : vector<16xf32>
        %swap3A_697 = arith.index_cast %squeeze3A_159 : i32 to index
        %swap3A_698 = arith.constant 112 : index
        %swap3A_699 = tpu.vector_load %arg13[%swap3A_697, %swap3A_698] {strides = array<i32>} : memref<256x128xf32, #tpu.memory_space<vmem>>, vector<1x16xf32>,
        %swap3A_700 = vector.shape_cast %swap3A_699 : vector<1x16xf32> to vector<16xf32>
        %swap3A_701 = vector.shape_cast %mul3A_696 : vector<16xf32> to vector<1x16xf32>
        tpu.vector_store %arg13[%swap3A_697, %swap3A_698], %swap3A_701 {add = true, strides = array<i32>} : memref<256x128xf32, #tpu.memory_space<vmem>>, vector<1x16xf32>,
        %swap3A_702 = arith.index_cast %squeeze3A_159 : i32 to index
        %swap3A_703 = arith.constant 0 : index
        %swap3A_704 = tpu.vector_load %arg14[%swap3A_702, %swap3A_703] {strides = array<i32>} : memref<256x16xf32, #tpu.memory_space<vmem>>, vector<1x16xf32>,
        %swap3A_705 = vector.shape_cast %swap3A_704 : vector<1x16xf32> to vector<16xf32>
        %swap3A_706 = vector.shape_cast %exp3A_599 : vector<16xf32> to vector<1x16xf32>
        tpu.vector_store %arg14[%swap3A_702, %swap3A_703], %swap3A_706 {add = true, strides = array<i32>} : memref<256x16xf32, #tpu.memory_space<vmem>>, vector<1x16xf32>,
        %mul3A_707 = arith.mulf %exp3A_601, %get3A_323 : vector<16xf32>
        %swap3A_708 = arith.index_cast %squeeze3A_170 : i32 to index
        %swap3A_709 = arith.constant 0 : index
        %swap3A_710 = tpu.vector_load %arg13[%swap3A_708, %swap3A_709] {strides = array<i32>} : memref<256x128xf32, #tpu.memory_space<vmem>>, vector<1x16xf32>,
        %swap3A_711 = vector.shape_cast %swap3A_710 : vector<1x16xf32> to vector<16xf32>
        %swap3A_712 = vector.shape_cast %mul3A_707 : vector<16xf32> to vector<1x16xf32>
        tpu.vector_store %arg13[%swap3A_708, %swap3A_709], %swap3A_712 {add = true, strides = array<i32>} : memref<256x128xf32, #tpu.memory_space<vmem>>, vector<1x16xf32>,
        %mul3A_713 = arith.mulf %exp3A_601, %get3A_332 : vector<16xf32>
        %swap3A_714 = arith.index_cast %squeeze3A_170 : i32 to index
        %swap3A_715 = arith.constant 16 : index
        %swap3A_716 = tpu.vector_load %arg13[%swap3A_714, %swap3A_715] {strides = array<i32>} : memref<256x128xf32, #tpu.memory_space<vmem>>, vector<1x16xf32>,
        %swap3A_717 = vector.shape_cast %swap3A_716 : vector<1x16xf32> to vector<16xf32>
        %swap3A_718 = vector.shape_cast %mul3A_713 : vector<16xf32> to vector<1x16xf32>
        tpu.vector_store %arg13[%swap3A_714, %swap3A_715], %swap3A_718 {add = true, strides = array<i32>} : memref<256x128xf32, #tpu.memory_space<vmem>>, vector<1x16xf32>,
        %mul3A_719 = arith.mulf %exp3A_601, %get3A_341 : vector<16xf32>
        %swap3A_720 = arith.index_cast %squeeze3A_170 : i32 to index
        %swap3A_721 = arith.constant 32 : index
        %swap3A_722 = tpu.vector_load %arg13[%swap3A_720, %swap3A_721] {strides = array<i32>} : memref<256x128xf32, #tpu.memory_space<vmem>>, vector<1x16xf32>,
        %swap3A_723 = vector.shape_cast %swap3A_722 : vector<1x16xf32> to vector<16xf32>
        %swap3A_724 = vector.shape_cast %mul3A_719 : vector<16xf32> to vector<1x16xf32>
        tpu.vector_store %arg13[%swap3A_720, %swap3A_721], %swap3A_724 {add = true, strides = array<i32>} : memref<256x128xf32, #tpu.memory_space<vmem>>, vector<1x16xf32>,
        %mul3A_725 = arith.mulf %exp3A_601, %get3A_350 : vector<16xf32>
        %swap3A_726 = arith.index_cast %squeeze3A_170 : i32 to index
        %swap3A_727 = arith.constant 48 : index
        %swap3A_728 = tpu.vector_load %arg13[%swap3A_726, %swap3A_727] {strides = array<i32>} : memref<256x128xf32, #tpu.memory_space<vmem>>, vector<1x16xf32>,
        %swap3A_729 = vector.shape_cast %swap3A_728 : vector<1x16xf32> to vector<16xf32>
        %swap3A_730 = vector.shape_cast %mul3A_725 : vector<16xf32> to vector<1x16xf32>
        tpu.vector_store %arg13[%swap3A_726, %swap3A_727], %swap3A_730 {add = true, strides = array<i32>} : memref<256x128xf32, #tpu.memory_space<vmem>>, vector<1x16xf32>,
        %mul3A_731 = arith.mulf %exp3A_601, %get3A_359 : vector<16xf32>
        %swap3A_732 = arith.index_cast %squeeze3A_170 : i32 to index
        %swap3A_733 = arith.constant 64 : index
        %swap3A_734 = tpu.vector_load %arg13[%swap3A_732, %swap3A_733] {strides = array<i32>} : memref<256x128xf32, #tpu.memory_space<vmem>>, vector<1x16xf32>,
        %swap3A_735 = vector.shape_cast %swap3A_734 : vector<1x16xf32> to vector<16xf32>
        %swap3A_736 = vector.shape_cast %mul3A_731 : vector<16xf32> to vector<1x16xf32>
        tpu.vector_store %arg13[%swap3A_732, %swap3A_733], %swap3A_736 {add = true, strides = array<i32>} : memref<256x128xf32, #tpu.memory_space<vmem>>, vector<1x16xf32>,
        %mul3A_737 = arith.mulf %exp3A_601, %get3A_368 : vector<16xf32>
        %swap3A_738 = arith.index_cast %squeeze3A_170 : i32 to index
        %swap3A_739 = arith.constant 80 : index
        %swap3A_740 = tpu.vector_load %arg13[%swap3A_738, %swap3A_739] {strides = array<i32>} : memref<256x128xf32, #tpu.memory_space<vmem>>, vector<1x16xf32>,
        %swap3A_741 = vector.shape_cast %swap3A_740 : vector<1x16xf32> to vector<16xf32>
        %swap3A_742 = vector.shape_cast %mul3A_737 : vector<16xf32> to vector<1x16xf32>
        tpu.vector_store %arg13[%swap3A_738, %swap3A_739], %swap3A_742 {add = true, strides = array<i32>} : memref<256x128xf32, #tpu.memory_space<vmem>>, vector<1x16xf32>,
        %mul3A_743 = arith.mulf %exp3A_601, %get3A_377 : vector<16xf32>
        %swap3A_744 = arith.index_cast %squeeze3A_170 : i32 to index
        %swap3A_745 = arith.constant 96 : index
        %swap3A_746 = tpu.vector_load %arg13[%swap3A_744, %swap3A_745] {strides = array<i32>} : memref<256x128xf32, #tpu.memory_space<vmem>>, vector<1x16xf32>,
        %swap3A_747 = vector.shape_cast %swap3A_746 : vector<1x16xf32> to vector<16xf32>
        %swap3A_748 = vector.shape_cast %mul3A_743 : vector<16xf32> to vector<1x16xf32>
        tpu.vector_store %arg13[%swap3A_744, %swap3A_745], %swap3A_748 {add = true, strides = array<i32>} : memref<256x128xf32, #tpu.memory_space<vmem>>, vector<1x16xf32>,
        %mul3A_749 = arith.mulf %exp3A_601, %get3A_386 : vector<16xf32>
        %swap3A_750 = arith.index_cast %squeeze3A_170 : i32 to index
        %swap3A_751 = arith.constant 112 : index
        %swap3A_752 = tpu.vector_load %arg13[%swap3A_750, %swap3A_751] {strides = array<i32>} : memref<256x128xf32, #tpu.memory_space<vmem>>, vector<1x16xf32>,
        %swap3A_753 = vector.shape_cast %swap3A_752 : vector<1x16xf32> to vector<16xf32>
        %swap3A_754 = vector.shape_cast %mul3A_749 : vector<16xf32> to vector<1x16xf32>
        tpu.vector_store %arg13[%swap3A_750, %swap3A_751], %swap3A_754 {add = true, strides = array<i32>} : memref<256x128xf32, #tpu.memory_space<vmem>>, vector<1x16xf32>,
        %swap3A_755 = arith.index_cast %squeeze3A_170 : i32 to index
        %swap3A_756 = arith.constant 0 : index
        %swap3A_757 = tpu.vector_load %arg14[%swap3A_755, %swap3A_756] {strides = array<i32>} : memref<256x16xf32, #tpu.memory_space<vmem>>, vector<1x16xf32>,
        %swap3A_758 = vector.shape_cast %swap3A_757 : vector<1x16xf32> to vector<16xf32>
        %swap3A_759 = vector.shape_cast %exp3A_601 : vector<16xf32> to vector<1x16xf32>
        tpu.vector_store %arg14[%swap3A_755, %swap3A_756], %swap3A_759 {add = true, strides = array<i32>} : memref<256x16xf32, #tpu.memory_space<vmem>>, vector<1x16xf32>,
      }
      %scan3A_110 = arith.constant 25 : i32
      %add3A_111 = arith.constant 2 : i32
      %add3A_112 = arith.addi %mul3A_88, %add3A_111 : i32
      %mul3A_113 = arith.constant 75 : i32
      %mul3A_114 = arith.muli %add3A_112, %mul3A_113 : i32
      %add3A_115 = arith.addi %mul3A_2, %mul3A_114 : i32
      %mul3A_116 = arith.constant 128 : i32
      %mul3A_117 = arith.muli %add3A_115, %mul3A_116 : i32
      %dma_start3A_118 = tpu.memref_slice %arg2[%mul3A_117] : memref<12800000xf32, #tpu.memory_space<hbm>> -> memref<9600xf32, #tpu.memory_space<hbm>>
      %dma_start3A_119 = tpu.memref_slice %arg2[%mul3A_117] : memref<12800000xf32, #tpu.memory_space<hbm>> -> memref<9600xf32, #tpu.memory_space<hbm>>
      tpu.enqueue_dma source(%dma_start3A_119 : memref<9600xf32, #tpu.memory_space<hbm>>) target(%arg8 : memref<9600xf32, #tpu.memory_space<vmem>>) target_semaphore(%arg15 : memref<!tpu.dma_semaphore, #tpu.memory_space<semaphore_mem>>)
      %add3A_120 = arith.constant 1 : i32
      %add3A_121 = arith.addi %mul3A_88, %add3A_120 : i32
      %mul3A_122 = arith.constant 75 : i32
      %mul3A_123 = arith.muli %add3A_121, %mul3A_122 : i32
      %add3A_124 = arith.addi %mul3A_2, %mul3A_123 : i32
      %mul3A_125 = arith.constant 128 : i32
      %mul3A_126 = arith.muli %add3A_124, %mul3A_125 : i32
      %dma_wait3A_127 = tpu.memref_slice %arg2[%mul3A_126] : memref<12800000xf32, #tpu.memory_space<hbm>> -> memref<9600xf32, #tpu.memory_space<hbm>>
      %dma_wait3A_128 = tpu.memref_slice %arg2[%mul3A_126] : memref<12800000xf32, #tpu.memory_space<hbm>> -> memref<9600xf32, #tpu.memory_space<hbm>>
      tpu.wait_dma2 semaphore(%arg16 : memref<!tpu.dma_semaphore, #tpu.memory_space<semaphore_mem>>) src(%dma_wait3A_128 : memref<9600xf32, #tpu.memory_space<hbm>>) dst(%arg9 : memref<9600xf32, #tpu.memory_space<vmem>>)
      %add3A_129 = arith.constant 1 : i32
      %add3A_130 = arith.addi %mul3A_88, %add3A_129 : i32
      %scan3A_131 = arith.constant 0 : i32
      %scan3A_132 = arith.constant 0 : i32
      %scan3A_133 = arith.constant 25 : i32
      %scan3A_134 = arith.addi %scan3A_132, %scan3A_133 : i32
      %scan3A_135 = arith.constant 1 : i32
      scf.for %scan3A_137 = %scan3A_132 to %scan3A_134 step %scan3A_135  : i32 {
        %mul3A_138 = arith.constant 3 : i32
        %mul3A_139 = arith.muli %scan3A_137, %mul3A_138 : i32
        %mul3A_140 = arith.constant 75 : i32
        %mul3A_141 = arith.muli %add3A_130, %mul3A_140 : i32
        %add3A_142 = arith.addi %sub3A_21, %mul3A_141 : i32
        %add3A_143 = arith.addi %add3A_142, %mul3A_139 : i32
        %add3A_144 = arith.constant 0 : i32
        %add3A_145 = arith.addi %add3A_143, %add3A_144 : i32
        %get3A_146 = arith.index_cast %add3A_145 : i32 to index
        %get3A_147 = tpu.vector_load %arg12[%get3A_146] {strides = array<i32>} : memref<1152xi32, #tpu.memory_space<vmem>>, vector<16xi32>,
        %get3A_148 = vector.shape_cast %get3A_147 : vector<16xi32> to vector<16xi32>
        %slice3A = vector.extract_strided_slice %get3A_148 {offsets = [0], sizes = [1], strides = [1]} : vector<16xi32> to vector<1xi32>
        %squeeze3A = vector.extract %slice3A[0] : i32 from vector<1xi32>
        %mul3A_149 = arith.constant 75 : i32
        %mul3A_150 = arith.muli %add3A_130, %mul3A_149 : i32
        %add3A_151 = arith.addi %sub3A_21, %mul3A_150 : i32
        %add3A_152 = arith.addi %add3A_151, %mul3A_139 : i32
        %add3A_153 = arith.constant 1 : i32
        %add3A_154 = arith.addi %add3A_152, %add3A_153 : i32
        %get3A_155 = arith.index_cast %add3A_154 : i32 to index
        %get3A_156 = tpu.vector_load %arg12[%get3A_155] {strides = array<i32>} : memref<1152xi32, #tpu.memory_space<vmem>>, vector<16xi32>,
        %get3A_157 = vector.shape_cast %get3A_156 : vector<16xi32> to vector<16xi32>
        %slice3A_158 = vector.extract_strided_slice %get3A_157 {offsets = [0], sizes = [1], strides = [1]} : vector<16xi32> to vector<1xi32>
        %squeeze3A_159 = vector.extract %slice3A_158[0] : i32 from vector<1xi32>
        %mul3A_160 = arith.constant 75 : i32
        %mul3A_161 = arith.muli %add3A_130, %mul3A_160 : i32
        %add3A_162 = arith.addi %sub3A_21, %mul3A_161 : i32
        %add3A_163 = arith.addi %add3A_162, %mul3A_139 : i32
        %add3A_164 = arith.constant 2 : i32
        %add3A_165 = arith.addi %add3A_163, %add3A_164 : i32
        %get3A_166 = arith.index_cast %add3A_165 : i32 to index
        %get3A_167 = tpu.vector_load %arg12[%get3A_166] {strides = array<i32>} : memref<1152xi32, #tpu.memory_space<vmem>>, vector<16xi32>,
        %get3A_168 = vector.shape_cast %get3A_167 : vector<16xi32> to vector<16xi32>
        %slice3A_169 = vector.extract_strided_slice %get3A_168 {offsets = [0], sizes = [1], strides = [1]} : vector<16xi32> to vector<1xi32>
        %squeeze3A_170 = vector.extract %slice3A_169[0] : i32 from vector<1xi32>
        %add3A_171 = arith.constant 0 : i32
        %add3A_172 = arith.addi %mul3A_139, %add3A_171 : i32
        %mul3A_173 = arith.constant 128 : i32
        %mul3A_174 = arith.muli %add3A_172, %mul3A_173 : i32
        %add3A_175 = arith.constant 0 : i32
        %add3A_176 = arith.addi %mul3A_174, %add3A_175 : i32
        %get3A_177 = arith.index_cast %add3A_176 : i32 to index
        %get3A_178 = tpu.vector_load %arg9[%get3A_177] {strides = array<i32>} : memref<9600xf32, #tpu.memory_space<vmem>>, vector<16xf32>,
        %get3A_179 = vector.shape_cast %get3A_178 : vector<16xf32> to vector<16xf32>
        %add3A_180 = arith.constant 0 : i32
        %add3A_181 = arith.addi %mul3A_139, %add3A_180 : i32
        %mul3A_182 = arith.constant 128 : i32
        %mul3A_183 = arith.muli %add3A_181, %mul3A_182 : i32
        %add3A_184 = arith.constant 16 : i32
        %add3A_185 = arith.addi %mul3A_183, %add3A_184 : i32
        %get3A_186 = arith.index_cast %add3A_185 : i32 to index
        %get3A_187 = tpu.vector_load %arg9[%get3A_186] {strides = array<i32>} : memref<9600xf32, #tpu.memory_space<vmem>>, vector<16xf32>,
        %get3A_188 = vector.shape_cast %get3A_187 : vector<16xf32> to vector<16xf32>
        %add3A_189 = arith.constant 0 : i32
        %add3A_190 = arith.addi %mul3A_139, %add3A_189 : i32
        %mul3A_191 = arith.constant 128 : i32
        %mul3A_192 = arith.muli %add3A_190, %mul3A_191 : i32
        %add3A_193 = arith.constant 32 : i32
        %add3A_194 = arith.addi %mul3A_192, %add3A_193 : i32
        %get3A_195 = arith.index_cast %add3A_194 : i32 to index
        %get3A_196 = tpu.vector_load %arg9[%get3A_195] {strides = array<i32>} : memref<9600xf32, #tpu.memory_space<vmem>>, vector<16xf32>,
        %get3A_197 = vector.shape_cast %get3A_196 : vector<16xf32> to vector<16xf32>
        %add3A_198 = arith.constant 0 : i32
        %add3A_199 = arith.addi %mul3A_139, %add3A_198 : i32
        %mul3A_200 = arith.constant 128 : i32
        %mul3A_201 = arith.muli %add3A_199, %mul3A_200 : i32
        %add3A_202 = arith.constant 48 : i32
        %add3A_203 = arith.addi %mul3A_201, %add3A_202 : i32
        %get3A_204 = arith.index_cast %add3A_203 : i32 to index
        %get3A_205 = tpu.vector_load %arg9[%get3A_204] {strides = array<i32>} : memref<9600xf32, #tpu.memory_space<vmem>>, vector<16xf32>,
        %get3A_206 = vector.shape_cast %get3A_205 : vector<16xf32> to vector<16xf32>
        %add3A_207 = arith.constant 0 : i32
        %add3A_208 = arith.addi %mul3A_139, %add3A_207 : i32
        %mul3A_209 = arith.constant 128 : i32
        %mul3A_210 = arith.muli %add3A_208, %mul3A_209 : i32
        %add3A_211 = arith.constant 64 : i32
        %add3A_212 = arith.addi %mul3A_210, %add3A_211 : i32
        %get3A_213 = arith.index_cast %add3A_212 : i32 to index
        %get3A_214 = tpu.vector_load %arg9[%get3A_213] {strides = array<i32>} : memref<9600xf32, #tpu.memory_space<vmem>>, vector<16xf32>,
        %get3A_215 = vector.shape_cast %get3A_214 : vector<16xf32> to vector<16xf32>
        %add3A_216 = arith.constant 0 : i32
        %add3A_217 = arith.addi %mul3A_139, %add3A_216 : i32
        %mul3A_218 = arith.constant 128 : i32
        %mul3A_219 = arith.muli %add3A_217, %mul3A_218 : i32
        %add3A_220 = arith.constant 80 : i32
        %add3A_221 = arith.addi %mul3A_219, %add3A_220 : i32
        %get3A_222 = arith.index_cast %add3A_221 : i32 to index
        %get3A_223 = tpu.vector_load %arg9[%get3A_222] {strides = array<i32>} : memref<9600xf32, #tpu.memory_space<vmem>>, vector<16xf32>,
        %get3A_224 = vector.shape_cast %get3A_223 : vector<16xf32> to vector<16xf32>
        %add3A_225 = arith.constant 0 : i32
        %add3A_226 = arith.addi %mul3A_139, %add3A_225 : i32
        %mul3A_227 = arith.constant 128 : i32
        %mul3A_228 = arith.muli %add3A_226, %mul3A_227 : i32
        %add3A_229 = arith.constant 96 : i32
        %add3A_230 = arith.addi %mul3A_228, %add3A_229 : i32
        %get3A_231 = arith.index_cast %add3A_230 : i32 to index
        %get3A_232 = tpu.vector_load %arg9[%get3A_231] {strides = array<i32>} : memref<9600xf32, #tpu.memory_space<vmem>>, vector<16xf32>,
        %get3A_233 = vector.shape_cast %get3A_232 : vector<16xf32> to vector<16xf32>
        %add3A_234 = arith.constant 0 : i32
        %add3A_235 = arith.addi %mul3A_139, %add3A_234 : i32
        %mul3A_236 = arith.constant 128 : i32
        %mul3A_237 = arith.muli %add3A_235, %mul3A_236 : i32
        %add3A_238 = arith.constant 112 : i32
        %add3A_239 = arith.addi %mul3A_237, %add3A_238 : i32
        %get3A_240 = arith.index_cast %add3A_239 : i32 to index
        %get3A_241 = tpu.vector_load %arg9[%get3A_240] {strides = array<i32>} : memref<9600xf32, #tpu.memory_space<vmem>>, vector<16xf32>,
        %get3A_242 = vector.shape_cast %get3A_241 : vector<16xf32> to vector<16xf32>
        %add3A_243 = arith.constant 1 : i32
        %add3A_244 = arith.addi %mul3A_139, %add3A_243 : i32
        %mul3A_245 = arith.constant 128 : i32
        %mul3A_246 = arith.muli %add3A_244, %mul3A_245 : i32
        %add3A_247 = arith.constant 0 : i32
        %add3A_248 = arith.addi %mul3A_246, %add3A_247 : i32
        %get3A_249 = arith.index_cast %add3A_248 : i32 to index
        %get3A_250 = tpu.vector_load %arg9[%get3A_249] {strides = array<i32>} : memref<9600xf32, #tpu.memory_space<vmem>>, vector<16xf32>,
        %get3A_251 = vector.shape_cast %get3A_250 : vector<16xf32> to vector<16xf32>
        %add3A_252 = arith.constant 1 : i32
        %add3A_253 = arith.addi %mul3A_139, %add3A_252 : i32
        %mul3A_254 = arith.constant 128 : i32
        %mul3A_255 = arith.muli %add3A_253, %mul3A_254 : i32
        %add3A_256 = arith.constant 16 : i32
        %add3A_257 = arith.addi %mul3A_255, %add3A_256 : i32
        %get3A_258 = arith.index_cast %add3A_257 : i32 to index
        %get3A_259 = tpu.vector_load %arg9[%get3A_258] {strides = array<i32>} : memref<9600xf32, #tpu.memory_space<vmem>>, vector<16xf32>,
        %get3A_260 = vector.shape_cast %get3A_259 : vector<16xf32> to vector<16xf32>
        %add3A_261 = arith.constant 1 : i32
        %add3A_262 = arith.addi %mul3A_139, %add3A_261 : i32
        %mul3A_263 = arith.constant 128 : i32
        %mul3A_264 = arith.muli %add3A_262, %mul3A_263 : i32
        %add3A_265 = arith.constant 32 : i32
        %add3A_266 = arith.addi %mul3A_264, %add3A_265 : i32
        %get3A_267 = arith.index_cast %add3A_266 : i32 to index
        %get3A_268 = tpu.vector_load %arg9[%get3A_267] {strides = array<i32>} : memref<9600xf32, #tpu.memory_space<vmem>>, vector<16xf32>,
        %get3A_269 = vector.shape_cast %get3A_268 : vector<16xf32> to vector<16xf32>
        %add3A_270 = arith.constant 1 : i32
        %add3A_271 = arith.addi %mul3A_139, %add3A_270 : i32
        %mul3A_272 = arith.constant 128 : i32
        %mul3A_273 = arith.muli %add3A_271, %mul3A_272 : i32
        %add3A_274 = arith.constant 48 : i32
        %add3A_275 = arith.addi %mul3A_273, %add3A_274 : i32
        %get3A_276 = arith.index_cast %add3A_275 : i32 to index
        %get3A_277 = tpu.vector_load %arg9[%get3A_276] {strides = array<i32>} : memref<9600xf32, #tpu.memory_space<vmem>>, vector<16xf32>,
        %get3A_278 = vector.shape_cast %get3A_277 : vector<16xf32> to vector<16xf32>
        %add3A_279 = arith.constant 1 : i32
        %add3A_280 = arith.addi %mul3A_139, %add3A_279 : i32
        %mul3A_281 = arith.constant 128 : i32
        %mul3A_282 = arith.muli %add3A_280, %mul3A_281 : i32
        %add3A_283 = arith.constant 64 : i32
        %add3A_284 = arith.addi %mul3A_282, %add3A_283 : i32
        %get3A_285 = arith.index_cast %add3A_284 : i32 to index
        %get3A_286 = tpu.vector_load %arg9[%get3A_285] {strides = array<i32>} : memref<9600xf32, #tpu.memory_space<vmem>>, vector<16xf32>,
        %get3A_287 = vector.shape_cast %get3A_286 : vector<16xf32> to vector<16xf32>
        %add3A_288 = arith.constant 1 : i32
        %add3A_289 = arith.addi %mul3A_139, %add3A_288 : i32
        %mul3A_290 = arith.constant 128 : i32
        %mul3A_291 = arith.muli %add3A_289, %mul3A_290 : i32
        %add3A_292 = arith.constant 80 : i32
        %add3A_293 = arith.addi %mul3A_291, %add3A_292 : i32
        %get3A_294 = arith.index_cast %add3A_293 : i32 to index
        %get3A_295 = tpu.vector_load %arg9[%get3A_294] {strides = array<i32>} : memref<9600xf32, #tpu.memory_space<vmem>>, vector<16xf32>,
        %get3A_296 = vector.shape_cast %get3A_295 : vector<16xf32> to vector<16xf32>
        %add3A_297 = arith.constant 1 : i32
        %add3A_298 = arith.addi %mul3A_139, %add3A_297 : i32
        %mul3A_299 = arith.constant 128 : i32
        %mul3A_300 = arith.muli %add3A_298, %mul3A_299 : i32
        %add3A_301 = arith.constant 96 : i32
        %add3A_302 = arith.addi %mul3A_300, %add3A_301 : i32
        %get3A_303 = arith.index_cast %add3A_302 : i32 to index
        %get3A_304 = tpu.vector_load %arg9[%get3A_303] {strides = array<i32>} : memref<9600xf32, #tpu.memory_space<vmem>>, vector<16xf32>,
        %get3A_305 = vector.shape_cast %get3A_304 : vector<16xf32> to vector<16xf32>
        %add3A_306 = arith.constant 1 : i32
        %add3A_307 = arith.addi %mul3A_139, %add3A_306 : i32
        %mul3A_308 = arith.constant 128 : i32
        %mul3A_309 = arith.muli %add3A_307, %mul3A_308 : i32
        %add3A_310 = arith.constant 112 : i32
        %add3A_311 = arith.addi %mul3A_309, %add3A_310 : i32
        %get3A_312 = arith.index_cast %add3A_311 : i32 to index
        %get3A_313 = tpu.vector_load %arg9[%get3A_312] {strides = array<i32>} : memref<9600xf32, #tpu.memory_space<vmem>>, vector<16xf32>,
        %get3A_314 = vector.shape_cast %get3A_313 : vector<16xf32> to vector<16xf32>
        %add3A_315 = arith.constant 2 : i32
        %add3A_316 = arith.addi %mul3A_139, %add3A_315 : i32
        %mul3A_317 = arith.constant 128 : i32
        %mul3A_318 = arith.muli %add3A_316, %mul3A_317 : i32
        %add3A_319 = arith.constant 0 : i32
        %add3A_320 = arith.addi %mul3A_318, %add3A_319 : i32
        %get3A_321 = arith.index_cast %add3A_320 : i32 to index
        %get3A_322 = tpu.vector_load %arg9[%get3A_321] {strides = array<i32>} : memref<9600xf32, #tpu.memory_space<vmem>>, vector<16xf32>,
        %get3A_323 = vector.shape_cast %get3A_322 : vector<16xf32> to vector<16xf32>
        %add3A_324 = arith.constant 2 : i32
        %add3A_325 = arith.addi %mul3A_139, %add3A_324 : i32
        %mul3A_326 = arith.constant 128 : i32
        %mul3A_327 = arith.muli %add3A_325, %mul3A_326 : i32
        %add3A_328 = arith.constant 16 : i32
        %add3A_329 = arith.addi %mul3A_327, %add3A_328 : i32
        %get3A_330 = arith.index_cast %add3A_329 : i32 to index
        %get3A_331 = tpu.vector_load %arg9[%get3A_330] {strides = array<i32>} : memref<9600xf32, #tpu.memory_space<vmem>>, vector<16xf32>,
        %get3A_332 = vector.shape_cast %get3A_331 : vector<16xf32> to vector<16xf32>
        %add3A_333 = arith.constant 2 : i32
        %add3A_334 = arith.addi %mul3A_139, %add3A_333 : i32
        %mul3A_335 = arith.constant 128 : i32
        %mul3A_336 = arith.muli %add3A_334, %mul3A_335 : i32
        %add3A_337 = arith.constant 32 : i32
        %add3A_338 = arith.addi %mul3A_336, %add3A_337 : i32
        %get3A_339 = arith.index_cast %add3A_338 : i32 to index
        %get3A_340 = tpu.vector_load %arg9[%get3A_339] {strides = array<i32>} : memref<9600xf32, #tpu.memory_space<vmem>>, vector<16xf32>,
        %get3A_341 = vector.shape_cast %get3A_340 : vector<16xf32> to vector<16xf32>
        %add3A_342 = arith.constant 2 : i32
        %add3A_343 = arith.addi %mul3A_139, %add3A_342 : i32
        %mul3A_344 = arith.constant 128 : i32
        %mul3A_345 = arith.muli %add3A_343, %mul3A_344 : i32
        %add3A_346 = arith.constant 48 : i32
        %add3A_347 = arith.addi %mul3A_345, %add3A_346 : i32
        %get3A_348 = arith.index_cast %add3A_347 : i32 to index
        %get3A_349 = tpu.vector_load %arg9[%get3A_348] {strides = array<i32>} : memref<9600xf32, #tpu.memory_space<vmem>>, vector<16xf32>,
        %get3A_350 = vector.shape_cast %get3A_349 : vector<16xf32> to vector<16xf32>
        %add3A_351 = arith.constant 2 : i32
        %add3A_352 = arith.addi %mul3A_139, %add3A_351 : i32
        %mul3A_353 = arith.constant 128 : i32
        %mul3A_354 = arith.muli %add3A_352, %mul3A_353 : i32
        %add3A_355 = arith.constant 64 : i32
        %add3A_356 = arith.addi %mul3A_354, %add3A_355 : i32
        %get3A_357 = arith.index_cast %add3A_356 : i32 to index
        %get3A_358 = tpu.vector_load %arg9[%get3A_357] {strides = array<i32>} : memref<9600xf32, #tpu.memory_space<vmem>>, vector<16xf32>,
        %get3A_359 = vector.shape_cast %get3A_358 : vector<16xf32> to vector<16xf32>
        %add3A_360 = arith.constant 2 : i32
        %add3A_361 = arith.addi %mul3A_139, %add3A_360 : i32
        %mul3A_362 = arith.constant 128 : i32
        %mul3A_363 = arith.muli %add3A_361, %mul3A_362 : i32
        %add3A_364 = arith.constant 80 : i32
        %add3A_365 = arith.addi %mul3A_363, %add3A_364 : i32
        %get3A_366 = arith.index_cast %add3A_365 : i32 to index
        %get3A_367 = tpu.vector_load %arg9[%get3A_366] {strides = array<i32>} : memref<9600xf32, #tpu.memory_space<vmem>>, vector<16xf32>,
        %get3A_368 = vector.shape_cast %get3A_367 : vector<16xf32> to vector<16xf32>
        %add3A_369 = arith.constant 2 : i32
        %add3A_370 = arith.addi %mul3A_139, %add3A_369 : i32
        %mul3A_371 = arith.constant 128 : i32
        %mul3A_372 = arith.muli %add3A_370, %mul3A_371 : i32
        %add3A_373 = arith.constant 96 : i32
        %add3A_374 = arith.addi %mul3A_372, %add3A_373 : i32
        %get3A_375 = arith.index_cast %add3A_374 : i32 to index
        %get3A_376 = tpu.vector_load %arg9[%get3A_375] {strides = array<i32>} : memref<9600xf32, #tpu.memory_space<vmem>>, vector<16xf32>,
        %get3A_377 = vector.shape_cast %get3A_376 : vector<16xf32> to vector<16xf32>
        %add3A_378 = arith.constant 2 : i32
        %add3A_379 = arith.addi %mul3A_139, %add3A_378 : i32
        %mul3A_380 = arith.constant 128 : i32
        %mul3A_381 = arith.muli %add3A_379, %mul3A_380 : i32
        %add3A_382 = arith.constant 112 : i32
        %add3A_383 = arith.addi %mul3A_381, %add3A_382 : i32
        %get3A_384 = arith.index_cast %add3A_383 : i32 to index
        %get3A_385 = tpu.vector_load %arg9[%get3A_384] {strides = array<i32>} : memref<9600xf32, #tpu.memory_space<vmem>>, vector<16xf32>,
        %get3A_386 = vector.shape_cast %get3A_385 : vector<16xf32> to vector<16xf32>
        %mul3A_387 = arith.mulf %get3A_179, %get3A_35 : vector<16xf32>
        %mul3A_388 = arith.mulf %get3A_188, %get3A_38 : vector<16xf32>
        %mul3A_389 = arith.mulf %get3A_197, %get3A_41 : vector<16xf32>
        %mul3A_390 = arith.mulf %get3A_206, %get3A_44 : vector<16xf32>
        %mul3A_391 = arith.mulf %get3A_215, %get3A_47 : vector<16xf32>
        %mul3A_392 = arith.mulf %get3A_224, %get3A_50 : vector<16xf32>
        %mul3A_393 = arith.mulf %get3A_233, %get3A_53 : vector<16xf32>
        %mul3A_394 = arith.mulf %get3A_242, %get3A_56 : vector<16xf32>
        %add3A_395 = arith.addf %mul3A_387, %mul3A_388 : vector<16xf32>
        %add3A_396 = arith.addf %mul3A_389, %mul3A_390 : vector<16xf32>
        %add3A_397 = arith.addf %mul3A_391, %mul3A_392 : vector<16xf32>
        %add3A_398 = arith.addf %mul3A_393, %mul3A_394 : vector<16xf32>
        %add3A_399 = arith.addf %add3A_395, %add3A_396 : vector<16xf32>
        %add3A_400 = arith.addf %add3A_397, %add3A_398 : vector<16xf32>
        %add3A_401 = arith.addf %add3A_399, %add3A_400 : vector<16xf32>
        %mul3A_402 = arith.mulf %get3A_251, %get3A_35 : vector<16xf32>
        %mul3A_403 = arith.mulf %get3A_260, %get3A_38 : vector<16xf32>
        %mul3A_404 = arith.mulf %get3A_269, %get3A_41 : vector<16xf32>
        %mul3A_405 = arith.mulf %get3A_278, %get3A_44 : vector<16xf32>
        %mul3A_406 = arith.mulf %get3A_287, %get3A_47 : vector<16xf32>
        %mul3A_407 = arith.mulf %get3A_296, %get3A_50 : vector<16xf32>
        %mul3A_408 = arith.mulf %get3A_305, %get3A_53 : vector<16xf32>
        %mul3A_409 = arith.mulf %get3A_314, %get3A_56 : vector<16xf32>
        %add3A_410 = arith.addf %mul3A_402, %mul3A_403 : vector<16xf32>
        %add3A_411 = arith.addf %mul3A_404, %mul3A_405 : vector<16xf32>
        %add3A_412 = arith.addf %mul3A_406, %mul3A_407 : vector<16xf32>
        %add3A_413 = arith.addf %mul3A_408, %mul3A_409 : vector<16xf32>
        %add3A_414 = arith.addf %add3A_410, %add3A_411 : vector<16xf32>
        %add3A_415 = arith.addf %add3A_412, %add3A_413 : vector<16xf32>
        %add3A_416 = arith.addf %add3A_414, %add3A_415 : vector<16xf32>
        %mul3A_417 = arith.mulf %get3A_323, %get3A_35 : vector<16xf32>
        %mul3A_418 = arith.mulf %get3A_332, %get3A_38 : vector<16xf32>
        %mul3A_419 = arith.mulf %get3A_341, %get3A_41 : vector<16xf32>
        %mul3A_420 = arith.mulf %get3A_350, %get3A_44 : vector<16xf32>
        %mul3A_421 = arith.mulf %get3A_359, %get3A_47 : vector<16xf32>
        %mul3A_422 = arith.mulf %get3A_368, %get3A_50 : vector<16xf32>
        %mul3A_423 = arith.mulf %get3A_377, %get3A_53 : vector<16xf32>
        %mul3A_424 = arith.mulf %get3A_386, %get3A_56 : vector<16xf32>
        %add3A_425 = arith.addf %mul3A_417, %mul3A_418 : vector<16xf32>
        %add3A_426 = arith.addf %mul3A_419, %mul3A_420 : vector<16xf32>
        %add3A_427 = arith.addf %mul3A_421, %mul3A_422 : vector<16xf32>
        %add3A_428 = arith.addf %mul3A_423, %mul3A_424 : vector<16xf32>
        %add3A_429 = arith.addf %add3A_425, %add3A_426 : vector<16xf32>
        %add3A_430 = arith.addf %add3A_427, %add3A_428 : vector<16xf32>
        %add3A_431 = arith.addf %add3A_429, %add3A_430 : vector<16xf32>
        %xor3A = arith.constant 8 : i32
        %xor3A_432 = vector.broadcast %xor3A : i32 to vector<16xi32>
        %xor3A_433 = arith.xori %iota3A, %xor3A_432 : vector<16xi32>
        %lt3A = arith.constant 0 : i32
        %lt3A_434 = vector.broadcast %lt3A : i32 to vector<16xi32>
        %lt3A_435 = arith.cmpi slt, %xor3A_433, %lt3A_434 : vector<16xi32>
        %add3A_436 = arith.constant 16 : i32
        %add3A_437 = vector.broadcast %add3A_436 : i32 to vector<16xi32>
        %add3A_438 = arith.addi %xor3A_433, %add3A_437 : vector<16xi32>
        %select_n3A_439 = arith.select %lt3A_435, %add3A_438, %xor3A_433 : vector<16xi1>, vector<16xi32>
        %broadcast_in_dim3A_440 = vector.shape_cast %select_n3A_439 : vector<16xi32> to vector<16x1xi32>
        %gather3A = vector.shape_cast %broadcast_in_dim3A_440 : vector<16x1xi32> to vector<16xi32>
        %gather3A_441 = tpu.dynamic_gather %add3A_401[%gather3A] in [0] : vector<16xf32>, vector<16xi32> -> vector<16xf32>
        %add3A_442 = arith.addf %add3A_401, %gather3A_441 : vector<16xf32>
        %xor3A_443 = arith.constant 8 : i32
        %xor3A_444 = vector.broadcast %xor3A_443 : i32 to vector<16xi32>
        %xor3A_445 = arith.xori %iota3A, %xor3A_444 : vector<16xi32>
        %lt3A_446 = arith.constant 0 : i32
        %lt3A_447 = vector.broadcast %lt3A_446 : i32 to vector<16xi32>
        %lt3A_448 = arith.cmpi slt, %xor3A_445, %lt3A_447 : vector<16xi32>
        %add3A_449 = arith.constant 16 : i32
        %add3A_450 = vector.broadcast %add3A_449 : i32 to vector<16xi32>
        %add3A_451 = arith.addi %xor3A_445, %add3A_450 : vector<16xi32>
        %select_n3A_452 = arith.select %lt3A_448, %add3A_451, %xor3A_445 : vector<16xi1>, vector<16xi32>
        %broadcast_in_dim3A_453 = vector.shape_cast %select_n3A_452 : vector<16xi32> to vector<16x1xi32>
        %gather3A_454 = vector.shape_cast %broadcast_in_dim3A_453 : vector<16x1xi32> to vector<16xi32>
        %gather3A_455 = tpu.dynamic_gather %add3A_416[%gather3A_454] in [0] : vector<16xf32>, vector<16xi32> -> vector<16xf32>
        %add3A_456 = arith.addf %add3A_416, %gather3A_455 : vector<16xf32>
        %xor3A_457 = arith.constant 8 : i32
        %xor3A_458 = vector.broadcast %xor3A_457 : i32 to vector<16xi32>
        %xor3A_459 = arith.xori %iota3A, %xor3A_458 : vector<16xi32>
        %lt3A_460 = arith.constant 0 : i32
        %lt3A_461 = vector.broadcast %lt3A_460 : i32 to vector<16xi32>
        %lt3A_462 = arith.cmpi slt, %xor3A_459, %lt3A_461 : vector<16xi32>
        %add3A_463 = arith.constant 16 : i32
        %add3A_464 = vector.broadcast %add3A_463 : i32 to vector<16xi32>
        %add3A_465 = arith.addi %xor3A_459, %add3A_464 : vector<16xi32>
        %select_n3A_466 = arith.select %lt3A_462, %add3A_465, %xor3A_459 : vector<16xi1>, vector<16xi32>
        %broadcast_in_dim3A_467 = vector.shape_cast %select_n3A_466 : vector<16xi32> to vector<16x1xi32>
        %gather3A_468 = vector.shape_cast %broadcast_in_dim3A_467 : vector<16x1xi32> to vector<16xi32>
        %gather3A_469 = tpu.dynamic_gather %add3A_431[%gather3A_468] in [0] : vector<16xf32>, vector<16xi32> -> vector<16xf32>
        %add3A_470 = arith.addf %add3A_431, %gather3A_469 : vector<16xf32>
        %xor3A_471 = arith.constant 4 : i32
        %xor3A_472 = vector.broadcast %xor3A_471 : i32 to vector<16xi32>
        %xor3A_473 = arith.xori %iota3A, %xor3A_472 : vector<16xi32>
        %lt3A_474 = arith.constant 0 : i32
        %lt3A_475 = vector.broadcast %lt3A_474 : i32 to vector<16xi32>
        %lt3A_476 = arith.cmpi slt, %xor3A_473, %lt3A_475 : vector<16xi32>
        %add3A_477 = arith.constant 16 : i32
        %add3A_478 = vector.broadcast %add3A_477 : i32 to vector<16xi32>
        %add3A_479 = arith.addi %xor3A_473, %add3A_478 : vector<16xi32>
        %select_n3A_480 = arith.select %lt3A_476, %add3A_479, %xor3A_473 : vector<16xi1>, vector<16xi32>
        %broadcast_in_dim3A_481 = vector.shape_cast %select_n3A_480 : vector<16xi32> to vector<16x1xi32>
        %gather3A_482 = vector.shape_cast %broadcast_in_dim3A_481 : vector<16x1xi32> to vector<16xi32>
        %gather3A_483 = tpu.dynamic_gather %add3A_442[%gather3A_482] in [0] : vector<16xf32>, vector<16xi32> -> vector<16xf32>
        %add3A_484 = arith.addf %add3A_442, %gather3A_483 : vector<16xf32>
        %xor3A_485 = arith.constant 4 : i32
        %xor3A_486 = vector.broadcast %xor3A_485 : i32 to vector<16xi32>
        %xor3A_487 = arith.xori %iota3A, %xor3A_486 : vector<16xi32>
        %lt3A_488 = arith.constant 0 : i32
        %lt3A_489 = vector.broadcast %lt3A_488 : i32 to vector<16xi32>
        %lt3A_490 = arith.cmpi slt, %xor3A_487, %lt3A_489 : vector<16xi32>
        %add3A_491 = arith.constant 16 : i32
        %add3A_492 = vector.broadcast %add3A_491 : i32 to vector<16xi32>
        %add3A_493 = arith.addi %xor3A_487, %add3A_492 : vector<16xi32>
        %select_n3A_494 = arith.select %lt3A_490, %add3A_493, %xor3A_487 : vector<16xi1>, vector<16xi32>
        %broadcast_in_dim3A_495 = vector.shape_cast %select_n3A_494 : vector<16xi32> to vector<16x1xi32>
        %gather3A_496 = vector.shape_cast %broadcast_in_dim3A_495 : vector<16x1xi32> to vector<16xi32>
        %gather3A_497 = tpu.dynamic_gather %add3A_456[%gather3A_496] in [0] : vector<16xf32>, vector<16xi32> -> vector<16xf32>
        %add3A_498 = arith.addf %add3A_456, %gather3A_497 : vector<16xf32>
        %xor3A_499 = arith.constant 4 : i32
        %xor3A_500 = vector.broadcast %xor3A_499 : i32 to vector<16xi32>
        %xor3A_501 = arith.xori %iota3A, %xor3A_500 : vector<16xi32>
        %lt3A_502 = arith.constant 0 : i32
        %lt3A_503 = vector.broadcast %lt3A_502 : i32 to vector<16xi32>
        %lt3A_504 = arith.cmpi slt, %xor3A_501, %lt3A_503 : vector<16xi32>
        %add3A_505 = arith.constant 16 : i32
        %add3A_506 = vector.broadcast %add3A_505 : i32 to vector<16xi32>
        %add3A_507 = arith.addi %xor3A_501, %add3A_506 : vector<16xi32>
        %select_n3A_508 = arith.select %lt3A_504, %add3A_507, %xor3A_501 : vector<16xi1>, vector<16xi32>
        %broadcast_in_dim3A_509 = vector.shape_cast %select_n3A_508 : vector<16xi32> to vector<16x1xi32>
        %gather3A_510 = vector.shape_cast %broadcast_in_dim3A_509 : vector<16x1xi32> to vector<16xi32>
        %gather3A_511 = tpu.dynamic_gather %add3A_470[%gather3A_510] in [0] : vector<16xf32>, vector<16xi32> -> vector<16xf32>
        %add3A_512 = arith.addf %add3A_470, %gather3A_511 : vector<16xf32>
        %xor3A_513 = arith.constant 2 : i32
        %xor3A_514 = vector.broadcast %xor3A_513 : i32 to vector<16xi32>
        %xor3A_515 = arith.xori %iota3A, %xor3A_514 : vector<16xi32>
        %lt3A_516 = arith.constant 0 : i32
        %lt3A_517 = vector.broadcast %lt3A_516 : i32 to vector<16xi32>
        %lt3A_518 = arith.cmpi slt, %xor3A_515, %lt3A_517 : vector<16xi32>
        %add3A_519 = arith.constant 16 : i32
        %add3A_520 = vector.broadcast %add3A_519 : i32 to vector<16xi32>
        %add3A_521 = arith.addi %xor3A_515, %add3A_520 : vector<16xi32>
        %select_n3A_522 = arith.select %lt3A_518, %add3A_521, %xor3A_515 : vector<16xi1>, vector<16xi32>
        %broadcast_in_dim3A_523 = vector.shape_cast %select_n3A_522 : vector<16xi32> to vector<16x1xi32>
        %gather3A_524 = vector.shape_cast %broadcast_in_dim3A_523 : vector<16x1xi32> to vector<16xi32>
        %gather3A_525 = tpu.dynamic_gather %add3A_484[%gather3A_524] in [0] : vector<16xf32>, vector<16xi32> -> vector<16xf32>
        %add3A_526 = arith.addf %add3A_484, %gather3A_525 : vector<16xf32>
        %xor3A_527 = arith.constant 2 : i32
        %xor3A_528 = vector.broadcast %xor3A_527 : i32 to vector<16xi32>
        %xor3A_529 = arith.xori %iota3A, %xor3A_528 : vector<16xi32>
        %lt3A_530 = arith.constant 0 : i32
        %lt3A_531 = vector.broadcast %lt3A_530 : i32 to vector<16xi32>
        %lt3A_532 = arith.cmpi slt, %xor3A_529, %lt3A_531 : vector<16xi32>
        %add3A_533 = arith.constant 16 : i32
        %add3A_534 = vector.broadcast %add3A_533 : i32 to vector<16xi32>
        %add3A_535 = arith.addi %xor3A_529, %add3A_534 : vector<16xi32>
        %select_n3A_536 = arith.select %lt3A_532, %add3A_535, %xor3A_529 : vector<16xi1>, vector<16xi32>
        %broadcast_in_dim3A_537 = vector.shape_cast %select_n3A_536 : vector<16xi32> to vector<16x1xi32>
        %gather3A_538 = vector.shape_cast %broadcast_in_dim3A_537 : vector<16x1xi32> to vector<16xi32>
        %gather3A_539 = tpu.dynamic_gather %add3A_498[%gather3A_538] in [0] : vector<16xf32>, vector<16xi32> -> vector<16xf32>
        %add3A_540 = arith.addf %add3A_498, %gather3A_539 : vector<16xf32>
        %xor3A_541 = arith.constant 2 : i32
        %xor3A_542 = vector.broadcast %xor3A_541 : i32 to vector<16xi32>
        %xor3A_543 = arith.xori %iota3A, %xor3A_542 : vector<16xi32>
        %lt3A_544 = arith.constant 0 : i32
        %lt3A_545 = vector.broadcast %lt3A_544 : i32 to vector<16xi32>
        %lt3A_546 = arith.cmpi slt, %xor3A_543, %lt3A_545 : vector<16xi32>
        %add3A_547 = arith.constant 16 : i32
        %add3A_548 = vector.broadcast %add3A_547 : i32 to vector<16xi32>
        %add3A_549 = arith.addi %xor3A_543, %add3A_548 : vector<16xi32>
        %select_n3A_550 = arith.select %lt3A_546, %add3A_549, %xor3A_543 : vector<16xi1>, vector<16xi32>
        %broadcast_in_dim3A_551 = vector.shape_cast %select_n3A_550 : vector<16xi32> to vector<16x1xi32>
        %gather3A_552 = vector.shape_cast %broadcast_in_dim3A_551 : vector<16x1xi32> to vector<16xi32>
        %gather3A_553 = tpu.dynamic_gather %add3A_512[%gather3A_552] in [0] : vector<16xf32>, vector<16xi32> -> vector<16xf32>
        %add3A_554 = arith.addf %add3A_512, %gather3A_553 : vector<16xf32>
        %xor3A_555 = arith.constant 1 : i32
        %xor3A_556 = vector.broadcast %xor3A_555 : i32 to vector<16xi32>
        %xor3A_557 = arith.xori %iota3A, %xor3A_556 : vector<16xi32>
        %lt3A_558 = arith.constant 0 : i32
        %lt3A_559 = vector.broadcast %lt3A_558 : i32 to vector<16xi32>
        %lt3A_560 = arith.cmpi slt, %xor3A_557, %lt3A_559 : vector<16xi32>
        %add3A_561 = arith.constant 16 : i32
        %add3A_562 = vector.broadcast %add3A_561 : i32 to vector<16xi32>
        %add3A_563 = arith.addi %xor3A_557, %add3A_562 : vector<16xi32>
        %select_n3A_564 = arith.select %lt3A_560, %add3A_563, %xor3A_557 : vector<16xi1>, vector<16xi32>
        %broadcast_in_dim3A_565 = vector.shape_cast %select_n3A_564 : vector<16xi32> to vector<16x1xi32>
        %gather3A_566 = vector.shape_cast %broadcast_in_dim3A_565 : vector<16x1xi32> to vector<16xi32>
        %gather3A_567 = tpu.dynamic_gather %add3A_526[%gather3A_566] in [0] : vector<16xf32>, vector<16xi32> -> vector<16xf32>
        %add3A_568 = arith.addf %add3A_526, %gather3A_567 : vector<16xf32>
        %xor3A_569 = arith.constant 1 : i32
        %xor3A_570 = vector.broadcast %xor3A_569 : i32 to vector<16xi32>
        %xor3A_571 = arith.xori %iota3A, %xor3A_570 : vector<16xi32>
        %lt3A_572 = arith.constant 0 : i32
        %lt3A_573 = vector.broadcast %lt3A_572 : i32 to vector<16xi32>
        %lt3A_574 = arith.cmpi slt, %xor3A_571, %lt3A_573 : vector<16xi32>
        %add3A_575 = arith.constant 16 : i32
        %add3A_576 = vector.broadcast %add3A_575 : i32 to vector<16xi32>
        %add3A_577 = arith.addi %xor3A_571, %add3A_576 : vector<16xi32>
        %select_n3A_578 = arith.select %lt3A_574, %add3A_577, %xor3A_571 : vector<16xi1>, vector<16xi32>
        %broadcast_in_dim3A_579 = vector.shape_cast %select_n3A_578 : vector<16xi32> to vector<16x1xi32>
        %gather3A_580 = vector.shape_cast %broadcast_in_dim3A_579 : vector<16x1xi32> to vector<16xi32>
        %gather3A_581 = tpu.dynamic_gather %add3A_540[%gather3A_580] in [0] : vector<16xf32>, vector<16xi32> -> vector<16xf32>
        %add3A_582 = arith.addf %add3A_540, %gather3A_581 : vector<16xf32>
        %xor3A_583 = arith.constant 1 : i32
        %xor3A_584 = vector.broadcast %xor3A_583 : i32 to vector<16xi32>
        %xor3A_585 = arith.xori %iota3A, %xor3A_584 : vector<16xi32>
        %lt3A_586 = arith.constant 0 : i32
        %lt3A_587 = vector.broadcast %lt3A_586 : i32 to vector<16xi32>
        %lt3A_588 = arith.cmpi slt, %xor3A_585, %lt3A_587 : vector<16xi32>
        %add3A_589 = arith.constant 16 : i32
        %add3A_590 = vector.broadcast %add3A_589 : i32 to vector<16xi32>
        %add3A_591 = arith.addi %xor3A_585, %add3A_590 : vector<16xi32>
        %select_n3A_592 = arith.select %lt3A_588, %add3A_591, %xor3A_585 : vector<16xi1>, vector<16xi32>
        %broadcast_in_dim3A_593 = vector.shape_cast %select_n3A_592 : vector<16xi32> to vector<16x1xi32>
        %gather3A_594 = vector.shape_cast %broadcast_in_dim3A_593 : vector<16x1xi32> to vector<16xi32>
        %gather3A_595 = tpu.dynamic_gather %add3A_554[%gather3A_594] in [0] : vector<16xf32>, vector<16xi32> -> vector<16xf32>
        %add3A_596 = arith.addf %add3A_554, %gather3A_595 : vector<16xf32>
        %add3A_597 = arith.addf %get3A_59, %add3A_568 : vector<16xf32>
        %exp3A = math.exp %add3A_597 : vector<16xf32>
        %add3A_598 = arith.addf %get3A_59, %add3A_582 : vector<16xf32>
        %exp3A_599 = math.exp %add3A_598 : vector<16xf32>
        %add3A_600 = arith.addf %get3A_59, %add3A_596 : vector<16xf32>
        %exp3A_601 = math.exp %add3A_600 : vector<16xf32>
        %mul3A_602 = arith.mulf %exp3A, %get3A_179 : vector<16xf32>
        %swap3A = arith.index_cast %squeeze3A : i32 to index
        %swap3A_603 = arith.constant 0 : index
        %swap3A_604 = tpu.vector_load %arg13[%swap3A, %swap3A_603] {strides = array<i32>} : memref<256x128xf32, #tpu.memory_space<vmem>>, vector<1x16xf32>,
        %swap3A_605 = vector.shape_cast %swap3A_604 : vector<1x16xf32> to vector<16xf32>
        %swap3A_606 = vector.shape_cast %mul3A_602 : vector<16xf32> to vector<1x16xf32>
        tpu.vector_store %arg13[%swap3A, %swap3A_603], %swap3A_606 {add = true, strides = array<i32>} : memref<256x128xf32, #tpu.memory_space<vmem>>, vector<1x16xf32>,
        %mul3A_607 = arith.mulf %exp3A, %get3A_188 : vector<16xf32>
        %swap3A_608 = arith.index_cast %squeeze3A : i32 to index
        %swap3A_609 = arith.constant 16 : index
        %swap3A_610 = tpu.vector_load %arg13[%swap3A_608, %swap3A_609] {strides = array<i32>} : memref<256x128xf32, #tpu.memory_space<vmem>>, vector<1x16xf32>,
        %swap3A_611 = vector.shape_cast %swap3A_610 : vector<1x16xf32> to vector<16xf32>
        %swap3A_612 = vector.shape_cast %mul3A_607 : vector<16xf32> to vector<1x16xf32>
        tpu.vector_store %arg13[%swap3A_608, %swap3A_609], %swap3A_612 {add = true, strides = array<i32>} : memref<256x128xf32, #tpu.memory_space<vmem>>, vector<1x16xf32>,
        %mul3A_613 = arith.mulf %exp3A, %get3A_197 : vector<16xf32>
        %swap3A_614 = arith.index_cast %squeeze3A : i32 to index
        %swap3A_615 = arith.constant 32 : index
        %swap3A_616 = tpu.vector_load %arg13[%swap3A_614, %swap3A_615] {strides = array<i32>} : memref<256x128xf32, #tpu.memory_space<vmem>>, vector<1x16xf32>,
        %swap3A_617 = vector.shape_cast %swap3A_616 : vector<1x16xf32> to vector<16xf32>
        %swap3A_618 = vector.shape_cast %mul3A_613 : vector<16xf32> to vector<1x16xf32>
        tpu.vector_store %arg13[%swap3A_614, %swap3A_615], %swap3A_618 {add = true, strides = array<i32>} : memref<256x128xf32, #tpu.memory_space<vmem>>, vector<1x16xf32>,
        %mul3A_619 = arith.mulf %exp3A, %get3A_206 : vector<16xf32>
        %swap3A_620 = arith.index_cast %squeeze3A : i32 to index
        %swap3A_621 = arith.constant 48 : index
        %swap3A_622 = tpu.vector_load %arg13[%swap3A_620, %swap3A_621] {strides = array<i32>} : memref<256x128xf32, #tpu.memory_space<vmem>>, vector<1x16xf32>,
        %swap3A_623 = vector.shape_cast %swap3A_622 : vector<1x16xf32> to vector<16xf32>
        %swap3A_624 = vector.shape_cast %mul3A_619 : vector<16xf32> to vector<1x16xf32>
        tpu.vector_store %arg13[%swap3A_620, %swap3A_621], %swap3A_624 {add = true, strides = array<i32>} : memref<256x128xf32, #tpu.memory_space<vmem>>, vector<1x16xf32>,
        %mul3A_625 = arith.mulf %exp3A, %get3A_215 : vector<16xf32>
        %swap3A_626 = arith.index_cast %squeeze3A : i32 to index
        %swap3A_627 = arith.constant 64 : index
        %swap3A_628 = tpu.vector_load %arg13[%swap3A_626, %swap3A_627] {strides = array<i32>} : memref<256x128xf32, #tpu.memory_space<vmem>>, vector<1x16xf32>,
        %swap3A_629 = vector.shape_cast %swap3A_628 : vector<1x16xf32> to vector<16xf32>
        %swap3A_630 = vector.shape_cast %mul3A_625 : vector<16xf32> to vector<1x16xf32>
        tpu.vector_store %arg13[%swap3A_626, %swap3A_627], %swap3A_630 {add = true, strides = array<i32>} : memref<256x128xf32, #tpu.memory_space<vmem>>, vector<1x16xf32>,
        %mul3A_631 = arith.mulf %exp3A, %get3A_224 : vector<16xf32>
        %swap3A_632 = arith.index_cast %squeeze3A : i32 to index
        %swap3A_633 = arith.constant 80 : index
        %swap3A_634 = tpu.vector_load %arg13[%swap3A_632, %swap3A_633] {strides = array<i32>} : memref<256x128xf32, #tpu.memory_space<vmem>>, vector<1x16xf32>,
        %swap3A_635 = vector.shape_cast %swap3A_634 : vector<1x16xf32> to vector<16xf32>
        %swap3A_636 = vector.shape_cast %mul3A_631 : vector<16xf32> to vector<1x16xf32>
        tpu.vector_store %arg13[%swap3A_632, %swap3A_633], %swap3A_636 {add = true, strides = array<i32>} : memref<256x128xf32, #tpu.memory_space<vmem>>, vector<1x16xf32>,
        %mul3A_637 = arith.mulf %exp3A, %get3A_233 : vector<16xf32>
        %swap3A_638 = arith.index_cast %squeeze3A : i32 to index
        %swap3A_639 = arith.constant 96 : index
        %swap3A_640 = tpu.vector_load %arg13[%swap3A_638, %swap3A_639] {strides = array<i32>} : memref<256x128xf32, #tpu.memory_space<vmem>>, vector<1x16xf32>,
        %swap3A_641 = vector.shape_cast %swap3A_640 : vector<1x16xf32> to vector<16xf32>
        %swap3A_642 = vector.shape_cast %mul3A_637 : vector<16xf32> to vector<1x16xf32>
        tpu.vector_store %arg13[%swap3A_638, %swap3A_639], %swap3A_642 {add = true, strides = array<i32>} : memref<256x128xf32, #tpu.memory_space<vmem>>, vector<1x16xf32>,
        %mul3A_643 = arith.mulf %exp3A, %get3A_242 : vector<16xf32>
        %swap3A_644 = arith.index_cast %squeeze3A : i32 to index
        %swap3A_645 = arith.constant 112 : index
        %swap3A_646 = tpu.vector_load %arg13[%swap3A_644, %swap3A_645] {strides = array<i32>} : memref<256x128xf32, #tpu.memory_space<vmem>>, vector<1x16xf32>,
        %swap3A_647 = vector.shape_cast %swap3A_646 : vector<1x16xf32> to vector<16xf32>
        %swap3A_648 = vector.shape_cast %mul3A_643 : vector<16xf32> to vector<1x16xf32>
        tpu.vector_store %arg13[%swap3A_644, %swap3A_645], %swap3A_648 {add = true, strides = array<i32>} : memref<256x128xf32, #tpu.memory_space<vmem>>, vector<1x16xf32>,
        %swap3A_649 = arith.index_cast %squeeze3A : i32 to index
        %swap3A_650 = arith.constant 0 : index
        %swap3A_651 = tpu.vector_load %arg14[%swap3A_649, %swap3A_650] {strides = array<i32>} : memref<256x16xf32, #tpu.memory_space<vmem>>, vector<1x16xf32>,
        %swap3A_652 = vector.shape_cast %swap3A_651 : vector<1x16xf32> to vector<16xf32>
        %swap3A_653 = vector.shape_cast %exp3A : vector<16xf32> to vector<1x16xf32>
        tpu.vector_store %arg14[%swap3A_649, %swap3A_650], %swap3A_653 {add = true, strides = array<i32>} : memref<256x16xf32, #tpu.memory_space<vmem>>, vector<1x16xf32>,
        %mul3A_654 = arith.mulf %exp3A_599, %get3A_251 : vector<16xf32>
        %swap3A_655 = arith.index_cast %squeeze3A_159 : i32 to index
        %swap3A_656 = arith.constant 0 : index
        %swap3A_657 = tpu.vector_load %arg13[%swap3A_655, %swap3A_656] {strides = array<i32>} : memref<256x128xf32, #tpu.memory_space<vmem>>, vector<1x16xf32>,
        %swap3A_658 = vector.shape_cast %swap3A_657 : vector<1x16xf32> to vector<16xf32>
        %swap3A_659 = vector.shape_cast %mul3A_654 : vector<16xf32> to vector<1x16xf32>
        tpu.vector_store %arg13[%swap3A_655, %swap3A_656], %swap3A_659 {add = true, strides = array<i32>} : memref<256x128xf32, #tpu.memory_space<vmem>>, vector<1x16xf32>,
        %mul3A_660 = arith.mulf %exp3A_599, %get3A_260 : vector<16xf32>
        %swap3A_661 = arith.index_cast %squeeze3A_159 : i32 to index
        %swap3A_662 = arith.constant 16 : index
        %swap3A_663 = tpu.vector_load %arg13[%swap3A_661, %swap3A_662] {strides = array<i32>} : memref<256x128xf32, #tpu.memory_space<vmem>>, vector<1x16xf32>,
        %swap3A_664 = vector.shape_cast %swap3A_663 : vector<1x16xf32> to vector<16xf32>
        %swap3A_665 = vector.shape_cast %mul3A_660 : vector<16xf32> to vector<1x16xf32>
        tpu.vector_store %arg13[%swap3A_661, %swap3A_662], %swap3A_665 {add = true, strides = array<i32>} : memref<256x128xf32, #tpu.memory_space<vmem>>, vector<1x16xf32>,
        %mul3A_666 = arith.mulf %exp3A_599, %get3A_269 : vector<16xf32>
        %swap3A_667 = arith.index_cast %squeeze3A_159 : i32 to index
        %swap3A_668 = arith.constant 32 : index
        %swap3A_669 = tpu.vector_load %arg13[%swap3A_667, %swap3A_668] {strides = array<i32>} : memref<256x128xf32, #tpu.memory_space<vmem>>, vector<1x16xf32>,
        %swap3A_670 = vector.shape_cast %swap3A_669 : vector<1x16xf32> to vector<16xf32>
        %swap3A_671 = vector.shape_cast %mul3A_666 : vector<16xf32> to vector<1x16xf32>
        tpu.vector_store %arg13[%swap3A_667, %swap3A_668], %swap3A_671 {add = true, strides = array<i32>} : memref<256x128xf32, #tpu.memory_space<vmem>>, vector<1x16xf32>,
        %mul3A_672 = arith.mulf %exp3A_599, %get3A_278 : vector<16xf32>
        %swap3A_673 = arith.index_cast %squeeze3A_159 : i32 to index
        %swap3A_674 = arith.constant 48 : index
        %swap3A_675 = tpu.vector_load %arg13[%swap3A_673, %swap3A_674] {strides = array<i32>} : memref<256x128xf32, #tpu.memory_space<vmem>>, vector<1x16xf32>,
        %swap3A_676 = vector.shape_cast %swap3A_675 : vector<1x16xf32> to vector<16xf32>
        %swap3A_677 = vector.shape_cast %mul3A_672 : vector<16xf32> to vector<1x16xf32>
        tpu.vector_store %arg13[%swap3A_673, %swap3A_674], %swap3A_677 {add = true, strides = array<i32>} : memref<256x128xf32, #tpu.memory_space<vmem>>, vector<1x16xf32>,
        %mul3A_678 = arith.mulf %exp3A_599, %get3A_287 : vector<16xf32>
        %swap3A_679 = arith.index_cast %squeeze3A_159 : i32 to index
        %swap3A_680 = arith.constant 64 : index
        %swap3A_681 = tpu.vector_load %arg13[%swap3A_679, %swap3A_680] {strides = array<i32>} : memref<256x128xf32, #tpu.memory_space<vmem>>, vector<1x16xf32>,
        %swap3A_682 = vector.shape_cast %swap3A_681 : vector<1x16xf32> to vector<16xf32>
        %swap3A_683 = vector.shape_cast %mul3A_678 : vector<16xf32> to vector<1x16xf32>
        tpu.vector_store %arg13[%swap3A_679, %swap3A_680], %swap3A_683 {add = true, strides = array<i32>} : memref<256x128xf32, #tpu.memory_space<vmem>>, vector<1x16xf32>,
        %mul3A_684 = arith.mulf %exp3A_599, %get3A_296 : vector<16xf32>
        %swap3A_685 = arith.index_cast %squeeze3A_159 : i32 to index
        %swap3A_686 = arith.constant 80 : index
        %swap3A_687 = tpu.vector_load %arg13[%swap3A_685, %swap3A_686] {strides = array<i32>} : memref<256x128xf32, #tpu.memory_space<vmem>>, vector<1x16xf32>,
        %swap3A_688 = vector.shape_cast %swap3A_687 : vector<1x16xf32> to vector<16xf32>
        %swap3A_689 = vector.shape_cast %mul3A_684 : vector<16xf32> to vector<1x16xf32>
        tpu.vector_store %arg13[%swap3A_685, %swap3A_686], %swap3A_689 {add = true, strides = array<i32>} : memref<256x128xf32, #tpu.memory_space<vmem>>, vector<1x16xf32>,
        %mul3A_690 = arith.mulf %exp3A_599, %get3A_305 : vector<16xf32>
        %swap3A_691 = arith.index_cast %squeeze3A_159 : i32 to index
        %swap3A_692 = arith.constant 96 : index
        %swap3A_693 = tpu.vector_load %arg13[%swap3A_691, %swap3A_692] {strides = array<i32>} : memref<256x128xf32, #tpu.memory_space<vmem>>, vector<1x16xf32>,
        %swap3A_694 = vector.shape_cast %swap3A_693 : vector<1x16xf32> to vector<16xf32>
        %swap3A_695 = vector.shape_cast %mul3A_690 : vector<16xf32> to vector<1x16xf32>
        tpu.vector_store %arg13[%swap3A_691, %swap3A_692], %swap3A_695 {add = true, strides = array<i32>} : memref<256x128xf32, #tpu.memory_space<vmem>>, vector<1x16xf32>,
        %mul3A_696 = arith.mulf %exp3A_599, %get3A_314 : vector<16xf32>
        %swap3A_697 = arith.index_cast %squeeze3A_159 : i32 to index
        %swap3A_698 = arith.constant 112 : index
        %swap3A_699 = tpu.vector_load %arg13[%swap3A_697, %swap3A_698] {strides = array<i32>} : memref<256x128xf32, #tpu.memory_space<vmem>>, vector<1x16xf32>,
        %swap3A_700 = vector.shape_cast %swap3A_699 : vector<1x16xf32> to vector<16xf32>
        %swap3A_701 = vector.shape_cast %mul3A_696 : vector<16xf32> to vector<1x16xf32>
        tpu.vector_store %arg13[%swap3A_697, %swap3A_698], %swap3A_701 {add = true, strides = array<i32>} : memref<256x128xf32, #tpu.memory_space<vmem>>, vector<1x16xf32>,
        %swap3A_702 = arith.index_cast %squeeze3A_159 : i32 to index
        %swap3A_703 = arith.constant 0 : index
        %swap3A_704 = tpu.vector_load %arg14[%swap3A_702, %swap3A_703] {strides = array<i32>} : memref<256x16xf32, #tpu.memory_space<vmem>>, vector<1x16xf32>,
        %swap3A_705 = vector.shape_cast %swap3A_704 : vector<1x16xf32> to vector<16xf32>
        %swap3A_706 = vector.shape_cast %exp3A_599 : vector<16xf32> to vector<1x16xf32>
        tpu.vector_store %arg14[%swap3A_702, %swap3A_703], %swap3A_706 {add = true, strides = array<i32>} : memref<256x16xf32, #tpu.memory_space<vmem>>, vector<1x16xf32>,
        %mul3A_707 = arith.mulf %exp3A_601, %get3A_323 : vector<16xf32>
        %swap3A_708 = arith.index_cast %squeeze3A_170 : i32 to index
        %swap3A_709 = arith.constant 0 : index
        %swap3A_710 = tpu.vector_load %arg13[%swap3A_708, %swap3A_709] {strides = array<i32>} : memref<256x128xf32, #tpu.memory_space<vmem>>, vector<1x16xf32>,
        %swap3A_711 = vector.shape_cast %swap3A_710 : vector<1x16xf32> to vector<16xf32>
        %swap3A_712 = vector.shape_cast %mul3A_707 : vector<16xf32> to vector<1x16xf32>
        tpu.vector_store %arg13[%swap3A_708, %swap3A_709], %swap3A_712 {add = true, strides = array<i32>} : memref<256x128xf32, #tpu.memory_space<vmem>>, vector<1x16xf32>,
        %mul3A_713 = arith.mulf %exp3A_601, %get3A_332 : vector<16xf32>
        %swap3A_714 = arith.index_cast %squeeze3A_170 : i32 to index
        %swap3A_715 = arith.constant 16 : index
        %swap3A_716 = tpu.vector_load %arg13[%swap3A_714, %swap3A_715] {strides = array<i32>} : memref<256x128xf32, #tpu.memory_space<vmem>>, vector<1x16xf32>,
        %swap3A_717 = vector.shape_cast %swap3A_716 : vector<1x16xf32> to vector<16xf32>
        %swap3A_718 = vector.shape_cast %mul3A_713 : vector<16xf32> to vector<1x16xf32>
        tpu.vector_store %arg13[%swap3A_714, %swap3A_715], %swap3A_718 {add = true, strides = array<i32>} : memref<256x128xf32, #tpu.memory_space<vmem>>, vector<1x16xf32>,
        %mul3A_719 = arith.mulf %exp3A_601, %get3A_341 : vector<16xf32>
        %swap3A_720 = arith.index_cast %squeeze3A_170 : i32 to index
        %swap3A_721 = arith.constant 32 : index
        %swap3A_722 = tpu.vector_load %arg13[%swap3A_720, %swap3A_721] {strides = array<i32>} : memref<256x128xf32, #tpu.memory_space<vmem>>, vector<1x16xf32>,
        %swap3A_723 = vector.shape_cast %swap3A_722 : vector<1x16xf32> to vector<16xf32>
        %swap3A_724 = vector.shape_cast %mul3A_719 : vector<16xf32> to vector<1x16xf32>
        tpu.vector_store %arg13[%swap3A_720, %swap3A_721], %swap3A_724 {add = true, strides = array<i32>} : memref<256x128xf32, #tpu.memory_space<vmem>>, vector<1x16xf32>,
        %mul3A_725 = arith.mulf %exp3A_601, %get3A_350 : vector<16xf32>
        %swap3A_726 = arith.index_cast %squeeze3A_170 : i32 to index
        %swap3A_727 = arith.constant 48 : index
        %swap3A_728 = tpu.vector_load %arg13[%swap3A_726, %swap3A_727] {strides = array<i32>} : memref<256x128xf32, #tpu.memory_space<vmem>>, vector<1x16xf32>,
        %swap3A_729 = vector.shape_cast %swap3A_728 : vector<1x16xf32> to vector<16xf32>
        %swap3A_730 = vector.shape_cast %mul3A_725 : vector<16xf32> to vector<1x16xf32>
        tpu.vector_store %arg13[%swap3A_726, %swap3A_727], %swap3A_730 {add = true, strides = array<i32>} : memref<256x128xf32, #tpu.memory_space<vmem>>, vector<1x16xf32>,
        %mul3A_731 = arith.mulf %exp3A_601, %get3A_359 : vector<16xf32>
        %swap3A_732 = arith.index_cast %squeeze3A_170 : i32 to index
        %swap3A_733 = arith.constant 64 : index
        %swap3A_734 = tpu.vector_load %arg13[%swap3A_732, %swap3A_733] {strides = array<i32>} : memref<256x128xf32, #tpu.memory_space<vmem>>, vector<1x16xf32>,
        %swap3A_735 = vector.shape_cast %swap3A_734 : vector<1x16xf32> to vector<16xf32>
        %swap3A_736 = vector.shape_cast %mul3A_731 : vector<16xf32> to vector<1x16xf32>
        tpu.vector_store %arg13[%swap3A_732, %swap3A_733], %swap3A_736 {add = true, strides = array<i32>} : memref<256x128xf32, #tpu.memory_space<vmem>>, vector<1x16xf32>,
        %mul3A_737 = arith.mulf %exp3A_601, %get3A_368 : vector<16xf32>
        %swap3A_738 = arith.index_cast %squeeze3A_170 : i32 to index
        %swap3A_739 = arith.constant 80 : index
        %swap3A_740 = tpu.vector_load %arg13[%swap3A_738, %swap3A_739] {strides = array<i32>} : memref<256x128xf32, #tpu.memory_space<vmem>>, vector<1x16xf32>,
        %swap3A_741 = vector.shape_cast %swap3A_740 : vector<1x16xf32> to vector<16xf32>
        %swap3A_742 = vector.shape_cast %mul3A_737 : vector<16xf32> to vector<1x16xf32>
        tpu.vector_store %arg13[%swap3A_738, %swap3A_739], %swap3A_742 {add = true, strides = array<i32>} : memref<256x128xf32, #tpu.memory_space<vmem>>, vector<1x16xf32>,
        %mul3A_743 = arith.mulf %exp3A_601, %get3A_377 : vector<16xf32>
        %swap3A_744 = arith.index_cast %squeeze3A_170 : i32 to index
        %swap3A_745 = arith.constant 96 : index
        %swap3A_746 = tpu.vector_load %arg13[%swap3A_744, %swap3A_745] {strides = array<i32>} : memref<256x128xf32, #tpu.memory_space<vmem>>, vector<1x16xf32>,
        %swap3A_747 = vector.shape_cast %swap3A_746 : vector<1x16xf32> to vector<16xf32>
        %swap3A_748 = vector.shape_cast %mul3A_743 : vector<16xf32> to vector<1x16xf32>
        tpu.vector_store %arg13[%swap3A_744, %swap3A_745], %swap3A_748 {add = true, strides = array<i32>} : memref<256x128xf32, #tpu.memory_space<vmem>>, vector<1x16xf32>,
        %mul3A_749 = arith.mulf %exp3A_601, %get3A_386 : vector<16xf32>
        %swap3A_750 = arith.index_cast %squeeze3A_170 : i32 to index
        %swap3A_751 = arith.constant 112 : index
        %swap3A_752 = tpu.vector_load %arg13[%swap3A_750, %swap3A_751] {strides = array<i32>} : memref<256x128xf32, #tpu.memory_space<vmem>>, vector<1x16xf32>,
        %swap3A_753 = vector.shape_cast %swap3A_752 : vector<1x16xf32> to vector<16xf32>
        %swap3A_754 = vector.shape_cast %mul3A_749 : vector<16xf32> to vector<1x16xf32>
        tpu.vector_store %arg13[%swap3A_750, %swap3A_751], %swap3A_754 {add = true, strides = array<i32>} : memref<256x128xf32, #tpu.memory_space<vmem>>, vector<1x16xf32>,
        %swap3A_755 = arith.index_cast %squeeze3A_170 : i32 to index
        %swap3A_756 = arith.constant 0 : index
        %swap3A_757 = tpu.vector_load %arg14[%swap3A_755, %swap3A_756] {strides = array<i32>} : memref<256x16xf32, #tpu.memory_space<vmem>>, vector<1x16xf32>,
        %swap3A_758 = vector.shape_cast %swap3A_757 : vector<1x16xf32> to vector<16xf32>
        %swap3A_759 = vector.shape_cast %exp3A_601 : vector<16xf32> to vector<1x16xf32>
        tpu.vector_store %arg14[%swap3A_755, %swap3A_756], %swap3A_759 {add = true, strides = array<i32>} : memref<256x16xf32, #tpu.memory_space<vmem>>, vector<1x16xf32>,
      }
      %scan3A_136 = arith.constant 25 : i32
    }
    %scan3A_70 = arith.constant 7 : i32
    %add3A_71 = arith.constant 1050 : i32
    %add3A_72 = arith.addi %mul3A_2, %add3A_71 : i32
    %mul3A_73 = arith.constant 128 : i32
    %mul3A_74 = arith.muli %add3A_72, %mul3A_73 : i32
    %dma_wait3A = tpu.memref_slice %arg2[%mul3A_74] : memref<12800000xf32, #tpu.memory_space<hbm>> -> memref<9600xf32, #tpu.memory_space<hbm>>
    %dma_wait3A_75 = tpu.memref_slice %arg2[%mul3A_74] : memref<12800000xf32, #tpu.memory_space<hbm>> -> memref<9600xf32, #tpu.memory_space<hbm>>
    tpu.wait_dma2 semaphore(%arg15 : memref<!tpu.dma_semaphore, #tpu.memory_space<semaphore_mem>>) src(%dma_wait3A_75 : memref<9600xf32, #tpu.memory_space<hbm>>) dst(%arg8 : memref<9600xf32, #tpu.memory_space<vmem>>)
    %scan3A_76 = arith.constant 0 : i32
    %scan3A_77 = arith.constant 0 : i32
    %scan3A_78 = arith.constant 25 : i32
    %scan3A_79 = arith.addi %scan3A_77, %scan3A_78 : i32
    %scan3A_80 = arith.constant 1 : i32
    scf.for %scan3A_86 = %scan3A_77 to %scan3A_79 step %scan3A_80  : i32 {
      %mul3A_87 = arith.constant 3 : i32
      %mul3A_88 = arith.muli %scan3A_86, %mul3A_87 : i32
      %add3A_89 = arith.constant 1050 : i32
      %add3A_90 = arith.addi %sub3A_21, %add3A_89 : i32
      %add3A_91 = arith.addi %add3A_90, %mul3A_88 : i32
      %add3A_92 = arith.constant 0 : i32
      %add3A_93 = arith.addi %add3A_91, %add3A_92 : i32
      %get3A_94 = arith.index_cast %add3A_93 : i32 to index
      %get3A_95 = tpu.vector_load %arg12[%get3A_94] {strides = array<i32>} : memref<1152xi32, #tpu.memory_space<vmem>>, vector<16xi32>,
      %get3A_96 = vector.shape_cast %get3A_95 : vector<16xi32> to vector<16xi32>
      %slice3A = vector.extract_strided_slice %get3A_96 {offsets = [0], sizes = [1], strides = [1]} : vector<16xi32> to vector<1xi32>
      %squeeze3A = vector.extract %slice3A[0] : i32 from vector<1xi32>
      %add3A_97 = arith.constant 1050 : i32
      %add3A_98 = arith.addi %sub3A_21, %add3A_97 : i32
      %add3A_99 = arith.addi %add3A_98, %mul3A_88 : i32
      %add3A_100 = arith.constant 1 : i32
      %add3A_101 = arith.addi %add3A_99, %add3A_100 : i32
      %get3A_102 = arith.index_cast %add3A_101 : i32 to index
      %get3A_103 = tpu.vector_load %arg12[%get3A_102] {strides = array<i32>} : memref<1152xi32, #tpu.memory_space<vmem>>, vector<16xi32>,
      %get3A_104 = vector.shape_cast %get3A_103 : vector<16xi32> to vector<16xi32>
      %slice3A_105 = vector.extract_strided_slice %get3A_104 {offsets = [0], sizes = [1], strides = [1]} : vector<16xi32> to vector<1xi32>
      %squeeze3A_106 = vector.extract %slice3A_105[0] : i32 from vector<1xi32>
      %add3A_107 = arith.constant 1050 : i32
      %add3A_108 = arith.addi %sub3A_21, %add3A_107 : i32
      %add3A_109 = arith.addi %add3A_108, %mul3A_88 : i32
      %add3A_110 = arith.constant 2 : i32
      %add3A_111 = arith.addi %add3A_109, %add3A_110 : i32
      %get3A_112 = arith.index_cast %add3A_111 : i32 to index
      %get3A_113 = tpu.vector_load %arg12[%get3A_112] {strides = array<i32>} : memref<1152xi32, #tpu.memory_space<vmem>>, vector<16xi32>,
      %get3A_114 = vector.shape_cast %get3A_113 : vector<16xi32> to vector<16xi32>
      %slice3A_115 = vector.extract_strided_slice %get3A_114 {offsets = [0], sizes = [1], strides = [1]} : vector<16xi32> to vector<1xi32>
      %squeeze3A_116 = vector.extract %slice3A_115[0] : i32 from vector<1xi32>
      %add3A_117 = arith.constant 0 : i32
      %add3A_118 = arith.addi %mul3A_88, %add3A_117 : i32
      %mul3A_119 = arith.constant 128 : i32
      %mul3A_120 = arith.muli %add3A_118, %mul3A_119 : i32
      %add3A_121 = arith.constant 0 : i32
      %add3A_122 = arith.addi %mul3A_120, %add3A_121 : i32
      %get3A_123 = arith.index_cast %add3A_122 : i32 to index
      %get3A_124 = tpu.vector_load %arg8[%get3A_123] {strides = array<i32>} : memref<9600xf32, #tpu.memory_space<vmem>>, vector<16xf32>,
      %get3A_125 = vector.shape_cast %get3A_124 : vector<16xf32> to vector<16xf32>
      %add3A_126 = arith.constant 0 : i32
      %add3A_127 = arith.addi %mul3A_88, %add3A_126 : i32
      %mul3A_128 = arith.constant 128 : i32
      %mul3A_129 = arith.muli %add3A_127, %mul3A_128 : i32
      %add3A_130 = arith.constant 16 : i32
      %add3A_131 = arith.addi %mul3A_129, %add3A_130 : i32
      %get3A_132 = arith.index_cast %add3A_131 : i32 to index
      %get3A_133 = tpu.vector_load %arg8[%get3A_132] {strides = array<i32>} : memref<9600xf32, #tpu.memory_space<vmem>>, vector<16xf32>,
      %get3A_134 = vector.shape_cast %get3A_133 : vector<16xf32> to vector<16xf32>
      %add3A_135 = arith.constant 0 : i32
      %add3A_136 = arith.addi %mul3A_88, %add3A_135 : i32
      %mul3A_137 = arith.constant 128 : i32
      %mul3A_138 = arith.muli %add3A_136, %mul3A_137 : i32
      %add3A_139 = arith.constant 32 : i32
      %add3A_140 = arith.addi %mul3A_138, %add3A_139 : i32
      %get3A_141 = arith.index_cast %add3A_140 : i32 to index
      %get3A_142 = tpu.vector_load %arg8[%get3A_141] {strides = array<i32>} : memref<9600xf32, #tpu.memory_space<vmem>>, vector<16xf32>,
      %get3A_143 = vector.shape_cast %get3A_142 : vector<16xf32> to vector<16xf32>
      %add3A_144 = arith.constant 0 : i32
      %add3A_145 = arith.addi %mul3A_88, %add3A_144 : i32
      %mul3A_146 = arith.constant 128 : i32
      %mul3A_147 = arith.muli %add3A_145, %mul3A_146 : i32
      %add3A_148 = arith.constant 48 : i32
      %add3A_149 = arith.addi %mul3A_147, %add3A_148 : i32
      %get3A_150 = arith.index_cast %add3A_149 : i32 to index
      %get3A_151 = tpu.vector_load %arg8[%get3A_150] {strides = array<i32>} : memref<9600xf32, #tpu.memory_space<vmem>>, vector<16xf32>,
      %get3A_152 = vector.shape_cast %get3A_151 : vector<16xf32> to vector<16xf32>
      %add3A_153 = arith.constant 0 : i32
      %add3A_154 = arith.addi %mul3A_88, %add3A_153 : i32
      %mul3A_155 = arith.constant 128 : i32
      %mul3A_156 = arith.muli %add3A_154, %mul3A_155 : i32
      %add3A_157 = arith.constant 64 : i32
      %add3A_158 = arith.addi %mul3A_156, %add3A_157 : i32
      %get3A_159 = arith.index_cast %add3A_158 : i32 to index
      %get3A_160 = tpu.vector_load %arg8[%get3A_159] {strides = array<i32>} : memref<9600xf32, #tpu.memory_space<vmem>>, vector<16xf32>,
      %get3A_161 = vector.shape_cast %get3A_160 : vector<16xf32> to vector<16xf32>
      %add3A_162 = arith.constant 0 : i32
      %add3A_163 = arith.addi %mul3A_88, %add3A_162 : i32
      %mul3A_164 = arith.constant 128 : i32
      %mul3A_165 = arith.muli %add3A_163, %mul3A_164 : i32
      %add3A_166 = arith.constant 80 : i32
      %add3A_167 = arith.addi %mul3A_165, %add3A_166 : i32
      %get3A_168 = arith.index_cast %add3A_167 : i32 to index
      %get3A_169 = tpu.vector_load %arg8[%get3A_168] {strides = array<i32>} : memref<9600xf32, #tpu.memory_space<vmem>>, vector<16xf32>,
      %get3A_170 = vector.shape_cast %get3A_169 : vector<16xf32> to vector<16xf32>
      %add3A_171 = arith.constant 0 : i32
      %add3A_172 = arith.addi %mul3A_88, %add3A_171 : i32
      %mul3A_173 = arith.constant 128 : i32
      %mul3A_174 = arith.muli %add3A_172, %mul3A_173 : i32
      %add3A_175 = arith.constant 96 : i32
      %add3A_176 = arith.addi %mul3A_174, %add3A_175 : i32
      %get3A_177 = arith.index_cast %add3A_176 : i32 to index
      %get3A_178 = tpu.vector_load %arg8[%get3A_177] {strides = array<i32>} : memref<9600xf32, #tpu.memory_space<vmem>>, vector<16xf32>,
      %get3A_179 = vector.shape_cast %get3A_178 : vector<16xf32> to vector<16xf32>
      %add3A_180 = arith.constant 0 : i32
      %add3A_181 = arith.addi %mul3A_88, %add3A_180 : i32
      %mul3A_182 = arith.constant 128 : i32
      %mul3A_183 = arith.muli %add3A_181, %mul3A_182 : i32
      %add3A_184 = arith.constant 112 : i32
      %add3A_185 = arith.addi %mul3A_183, %add3A_184 : i32
      %get3A_186 = arith.index_cast %add3A_185 : i32 to index
      %get3A_187 = tpu.vector_load %arg8[%get3A_186] {strides = array<i32>} : memref<9600xf32, #tpu.memory_space<vmem>>, vector<16xf32>,
      %get3A_188 = vector.shape_cast %get3A_187 : vector<16xf32> to vector<16xf32>
      %add3A_189 = arith.constant 1 : i32
      %add3A_190 = arith.addi %mul3A_88, %add3A_189 : i32
      %mul3A_191 = arith.constant 128 : i32
      %mul3A_192 = arith.muli %add3A_190, %mul3A_191 : i32
      %add3A_193 = arith.constant 0 : i32
      %add3A_194 = arith.addi %mul3A_192, %add3A_193 : i32
      %get3A_195 = arith.index_cast %add3A_194 : i32 to index
      %get3A_196 = tpu.vector_load %arg8[%get3A_195] {strides = array<i32>} : memref<9600xf32, #tpu.memory_space<vmem>>, vector<16xf32>,
      %get3A_197 = vector.shape_cast %get3A_196 : vector<16xf32> to vector<16xf32>
      %add3A_198 = arith.constant 1 : i32
      %add3A_199 = arith.addi %mul3A_88, %add3A_198 : i32
      %mul3A_200 = arith.constant 128 : i32
      %mul3A_201 = arith.muli %add3A_199, %mul3A_200 : i32
      %add3A_202 = arith.constant 16 : i32
      %add3A_203 = arith.addi %mul3A_201, %add3A_202 : i32
      %get3A_204 = arith.index_cast %add3A_203 : i32 to index
      %get3A_205 = tpu.vector_load %arg8[%get3A_204] {strides = array<i32>} : memref<9600xf32, #tpu.memory_space<vmem>>, vector<16xf32>,
      %get3A_206 = vector.shape_cast %get3A_205 : vector<16xf32> to vector<16xf32>
      %add3A_207 = arith.constant 1 : i32
      %add3A_208 = arith.addi %mul3A_88, %add3A_207 : i32
      %mul3A_209 = arith.constant 128 : i32
      %mul3A_210 = arith.muli %add3A_208, %mul3A_209 : i32
      %add3A_211 = arith.constant 32 : i32
      %add3A_212 = arith.addi %mul3A_210, %add3A_211 : i32
      %get3A_213 = arith.index_cast %add3A_212 : i32 to index
      %get3A_214 = tpu.vector_load %arg8[%get3A_213] {strides = array<i32>} : memref<9600xf32, #tpu.memory_space<vmem>>, vector<16xf32>,
      %get3A_215 = vector.shape_cast %get3A_214 : vector<16xf32> to vector<16xf32>
      %add3A_216 = arith.constant 1 : i32
      %add3A_217 = arith.addi %mul3A_88, %add3A_216 : i32
      %mul3A_218 = arith.constant 128 : i32
      %mul3A_219 = arith.muli %add3A_217, %mul3A_218 : i32
      %add3A_220 = arith.constant 48 : i32
      %add3A_221 = arith.addi %mul3A_219, %add3A_220 : i32
      %get3A_222 = arith.index_cast %add3A_221 : i32 to index
      %get3A_223 = tpu.vector_load %arg8[%get3A_222] {strides = array<i32>} : memref<9600xf32, #tpu.memory_space<vmem>>, vector<16xf32>,
      %get3A_224 = vector.shape_cast %get3A_223 : vector<16xf32> to vector<16xf32>
      %add3A_225 = arith.constant 1 : i32
      %add3A_226 = arith.addi %mul3A_88, %add3A_225 : i32
      %mul3A_227 = arith.constant 128 : i32
      %mul3A_228 = arith.muli %add3A_226, %mul3A_227 : i32
      %add3A_229 = arith.constant 64 : i32
      %add3A_230 = arith.addi %mul3A_228, %add3A_229 : i32
      %get3A_231 = arith.index_cast %add3A_230 : i32 to index
      %get3A_232 = tpu.vector_load %arg8[%get3A_231] {strides = array<i32>} : memref<9600xf32, #tpu.memory_space<vmem>>, vector<16xf32>,
      %get3A_233 = vector.shape_cast %get3A_232 : vector<16xf32> to vector<16xf32>
      %add3A_234 = arith.constant 1 : i32
      %add3A_235 = arith.addi %mul3A_88, %add3A_234 : i32
      %mul3A_236 = arith.constant 128 : i32
      %mul3A_237 = arith.muli %add3A_235, %mul3A_236 : i32
      %add3A_238 = arith.constant 80 : i32
      %add3A_239 = arith.addi %mul3A_237, %add3A_238 : i32
      %get3A_240 = arith.index_cast %add3A_239 : i32 to index
      %get3A_241 = tpu.vector_load %arg8[%get3A_240] {strides = array<i32>} : memref<9600xf32, #tpu.memory_space<vmem>>, vector<16xf32>,
      %get3A_242 = vector.shape_cast %get3A_241 : vector<16xf32> to vector<16xf32>
      %add3A_243 = arith.constant 1 : i32
      %add3A_244 = arith.addi %mul3A_88, %add3A_243 : i32
      %mul3A_245 = arith.constant 128 : i32
      %mul3A_246 = arith.muli %add3A_244, %mul3A_245 : i32
      %add3A_247 = arith.constant 96 : i32
      %add3A_248 = arith.addi %mul3A_246, %add3A_247 : i32
      %get3A_249 = arith.index_cast %add3A_248 : i32 to index
      %get3A_250 = tpu.vector_load %arg8[%get3A_249] {strides = array<i32>} : memref<9600xf32, #tpu.memory_space<vmem>>, vector<16xf32>,
      %get3A_251 = vector.shape_cast %get3A_250 : vector<16xf32> to vector<16xf32>
      %add3A_252 = arith.constant 1 : i32
      %add3A_253 = arith.addi %mul3A_88, %add3A_252 : i32
      %mul3A_254 = arith.constant 128 : i32
      %mul3A_255 = arith.muli %add3A_253, %mul3A_254 : i32
      %add3A_256 = arith.constant 112 : i32
      %add3A_257 = arith.addi %mul3A_255, %add3A_256 : i32
      %get3A_258 = arith.index_cast %add3A_257 : i32 to index
      %get3A_259 = tpu.vector_load %arg8[%get3A_258] {strides = array<i32>} : memref<9600xf32, #tpu.memory_space<vmem>>, vector<16xf32>,
      %get3A_260 = vector.shape_cast %get3A_259 : vector<16xf32> to vector<16xf32>
      %add3A_261 = arith.constant 2 : i32
      %add3A_262 = arith.addi %mul3A_88, %add3A_261 : i32
      %mul3A_263 = arith.constant 128 : i32
      %mul3A_264 = arith.muli %add3A_262, %mul3A_263 : i32
      %add3A_265 = arith.constant 0 : i32
      %add3A_266 = arith.addi %mul3A_264, %add3A_265 : i32
      %get3A_267 = arith.index_cast %add3A_266 : i32 to index
      %get3A_268 = tpu.vector_load %arg8[%get3A_267] {strides = array<i32>} : memref<9600xf32, #tpu.memory_space<vmem>>, vector<16xf32>,
      %get3A_269 = vector.shape_cast %get3A_268 : vector<16xf32> to vector<16xf32>
      %add3A_270 = arith.constant 2 : i32
      %add3A_271 = arith.addi %mul3A_88, %add3A_270 : i32
      %mul3A_272 = arith.constant 128 : i32
      %mul3A_273 = arith.muli %add3A_271, %mul3A_272 : i32
      %add3A_274 = arith.constant 16 : i32
      %add3A_275 = arith.addi %mul3A_273, %add3A_274 : i32
      %get3A_276 = arith.index_cast %add3A_275 : i32 to index
      %get3A_277 = tpu.vector_load %arg8[%get3A_276] {strides = array<i32>} : memref<9600xf32, #tpu.memory_space<vmem>>, vector<16xf32>,
      %get3A_278 = vector.shape_cast %get3A_277 : vector<16xf32> to vector<16xf32>
      %add3A_279 = arith.constant 2 : i32
      %add3A_280 = arith.addi %mul3A_88, %add3A_279 : i32
      %mul3A_281 = arith.constant 128 : i32
      %mul3A_282 = arith.muli %add3A_280, %mul3A_281 : i32
      %add3A_283 = arith.constant 32 : i32
      %add3A_284 = arith.addi %mul3A_282, %add3A_283 : i32
      %get3A_285 = arith.index_cast %add3A_284 : i32 to index
      %get3A_286 = tpu.vector_load %arg8[%get3A_285] {strides = array<i32>} : memref<9600xf32, #tpu.memory_space<vmem>>, vector<16xf32>,
      %get3A_287 = vector.shape_cast %get3A_286 : vector<16xf32> to vector<16xf32>
      %add3A_288 = arith.constant 2 : i32
      %add3A_289 = arith.addi %mul3A_88, %add3A_288 : i32
      %mul3A_290 = arith.constant 128 : i32
      %mul3A_291 = arith.muli %add3A_289, %mul3A_290 : i32
      %add3A_292 = arith.constant 48 : i32
      %add3A_293 = arith.addi %mul3A_291, %add3A_292 : i32
      %get3A_294 = arith.index_cast %add3A_293 : i32 to index
      %get3A_295 = tpu.vector_load %arg8[%get3A_294] {strides = array<i32>} : memref<9600xf32, #tpu.memory_space<vmem>>, vector<16xf32>,
      %get3A_296 = vector.shape_cast %get3A_295 : vector<16xf32> to vector<16xf32>
      %add3A_297 = arith.constant 2 : i32
      %add3A_298 = arith.addi %mul3A_88, %add3A_297 : i32
      %mul3A_299 = arith.constant 128 : i32
      %mul3A_300 = arith.muli %add3A_298, %mul3A_299 : i32
      %add3A_301 = arith.constant 64 : i32
      %add3A_302 = arith.addi %mul3A_300, %add3A_301 : i32
      %get3A_303 = arith.index_cast %add3A_302 : i32 to index
      %get3A_304 = tpu.vector_load %arg8[%get3A_303] {strides = array<i32>} : memref<9600xf32, #tpu.memory_space<vmem>>, vector<16xf32>,
      %get3A_305 = vector.shape_cast %get3A_304 : vector<16xf32> to vector<16xf32>
      %add3A_306 = arith.constant 2 : i32
      %add3A_307 = arith.addi %mul3A_88, %add3A_306 : i32
      %mul3A_308 = arith.constant 128 : i32
      %mul3A_309 = arith.muli %add3A_307, %mul3A_308 : i32
      %add3A_310 = arith.constant 80 : i32
      %add3A_311 = arith.addi %mul3A_309, %add3A_310 : i32
      %get3A_312 = arith.index_cast %add3A_311 : i32 to index
      %get3A_313 = tpu.vector_load %arg8[%get3A_312] {strides = array<i32>} : memref<9600xf32, #tpu.memory_space<vmem>>, vector<16xf32>,
      %get3A_314 = vector.shape_cast %get3A_313 : vector<16xf32> to vector<16xf32>
      %add3A_315 = arith.constant 2 : i32
      %add3A_316 = arith.addi %mul3A_88, %add3A_315 : i32
      %mul3A_317 = arith.constant 128 : i32
      %mul3A_318 = arith.muli %add3A_316, %mul3A_317 : i32
      %add3A_319 = arith.constant 96 : i32
      %add3A_320 = arith.addi %mul3A_318, %add3A_319 : i32
      %get3A_321 = arith.index_cast %add3A_320 : i32 to index
      %get3A_322 = tpu.vector_load %arg8[%get3A_321] {strides = array<i32>} : memref<9600xf32, #tpu.memory_space<vmem>>, vector<16xf32>,
      %get3A_323 = vector.shape_cast %get3A_322 : vector<16xf32> to vector<16xf32>
      %add3A_324 = arith.constant 2 : i32
      %add3A_325 = arith.addi %mul3A_88, %add3A_324 : i32
      %mul3A_326 = arith.constant 128 : i32
      %mul3A_327 = arith.muli %add3A_325, %mul3A_326 : i32
      %add3A_328 = arith.constant 112 : i32
      %add3A_329 = arith.addi %mul3A_327, %add3A_328 : i32
      %get3A_330 = arith.index_cast %add3A_329 : i32 to index
      %get3A_331 = tpu.vector_load %arg8[%get3A_330] {strides = array<i32>} : memref<9600xf32, #tpu.memory_space<vmem>>, vector<16xf32>,
      %get3A_332 = vector.shape_cast %get3A_331 : vector<16xf32> to vector<16xf32>
      %mul3A_333 = arith.mulf %get3A_125, %get3A_35 : vector<16xf32>
      %mul3A_334 = arith.mulf %get3A_134, %get3A_38 : vector<16xf32>
      %mul3A_335 = arith.mulf %get3A_143, %get3A_41 : vector<16xf32>
      %mul3A_336 = arith.mulf %get3A_152, %get3A_44 : vector<16xf32>
      %mul3A_337 = arith.mulf %get3A_161, %get3A_47 : vector<16xf32>
      %mul3A_338 = arith.mulf %get3A_170, %get3A_50 : vector<16xf32>
      %mul3A_339 = arith.mulf %get3A_179, %get3A_53 : vector<16xf32>
      %mul3A_340 = arith.mulf %get3A_188, %get3A_56 : vector<16xf32>
      %add3A_341 = arith.addf %mul3A_333, %mul3A_334 : vector<16xf32>
      %add3A_342 = arith.addf %mul3A_335, %mul3A_336 : vector<16xf32>
      %add3A_343 = arith.addf %mul3A_337, %mul3A_338 : vector<16xf32>
      %add3A_344 = arith.addf %mul3A_339, %mul3A_340 : vector<16xf32>
      %add3A_345 = arith.addf %add3A_341, %add3A_342 : vector<16xf32>
      %add3A_346 = arith.addf %add3A_343, %add3A_344 : vector<16xf32>
      %add3A_347 = arith.addf %add3A_345, %add3A_346 : vector<16xf32>
      %mul3A_348 = arith.mulf %get3A_197, %get3A_35 : vector<16xf32>
      %mul3A_349 = arith.mulf %get3A_206, %get3A_38 : vector<16xf32>
      %mul3A_350 = arith.mulf %get3A_215, %get3A_41 : vector<16xf32>
      %mul3A_351 = arith.mulf %get3A_224, %get3A_44 : vector<16xf32>
      %mul3A_352 = arith.mulf %get3A_233, %get3A_47 : vector<16xf32>
      %mul3A_353 = arith.mulf %get3A_242, %get3A_50 : vector<16xf32>
      %mul3A_354 = arith.mulf %get3A_251, %get3A_53 : vector<16xf32>
      %mul3A_355 = arith.mulf %get3A_260, %get3A_56 : vector<16xf32>
      %add3A_356 = arith.addf %mul3A_348, %mul3A_349 : vector<16xf32>
      %add3A_357 = arith.addf %mul3A_350, %mul3A_351 : vector<16xf32>
      %add3A_358 = arith.addf %mul3A_352, %mul3A_353 : vector<16xf32>
      %add3A_359 = arith.addf %mul3A_354, %mul3A_355 : vector<16xf32>
      %add3A_360 = arith.addf %add3A_356, %add3A_357 : vector<16xf32>
      %add3A_361 = arith.addf %add3A_358, %add3A_359 : vector<16xf32>
      %add3A_362 = arith.addf %add3A_360, %add3A_361 : vector<16xf32>
      %mul3A_363 = arith.mulf %get3A_269, %get3A_35 : vector<16xf32>
      %mul3A_364 = arith.mulf %get3A_278, %get3A_38 : vector<16xf32>
      %mul3A_365 = arith.mulf %get3A_287, %get3A_41 : vector<16xf32>
      %mul3A_366 = arith.mulf %get3A_296, %get3A_44 : vector<16xf32>
      %mul3A_367 = arith.mulf %get3A_305, %get3A_47 : vector<16xf32>
      %mul3A_368 = arith.mulf %get3A_314, %get3A_50 : vector<16xf32>
      %mul3A_369 = arith.mulf %get3A_323, %get3A_53 : vector<16xf32>
      %mul3A_370 = arith.mulf %get3A_332, %get3A_56 : vector<16xf32>
      %add3A_371 = arith.addf %mul3A_363, %mul3A_364 : vector<16xf32>
      %add3A_372 = arith.addf %mul3A_365, %mul3A_366 : vector<16xf32>
      %add3A_373 = arith.addf %mul3A_367, %mul3A_368 : vector<16xf32>
      %add3A_374 = arith.addf %mul3A_369, %mul3A_370 : vector<16xf32>
      %add3A_375 = arith.addf %add3A_371, %add3A_372 : vector<16xf32>
      %add3A_376 = arith.addf %add3A_373, %add3A_374 : vector<16xf32>
      %add3A_377 = arith.addf %add3A_375, %add3A_376 : vector<16xf32>
      %xor3A = arith.constant 8 : i32
      %xor3A_378 = vector.broadcast %xor3A : i32 to vector<16xi32>
      %xor3A_379 = arith.xori %iota3A, %xor3A_378 : vector<16xi32>
      %lt3A = arith.constant 0 : i32
      %lt3A_380 = vector.broadcast %lt3A : i32 to vector<16xi32>
      %lt3A_381 = arith.cmpi slt, %xor3A_379, %lt3A_380 : vector<16xi32>
      %add3A_382 = arith.constant 16 : i32
      %add3A_383 = vector.broadcast %add3A_382 : i32 to vector<16xi32>
      %add3A_384 = arith.addi %xor3A_379, %add3A_383 : vector<16xi32>
      %select_n3A_385 = arith.select %lt3A_381, %add3A_384, %xor3A_379 : vector<16xi1>, vector<16xi32>
      %broadcast_in_dim3A_386 = vector.shape_cast %select_n3A_385 : vector<16xi32> to vector<16x1xi32>
      %gather3A = vector.shape_cast %broadcast_in_dim3A_386 : vector<16x1xi32> to vector<16xi32>
      %gather3A_387 = tpu.dynamic_gather %add3A_347[%gather3A] in [0] : vector<16xf32>, vector<16xi32> -> vector<16xf32>
      %add3A_388 = arith.addf %add3A_347, %gather3A_387 : vector<16xf32>
      %xor3A_389 = arith.constant 8 : i32
      %xor3A_390 = vector.broadcast %xor3A_389 : i32 to vector<16xi32>
      %xor3A_391 = arith.xori %iota3A, %xor3A_390 : vector<16xi32>
      %lt3A_392 = arith.constant 0 : i32
      %lt3A_393 = vector.broadcast %lt3A_392 : i32 to vector<16xi32>
      %lt3A_394 = arith.cmpi slt, %xor3A_391, %lt3A_393 : vector<16xi32>
      %add3A_395 = arith.constant 16 : i32
      %add3A_396 = vector.broadcast %add3A_395 : i32 to vector<16xi32>
      %add3A_397 = arith.addi %xor3A_391, %add3A_396 : vector<16xi32>
      %select_n3A_398 = arith.select %lt3A_394, %add3A_397, %xor3A_391 : vector<16xi1>, vector<16xi32>
      %broadcast_in_dim3A_399 = vector.shape_cast %select_n3A_398 : vector<16xi32> to vector<16x1xi32>
      %gather3A_400 = vector.shape_cast %broadcast_in_dim3A_399 : vector<16x1xi32> to vector<16xi32>
      %gather3A_401 = tpu.dynamic_gather %add3A_362[%gather3A_400] in [0] : vector<16xf32>, vector<16xi32> -> vector<16xf32>
      %add3A_402 = arith.addf %add3A_362, %gather3A_401 : vector<16xf32>
      %xor3A_403 = arith.constant 8 : i32
      %xor3A_404 = vector.broadcast %xor3A_403 : i32 to vector<16xi32>
      %xor3A_405 = arith.xori %iota3A, %xor3A_404 : vector<16xi32>
      %lt3A_406 = arith.constant 0 : i32
      %lt3A_407 = vector.broadcast %lt3A_406 : i32 to vector<16xi32>
      %lt3A_408 = arith.cmpi slt, %xor3A_405, %lt3A_407 : vector<16xi32>
      %add3A_409 = arith.constant 16 : i32
      %add3A_410 = vector.broadcast %add3A_409 : i32 to vector<16xi32>
      %add3A_411 = arith.addi %xor3A_405, %add3A_410 : vector<16xi32>
      %select_n3A_412 = arith.select %lt3A_408, %add3A_411, %xor3A_405 : vector<16xi1>, vector<16xi32>
      %broadcast_in_dim3A_413 = vector.shape_cast %select_n3A_412 : vector<16xi32> to vector<16x1xi32>
      %gather3A_414 = vector.shape_cast %broadcast_in_dim3A_413 : vector<16x1xi32> to vector<16xi32>
      %gather3A_415 = tpu.dynamic_gather %add3A_377[%gather3A_414] in [0] : vector<16xf32>, vector<16xi32> -> vector<16xf32>
      %add3A_416 = arith.addf %add3A_377, %gather3A_415 : vector<16xf32>
      %xor3A_417 = arith.constant 4 : i32
      %xor3A_418 = vector.broadcast %xor3A_417 : i32 to vector<16xi32>
      %xor3A_419 = arith.xori %iota3A, %xor3A_418 : vector<16xi32>
      %lt3A_420 = arith.constant 0 : i32
      %lt3A_421 = vector.broadcast %lt3A_420 : i32 to vector<16xi32>
      %lt3A_422 = arith.cmpi slt, %xor3A_419, %lt3A_421 : vector<16xi32>
      %add3A_423 = arith.constant 16 : i32
      %add3A_424 = vector.broadcast %add3A_423 : i32 to vector<16xi32>
      %add3A_425 = arith.addi %xor3A_419, %add3A_424 : vector<16xi32>
      %select_n3A_426 = arith.select %lt3A_422, %add3A_425, %xor3A_419 : vector<16xi1>, vector<16xi32>
      %broadcast_in_dim3A_427 = vector.shape_cast %select_n3A_426 : vector<16xi32> to vector<16x1xi32>
      %gather3A_428 = vector.shape_cast %broadcast_in_dim3A_427 : vector<16x1xi32> to vector<16xi32>
      %gather3A_429 = tpu.dynamic_gather %add3A_388[%gather3A_428] in [0] : vector<16xf32>, vector<16xi32> -> vector<16xf32>
      %add3A_430 = arith.addf %add3A_388, %gather3A_429 : vector<16xf32>
      %xor3A_431 = arith.constant 4 : i32
      %xor3A_432 = vector.broadcast %xor3A_431 : i32 to vector<16xi32>
      %xor3A_433 = arith.xori %iota3A, %xor3A_432 : vector<16xi32>
      %lt3A_434 = arith.constant 0 : i32
      %lt3A_435 = vector.broadcast %lt3A_434 : i32 to vector<16xi32>
      %lt3A_436 = arith.cmpi slt, %xor3A_433, %lt3A_435 : vector<16xi32>
      %add3A_437 = arith.constant 16 : i32
      %add3A_438 = vector.broadcast %add3A_437 : i32 to vector<16xi32>
      %add3A_439 = arith.addi %xor3A_433, %add3A_438 : vector<16xi32>
      %select_n3A_440 = arith.select %lt3A_436, %add3A_439, %xor3A_433 : vector<16xi1>, vector<16xi32>
      %broadcast_in_dim3A_441 = vector.shape_cast %select_n3A_440 : vector<16xi32> to vector<16x1xi32>
      %gather3A_442 = vector.shape_cast %broadcast_in_dim3A_441 : vector<16x1xi32> to vector<16xi32>
      %gather3A_443 = tpu.dynamic_gather %add3A_402[%gather3A_442] in [0] : vector<16xf32>, vector<16xi32> -> vector<16xf32>
      %add3A_444 = arith.addf %add3A_402, %gather3A_443 : vector<16xf32>
      %xor3A_445 = arith.constant 4 : i32
      %xor3A_446 = vector.broadcast %xor3A_445 : i32 to vector<16xi32>
      %xor3A_447 = arith.xori %iota3A, %xor3A_446 : vector<16xi32>
      %lt3A_448 = arith.constant 0 : i32
      %lt3A_449 = vector.broadcast %lt3A_448 : i32 to vector<16xi32>
      %lt3A_450 = arith.cmpi slt, %xor3A_447, %lt3A_449 : vector<16xi32>
      %add3A_451 = arith.constant 16 : i32
      %add3A_452 = vector.broadcast %add3A_451 : i32 to vector<16xi32>
      %add3A_453 = arith.addi %xor3A_447, %add3A_452 : vector<16xi32>
      %select_n3A_454 = arith.select %lt3A_450, %add3A_453, %xor3A_447 : vector<16xi1>, vector<16xi32>
      %broadcast_in_dim3A_455 = vector.shape_cast %select_n3A_454 : vector<16xi32> to vector<16x1xi32>
      %gather3A_456 = vector.shape_cast %broadcast_in_dim3A_455 : vector<16x1xi32> to vector<16xi32>
      %gather3A_457 = tpu.dynamic_gather %add3A_416[%gather3A_456] in [0] : vector<16xf32>, vector<16xi32> -> vector<16xf32>
      %add3A_458 = arith.addf %add3A_416, %gather3A_457 : vector<16xf32>
      %xor3A_459 = arith.constant 2 : i32
      %xor3A_460 = vector.broadcast %xor3A_459 : i32 to vector<16xi32>
      %xor3A_461 = arith.xori %iota3A, %xor3A_460 : vector<16xi32>
      %lt3A_462 = arith.constant 0 : i32
      %lt3A_463 = vector.broadcast %lt3A_462 : i32 to vector<16xi32>
      %lt3A_464 = arith.cmpi slt, %xor3A_461, %lt3A_463 : vector<16xi32>
      %add3A_465 = arith.constant 16 : i32
      %add3A_466 = vector.broadcast %add3A_465 : i32 to vector<16xi32>
      %add3A_467 = arith.addi %xor3A_461, %add3A_466 : vector<16xi32>
      %select_n3A_468 = arith.select %lt3A_464, %add3A_467, %xor3A_461 : vector<16xi1>, vector<16xi32>
      %broadcast_in_dim3A_469 = vector.shape_cast %select_n3A_468 : vector<16xi32> to vector<16x1xi32>
      %gather3A_470 = vector.shape_cast %broadcast_in_dim3A_469 : vector<16x1xi32> to vector<16xi32>
      %gather3A_471 = tpu.dynamic_gather %add3A_430[%gather3A_470] in [0] : vector<16xf32>, vector<16xi32> -> vector<16xf32>
      %add3A_472 = arith.addf %add3A_430, %gather3A_471 : vector<16xf32>
      %xor3A_473 = arith.constant 2 : i32
      %xor3A_474 = vector.broadcast %xor3A_473 : i32 to vector<16xi32>
      %xor3A_475 = arith.xori %iota3A, %xor3A_474 : vector<16xi32>
      %lt3A_476 = arith.constant 0 : i32
      %lt3A_477 = vector.broadcast %lt3A_476 : i32 to vector<16xi32>
      %lt3A_478 = arith.cmpi slt, %xor3A_475, %lt3A_477 : vector<16xi32>
      %add3A_479 = arith.constant 16 : i32
      %add3A_480 = vector.broadcast %add3A_479 : i32 to vector<16xi32>
      %add3A_481 = arith.addi %xor3A_475, %add3A_480 : vector<16xi32>
      %select_n3A_482 = arith.select %lt3A_478, %add3A_481, %xor3A_475 : vector<16xi1>, vector<16xi32>
      %broadcast_in_dim3A_483 = vector.shape_cast %select_n3A_482 : vector<16xi32> to vector<16x1xi32>
      %gather3A_484 = vector.shape_cast %broadcast_in_dim3A_483 : vector<16x1xi32> to vector<16xi32>
      %gather3A_485 = tpu.dynamic_gather %add3A_444[%gather3A_484] in [0] : vector<16xf32>, vector<16xi32> -> vector<16xf32>
      %add3A_486 = arith.addf %add3A_444, %gather3A_485 : vector<16xf32>
      %xor3A_487 = arith.constant 2 : i32
      %xor3A_488 = vector.broadcast %xor3A_487 : i32 to vector<16xi32>
      %xor3A_489 = arith.xori %iota3A, %xor3A_488 : vector<16xi32>
      %lt3A_490 = arith.constant 0 : i32
      %lt3A_491 = vector.broadcast %lt3A_490 : i32 to vector<16xi32>
      %lt3A_492 = arith.cmpi slt, %xor3A_489, %lt3A_491 : vector<16xi32>
      %add3A_493 = arith.constant 16 : i32
      %add3A_494 = vector.broadcast %add3A_493 : i32 to vector<16xi32>
      %add3A_495 = arith.addi %xor3A_489, %add3A_494 : vector<16xi32>
      %select_n3A_496 = arith.select %lt3A_492, %add3A_495, %xor3A_489 : vector<16xi1>, vector<16xi32>
      %broadcast_in_dim3A_497 = vector.shape_cast %select_n3A_496 : vector<16xi32> to vector<16x1xi32>
      %gather3A_498 = vector.shape_cast %broadcast_in_dim3A_497 : vector<16x1xi32> to vector<16xi32>
      %gather3A_499 = tpu.dynamic_gather %add3A_458[%gather3A_498] in [0] : vector<16xf32>, vector<16xi32> -> vector<16xf32>
      %add3A_500 = arith.addf %add3A_458, %gather3A_499 : vector<16xf32>
      %xor3A_501 = arith.constant 1 : i32
      %xor3A_502 = vector.broadcast %xor3A_501 : i32 to vector<16xi32>
      %xor3A_503 = arith.xori %iota3A, %xor3A_502 : vector<16xi32>
      %lt3A_504 = arith.constant 0 : i32
      %lt3A_505 = vector.broadcast %lt3A_504 : i32 to vector<16xi32>
      %lt3A_506 = arith.cmpi slt, %xor3A_503, %lt3A_505 : vector<16xi32>
      %add3A_507 = arith.constant 16 : i32
      %add3A_508 = vector.broadcast %add3A_507 : i32 to vector<16xi32>
      %add3A_509 = arith.addi %xor3A_503, %add3A_508 : vector<16xi32>
      %select_n3A_510 = arith.select %lt3A_506, %add3A_509, %xor3A_503 : vector<16xi1>, vector<16xi32>
      %broadcast_in_dim3A_511 = vector.shape_cast %select_n3A_510 : vector<16xi32> to vector<16x1xi32>
      %gather3A_512 = vector.shape_cast %broadcast_in_dim3A_511 : vector<16x1xi32> to vector<16xi32>
      %gather3A_513 = tpu.dynamic_gather %add3A_472[%gather3A_512] in [0] : vector<16xf32>, vector<16xi32> -> vector<16xf32>
      %add3A_514 = arith.addf %add3A_472, %gather3A_513 : vector<16xf32>
      %xor3A_515 = arith.constant 1 : i32
      %xor3A_516 = vector.broadcast %xor3A_515 : i32 to vector<16xi32>
      %xor3A_517 = arith.xori %iota3A, %xor3A_516 : vector<16xi32>
      %lt3A_518 = arith.constant 0 : i32
      %lt3A_519 = vector.broadcast %lt3A_518 : i32 to vector<16xi32>
      %lt3A_520 = arith.cmpi slt, %xor3A_517, %lt3A_519 : vector<16xi32>
      %add3A_521 = arith.constant 16 : i32
      %add3A_522 = vector.broadcast %add3A_521 : i32 to vector<16xi32>
      %add3A_523 = arith.addi %xor3A_517, %add3A_522 : vector<16xi32>
      %select_n3A_524 = arith.select %lt3A_520, %add3A_523, %xor3A_517 : vector<16xi1>, vector<16xi32>
      %broadcast_in_dim3A_525 = vector.shape_cast %select_n3A_524 : vector<16xi32> to vector<16x1xi32>
      %gather3A_526 = vector.shape_cast %broadcast_in_dim3A_525 : vector<16x1xi32> to vector<16xi32>
      %gather3A_527 = tpu.dynamic_gather %add3A_486[%gather3A_526] in [0] : vector<16xf32>, vector<16xi32> -> vector<16xf32>
      %add3A_528 = arith.addf %add3A_486, %gather3A_527 : vector<16xf32>
      %xor3A_529 = arith.constant 1 : i32
      %xor3A_530 = vector.broadcast %xor3A_529 : i32 to vector<16xi32>
      %xor3A_531 = arith.xori %iota3A, %xor3A_530 : vector<16xi32>
      %lt3A_532 = arith.constant 0 : i32
      %lt3A_533 = vector.broadcast %lt3A_532 : i32 to vector<16xi32>
      %lt3A_534 = arith.cmpi slt, %xor3A_531, %lt3A_533 : vector<16xi32>
      %add3A_535 = arith.constant 16 : i32
      %add3A_536 = vector.broadcast %add3A_535 : i32 to vector<16xi32>
      %add3A_537 = arith.addi %xor3A_531, %add3A_536 : vector<16xi32>
      %select_n3A_538 = arith.select %lt3A_534, %add3A_537, %xor3A_531 : vector<16xi1>, vector<16xi32>
      %broadcast_in_dim3A_539 = vector.shape_cast %select_n3A_538 : vector<16xi32> to vector<16x1xi32>
      %gather3A_540 = vector.shape_cast %broadcast_in_dim3A_539 : vector<16x1xi32> to vector<16xi32>
      %gather3A_541 = tpu.dynamic_gather %add3A_500[%gather3A_540] in [0] : vector<16xf32>, vector<16xi32> -> vector<16xf32>
      %add3A_542 = arith.addf %add3A_500, %gather3A_541 : vector<16xf32>
      %add3A_543 = arith.addf %get3A_59, %add3A_514 : vector<16xf32>
      %exp3A = math.exp %add3A_543 : vector<16xf32>
      %add3A_544 = arith.addf %get3A_59, %add3A_528 : vector<16xf32>
      %exp3A_545 = math.exp %add3A_544 : vector<16xf32>
      %add3A_546 = arith.addf %get3A_59, %add3A_542 : vector<16xf32>
      %exp3A_547 = math.exp %add3A_546 : vector<16xf32>
      %mul3A_548 = arith.mulf %exp3A, %get3A_125 : vector<16xf32>
      %swap3A = arith.index_cast %squeeze3A : i32 to index
      %swap3A_549 = arith.constant 0 : index
      %swap3A_550 = tpu.vector_load %arg13[%swap3A, %swap3A_549] {strides = array<i32>} : memref<256x128xf32, #tpu.memory_space<vmem>>, vector<1x16xf32>,
      %swap3A_551 = vector.shape_cast %swap3A_550 : vector<1x16xf32> to vector<16xf32>
      %swap3A_552 = vector.shape_cast %mul3A_548 : vector<16xf32> to vector<1x16xf32>
      tpu.vector_store %arg13[%swap3A, %swap3A_549], %swap3A_552 {add = true, strides = array<i32>} : memref<256x128xf32, #tpu.memory_space<vmem>>, vector<1x16xf32>,
      %mul3A_553 = arith.mulf %exp3A, %get3A_134 : vector<16xf32>
      %swap3A_554 = arith.index_cast %squeeze3A : i32 to index
      %swap3A_555 = arith.constant 16 : index
      %swap3A_556 = tpu.vector_load %arg13[%swap3A_554, %swap3A_555] {strides = array<i32>} : memref<256x128xf32, #tpu.memory_space<vmem>>, vector<1x16xf32>,
      %swap3A_557 = vector.shape_cast %swap3A_556 : vector<1x16xf32> to vector<16xf32>
      %swap3A_558 = vector.shape_cast %mul3A_553 : vector<16xf32> to vector<1x16xf32>
      tpu.vector_store %arg13[%swap3A_554, %swap3A_555], %swap3A_558 {add = true, strides = array<i32>} : memref<256x128xf32, #tpu.memory_space<vmem>>, vector<1x16xf32>,
      %mul3A_559 = arith.mulf %exp3A, %get3A_143 : vector<16xf32>
      %swap3A_560 = arith.index_cast %squeeze3A : i32 to index
      %swap3A_561 = arith.constant 32 : index
      %swap3A_562 = tpu.vector_load %arg13[%swap3A_560, %swap3A_561] {strides = array<i32>} : memref<256x128xf32, #tpu.memory_space<vmem>>, vector<1x16xf32>,
      %swap3A_563 = vector.shape_cast %swap3A_562 : vector<1x16xf32> to vector<16xf32>
      %swap3A_564 = vector.shape_cast %mul3A_559 : vector<16xf32> to vector<1x16xf32>
      tpu.vector_store %arg13[%swap3A_560, %swap3A_561], %swap3A_564 {add = true, strides = array<i32>} : memref<256x128xf32, #tpu.memory_space<vmem>>, vector<1x16xf32>,
      %mul3A_565 = arith.mulf %exp3A, %get3A_152 : vector<16xf32>
      %swap3A_566 = arith.index_cast %squeeze3A : i32 to index
      %swap3A_567 = arith.constant 48 : index
      %swap3A_568 = tpu.vector_load %arg13[%swap3A_566, %swap3A_567] {strides = array<i32>} : memref<256x128xf32, #tpu.memory_space<vmem>>, vector<1x16xf32>,
      %swap3A_569 = vector.shape_cast %swap3A_568 : vector<1x16xf32> to vector<16xf32>
      %swap3A_570 = vector.shape_cast %mul3A_565 : vector<16xf32> to vector<1x16xf32>
      tpu.vector_store %arg13[%swap3A_566, %swap3A_567], %swap3A_570 {add = true, strides = array<i32>} : memref<256x128xf32, #tpu.memory_space<vmem>>, vector<1x16xf32>,
      %mul3A_571 = arith.mulf %exp3A, %get3A_161 : vector<16xf32>
      %swap3A_572 = arith.index_cast %squeeze3A : i32 to index
      %swap3A_573 = arith.constant 64 : index
      %swap3A_574 = tpu.vector_load %arg13[%swap3A_572, %swap3A_573] {strides = array<i32>} : memref<256x128xf32, #tpu.memory_space<vmem>>, vector<1x16xf32>,
      %swap3A_575 = vector.shape_cast %swap3A_574 : vector<1x16xf32> to vector<16xf32>
      %swap3A_576 = vector.shape_cast %mul3A_571 : vector<16xf32> to vector<1x16xf32>
      tpu.vector_store %arg13[%swap3A_572, %swap3A_573], %swap3A_576 {add = true, strides = array<i32>} : memref<256x128xf32, #tpu.memory_space<vmem>>, vector<1x16xf32>,
      %mul3A_577 = arith.mulf %exp3A, %get3A_170 : vector<16xf32>
      %swap3A_578 = arith.index_cast %squeeze3A : i32 to index
      %swap3A_579 = arith.constant 80 : index
      %swap3A_580 = tpu.vector_load %arg13[%swap3A_578, %swap3A_579] {strides = array<i32>} : memref<256x128xf32, #tpu.memory_space<vmem>>, vector<1x16xf32>,
      %swap3A_581 = vector.shape_cast %swap3A_580 : vector<1x16xf32> to vector<16xf32>
      %swap3A_582 = vector.shape_cast %mul3A_577 : vector<16xf32> to vector<1x16xf32>
      tpu.vector_store %arg13[%swap3A_578, %swap3A_579], %swap3A_582 {add = true, strides = array<i32>} : memref<256x128xf32, #tpu.memory_space<vmem>>, vector<1x16xf32>,
      %mul3A_583 = arith.mulf %exp3A, %get3A_179 : vector<16xf32>
      %swap3A_584 = arith.index_cast %squeeze3A : i32 to index
      %swap3A_585 = arith.constant 96 : index
      %swap3A_586 = tpu.vector_load %arg13[%swap3A_584, %swap3A_585] {strides = array<i32>} : memref<256x128xf32, #tpu.memory_space<vmem>>, vector<1x16xf32>,
      %swap3A_587 = vector.shape_cast %swap3A_586 : vector<1x16xf32> to vector<16xf32>
      %swap3A_588 = vector.shape_cast %mul3A_583 : vector<16xf32> to vector<1x16xf32>
      tpu.vector_store %arg13[%swap3A_584, %swap3A_585], %swap3A_588 {add = true, strides = array<i32>} : memref<256x128xf32, #tpu.memory_space<vmem>>, vector<1x16xf32>,
      %mul3A_589 = arith.mulf %exp3A, %get3A_188 : vector<16xf32>
      %swap3A_590 = arith.index_cast %squeeze3A : i32 to index
      %swap3A_591 = arith.constant 112 : index
      %swap3A_592 = tpu.vector_load %arg13[%swap3A_590, %swap3A_591] {strides = array<i32>} : memref<256x128xf32, #tpu.memory_space<vmem>>, vector<1x16xf32>,
      %swap3A_593 = vector.shape_cast %swap3A_592 : vector<1x16xf32> to vector<16xf32>
      %swap3A_594 = vector.shape_cast %mul3A_589 : vector<16xf32> to vector<1x16xf32>
      tpu.vector_store %arg13[%swap3A_590, %swap3A_591], %swap3A_594 {add = true, strides = array<i32>} : memref<256x128xf32, #tpu.memory_space<vmem>>, vector<1x16xf32>,
      %swap3A_595 = arith.index_cast %squeeze3A : i32 to index
      %swap3A_596 = arith.constant 0 : index
      %swap3A_597 = tpu.vector_load %arg14[%swap3A_595, %swap3A_596] {strides = array<i32>} : memref<256x16xf32, #tpu.memory_space<vmem>>, vector<1x16xf32>,
      %swap3A_598 = vector.shape_cast %swap3A_597 : vector<1x16xf32> to vector<16xf32>
      %swap3A_599 = vector.shape_cast %exp3A : vector<16xf32> to vector<1x16xf32>
      tpu.vector_store %arg14[%swap3A_595, %swap3A_596], %swap3A_599 {add = true, strides = array<i32>} : memref<256x16xf32, #tpu.memory_space<vmem>>, vector<1x16xf32>,
      %mul3A_600 = arith.mulf %exp3A_545, %get3A_197 : vector<16xf32>
      %swap3A_601 = arith.index_cast %squeeze3A_106 : i32 to index
      %swap3A_602 = arith.constant 0 : index
      %swap3A_603 = tpu.vector_load %arg13[%swap3A_601, %swap3A_602] {strides = array<i32>} : memref<256x128xf32, #tpu.memory_space<vmem>>, vector<1x16xf32>,
      %swap3A_604 = vector.shape_cast %swap3A_603 : vector<1x16xf32> to vector<16xf32>
      %swap3A_605 = vector.shape_cast %mul3A_600 : vector<16xf32> to vector<1x16xf32>
      tpu.vector_store %arg13[%swap3A_601, %swap3A_602], %swap3A_605 {add = true, strides = array<i32>} : memref<256x128xf32, #tpu.memory_space<vmem>>, vector<1x16xf32>,
      %mul3A_606 = arith.mulf %exp3A_545, %get3A_206 : vector<16xf32>
      %swap3A_607 = arith.index_cast %squeeze3A_106 : i32 to index
      %swap3A_608 = arith.constant 16 : index
      %swap3A_609 = tpu.vector_load %arg13[%swap3A_607, %swap3A_608] {strides = array<i32>} : memref<256x128xf32, #tpu.memory_space<vmem>>, vector<1x16xf32>,
      %swap3A_610 = vector.shape_cast %swap3A_609 : vector<1x16xf32> to vector<16xf32>
      %swap3A_611 = vector.shape_cast %mul3A_606 : vector<16xf32> to vector<1x16xf32>
      tpu.vector_store %arg13[%swap3A_607, %swap3A_608], %swap3A_611 {add = true, strides = array<i32>} : memref<256x128xf32, #tpu.memory_space<vmem>>, vector<1x16xf32>,
      %mul3A_612 = arith.mulf %exp3A_545, %get3A_215 : vector<16xf32>
      %swap3A_613 = arith.index_cast %squeeze3A_106 : i32 to index
      %swap3A_614 = arith.constant 32 : index
      %swap3A_615 = tpu.vector_load %arg13[%swap3A_613, %swap3A_614] {strides = array<i32>} : memref<256x128xf32, #tpu.memory_space<vmem>>, vector<1x16xf32>,
      %swap3A_616 = vector.shape_cast %swap3A_615 : vector<1x16xf32> to vector<16xf32>
      %swap3A_617 = vector.shape_cast %mul3A_612 : vector<16xf32> to vector<1x16xf32>
      tpu.vector_store %arg13[%swap3A_613, %swap3A_614], %swap3A_617 {add = true, strides = array<i32>} : memref<256x128xf32, #tpu.memory_space<vmem>>, vector<1x16xf32>,
      %mul3A_618 = arith.mulf %exp3A_545, %get3A_224 : vector<16xf32>
      %swap3A_619 = arith.index_cast %squeeze3A_106 : i32 to index
      %swap3A_620 = arith.constant 48 : index
      %swap3A_621 = tpu.vector_load %arg13[%swap3A_619, %swap3A_620] {strides = array<i32>} : memref<256x128xf32, #tpu.memory_space<vmem>>, vector<1x16xf32>,
      %swap3A_622 = vector.shape_cast %swap3A_621 : vector<1x16xf32> to vector<16xf32>
      %swap3A_623 = vector.shape_cast %mul3A_618 : vector<16xf32> to vector<1x16xf32>
      tpu.vector_store %arg13[%swap3A_619, %swap3A_620], %swap3A_623 {add = true, strides = array<i32>} : memref<256x128xf32, #tpu.memory_space<vmem>>, vector<1x16xf32>,
      %mul3A_624 = arith.mulf %exp3A_545, %get3A_233 : vector<16xf32>
      %swap3A_625 = arith.index_cast %squeeze3A_106 : i32 to index
      %swap3A_626 = arith.constant 64 : index
      %swap3A_627 = tpu.vector_load %arg13[%swap3A_625, %swap3A_626] {strides = array<i32>} : memref<256x128xf32, #tpu.memory_space<vmem>>, vector<1x16xf32>,
      %swap3A_628 = vector.shape_cast %swap3A_627 : vector<1x16xf32> to vector<16xf32>
      %swap3A_629 = vector.shape_cast %mul3A_624 : vector<16xf32> to vector<1x16xf32>
      tpu.vector_store %arg13[%swap3A_625, %swap3A_626], %swap3A_629 {add = true, strides = array<i32>} : memref<256x128xf32, #tpu.memory_space<vmem>>, vector<1x16xf32>,
      %mul3A_630 = arith.mulf %exp3A_545, %get3A_242 : vector<16xf32>
      %swap3A_631 = arith.index_cast %squeeze3A_106 : i32 to index
      %swap3A_632 = arith.constant 80 : index
      %swap3A_633 = tpu.vector_load %arg13[%swap3A_631, %swap3A_632] {strides = array<i32>} : memref<256x128xf32, #tpu.memory_space<vmem>>, vector<1x16xf32>,
      %swap3A_634 = vector.shape_cast %swap3A_633 : vector<1x16xf32> to vector<16xf32>
      %swap3A_635 = vector.shape_cast %mul3A_630 : vector<16xf32> to vector<1x16xf32>
      tpu.vector_store %arg13[%swap3A_631, %swap3A_632], %swap3A_635 {add = true, strides = array<i32>} : memref<256x128xf32, #tpu.memory_space<vmem>>, vector<1x16xf32>,
      %mul3A_636 = arith.mulf %exp3A_545, %get3A_251 : vector<16xf32>
      %swap3A_637 = arith.index_cast %squeeze3A_106 : i32 to index
      %swap3A_638 = arith.constant 96 : index
      %swap3A_639 = tpu.vector_load %arg13[%swap3A_637, %swap3A_638] {strides = array<i32>} : memref<256x128xf32, #tpu.memory_space<vmem>>, vector<1x16xf32>,
      %swap3A_640 = vector.shape_cast %swap3A_639 : vector<1x16xf32> to vector<16xf32>
      %swap3A_641 = vector.shape_cast %mul3A_636 : vector<16xf32> to vector<1x16xf32>
      tpu.vector_store %arg13[%swap3A_637, %swap3A_638], %swap3A_641 {add = true, strides = array<i32>} : memref<256x128xf32, #tpu.memory_space<vmem>>, vector<1x16xf32>,
      %mul3A_642 = arith.mulf %exp3A_545, %get3A_260 : vector<16xf32>
      %swap3A_643 = arith.index_cast %squeeze3A_106 : i32 to index
      %swap3A_644 = arith.constant 112 : index
      %swap3A_645 = tpu.vector_load %arg13[%swap3A_643, %swap3A_644] {strides = array<i32>} : memref<256x128xf32, #tpu.memory_space<vmem>>, vector<1x16xf32>,
      %swap3A_646 = vector.shape_cast %swap3A_645 : vector<1x16xf32> to vector<16xf32>
      %swap3A_647 = vector.shape_cast %mul3A_642 : vector<16xf32> to vector<1x16xf32>
      tpu.vector_store %arg13[%swap3A_643, %swap3A_644], %swap3A_647 {add = true, strides = array<i32>} : memref<256x128xf32, #tpu.memory_space<vmem>>, vector<1x16xf32>,
      %swap3A_648 = arith.index_cast %squeeze3A_106 : i32 to index
      %swap3A_649 = arith.constant 0 : index
      %swap3A_650 = tpu.vector_load %arg14[%swap3A_648, %swap3A_649] {strides = array<i32>} : memref<256x16xf32, #tpu.memory_space<vmem>>, vector<1x16xf32>,
      %swap3A_651 = vector.shape_cast %swap3A_650 : vector<1x16xf32> to vector<16xf32>
      %swap3A_652 = vector.shape_cast %exp3A_545 : vector<16xf32> to vector<1x16xf32>
      tpu.vector_store %arg14[%swap3A_648, %swap3A_649], %swap3A_652 {add = true, strides = array<i32>} : memref<256x16xf32, #tpu.memory_space<vmem>>, vector<1x16xf32>,
      %mul3A_653 = arith.mulf %exp3A_547, %get3A_269 : vector<16xf32>
      %swap3A_654 = arith.index_cast %squeeze3A_116 : i32 to index
      %swap3A_655 = arith.constant 0 : index
      %swap3A_656 = tpu.vector_load %arg13[%swap3A_654, %swap3A_655] {strides = array<i32>} : memref<256x128xf32, #tpu.memory_space<vmem>>, vector<1x16xf32>,
      %swap3A_657 = vector.shape_cast %swap3A_656 : vector<1x16xf32> to vector<16xf32>
      %swap3A_658 = vector.shape_cast %mul3A_653 : vector<16xf32> to vector<1x16xf32>
      tpu.vector_store %arg13[%swap3A_654, %swap3A_655], %swap3A_658 {add = true, strides = array<i32>} : memref<256x128xf32, #tpu.memory_space<vmem>>, vector<1x16xf32>,
      %mul3A_659 = arith.mulf %exp3A_547, %get3A_278 : vector<16xf32>
      %swap3A_660 = arith.index_cast %squeeze3A_116 : i32 to index
      %swap3A_661 = arith.constant 16 : index
      %swap3A_662 = tpu.vector_load %arg13[%swap3A_660, %swap3A_661] {strides = array<i32>} : memref<256x128xf32, #tpu.memory_space<vmem>>, vector<1x16xf32>,
      %swap3A_663 = vector.shape_cast %swap3A_662 : vector<1x16xf32> to vector<16xf32>
      %swap3A_664 = vector.shape_cast %mul3A_659 : vector<16xf32> to vector<1x16xf32>
      tpu.vector_store %arg13[%swap3A_660, %swap3A_661], %swap3A_664 {add = true, strides = array<i32>} : memref<256x128xf32, #tpu.memory_space<vmem>>, vector<1x16xf32>,
      %mul3A_665 = arith.mulf %exp3A_547, %get3A_287 : vector<16xf32>
      %swap3A_666 = arith.index_cast %squeeze3A_116 : i32 to index
      %swap3A_667 = arith.constant 32 : index
      %swap3A_668 = tpu.vector_load %arg13[%swap3A_666, %swap3A_667] {strides = array<i32>} : memref<256x128xf32, #tpu.memory_space<vmem>>, vector<1x16xf32>,
      %swap3A_669 = vector.shape_cast %swap3A_668 : vector<1x16xf32> to vector<16xf32>
      %swap3A_670 = vector.shape_cast %mul3A_665 : vector<16xf32> to vector<1x16xf32>
      tpu.vector_store %arg13[%swap3A_666, %swap3A_667], %swap3A_670 {add = true, strides = array<i32>} : memref<256x128xf32, #tpu.memory_space<vmem>>, vector<1x16xf32>,
      %mul3A_671 = arith.mulf %exp3A_547, %get3A_296 : vector<16xf32>
      %swap3A_672 = arith.index_cast %squeeze3A_116 : i32 to index
      %swap3A_673 = arith.constant 48 : index
      %swap3A_674 = tpu.vector_load %arg13[%swap3A_672, %swap3A_673] {strides = array<i32>} : memref<256x128xf32, #tpu.memory_space<vmem>>, vector<1x16xf32>,
      %swap3A_675 = vector.shape_cast %swap3A_674 : vector<1x16xf32> to vector<16xf32>
      %swap3A_676 = vector.shape_cast %mul3A_671 : vector<16xf32> to vector<1x16xf32>
      tpu.vector_store %arg13[%swap3A_672, %swap3A_673], %swap3A_676 {add = true, strides = array<i32>} : memref<256x128xf32, #tpu.memory_space<vmem>>, vector<1x16xf32>,
      %mul3A_677 = arith.mulf %exp3A_547, %get3A_305 : vector<16xf32>
      %swap3A_678 = arith.index_cast %squeeze3A_116 : i32 to index
      %swap3A_679 = arith.constant 64 : index
      %swap3A_680 = tpu.vector_load %arg13[%swap3A_678, %swap3A_679] {strides = array<i32>} : memref<256x128xf32, #tpu.memory_space<vmem>>, vector<1x16xf32>,
      %swap3A_681 = vector.shape_cast %swap3A_680 : vector<1x16xf32> to vector<16xf32>
      %swap3A_682 = vector.shape_cast %mul3A_677 : vector<16xf32> to vector<1x16xf32>
      tpu.vector_store %arg13[%swap3A_678, %swap3A_679], %swap3A_682 {add = true, strides = array<i32>} : memref<256x128xf32, #tpu.memory_space<vmem>>, vector<1x16xf32>,
      %mul3A_683 = arith.mulf %exp3A_547, %get3A_314 : vector<16xf32>
      %swap3A_684 = arith.index_cast %squeeze3A_116 : i32 to index
      %swap3A_685 = arith.constant 80 : index
      %swap3A_686 = tpu.vector_load %arg13[%swap3A_684, %swap3A_685] {strides = array<i32>} : memref<256x128xf32, #tpu.memory_space<vmem>>, vector<1x16xf32>,
      %swap3A_687 = vector.shape_cast %swap3A_686 : vector<1x16xf32> to vector<16xf32>
      %swap3A_688 = vector.shape_cast %mul3A_683 : vector<16xf32> to vector<1x16xf32>
      tpu.vector_store %arg13[%swap3A_684, %swap3A_685], %swap3A_688 {add = true, strides = array<i32>} : memref<256x128xf32, #tpu.memory_space<vmem>>, vector<1x16xf32>,
      %mul3A_689 = arith.mulf %exp3A_547, %get3A_323 : vector<16xf32>
      %swap3A_690 = arith.index_cast %squeeze3A_116 : i32 to index
      %swap3A_691 = arith.constant 96 : index
      %swap3A_692 = tpu.vector_load %arg13[%swap3A_690, %swap3A_691] {strides = array<i32>} : memref<256x128xf32, #tpu.memory_space<vmem>>, vector<1x16xf32>,
      %swap3A_693 = vector.shape_cast %swap3A_692 : vector<1x16xf32> to vector<16xf32>
      %swap3A_694 = vector.shape_cast %mul3A_689 : vector<16xf32> to vector<1x16xf32>
      tpu.vector_store %arg13[%swap3A_690, %swap3A_691], %swap3A_694 {add = true, strides = array<i32>} : memref<256x128xf32, #tpu.memory_space<vmem>>, vector<1x16xf32>,
      %mul3A_695 = arith.mulf %exp3A_547, %get3A_332 : vector<16xf32>
      %swap3A_696 = arith.index_cast %squeeze3A_116 : i32 to index
      %swap3A_697 = arith.constant 112 : index
      %swap3A_698 = tpu.vector_load %arg13[%swap3A_696, %swap3A_697] {strides = array<i32>} : memref<256x128xf32, #tpu.memory_space<vmem>>, vector<1x16xf32>,
      %swap3A_699 = vector.shape_cast %swap3A_698 : vector<1x16xf32> to vector<16xf32>
      %swap3A_700 = vector.shape_cast %mul3A_695 : vector<16xf32> to vector<1x16xf32>
      tpu.vector_store %arg13[%swap3A_696, %swap3A_697], %swap3A_700 {add = true, strides = array<i32>} : memref<256x128xf32, #tpu.memory_space<vmem>>, vector<1x16xf32>,
      %swap3A_701 = arith.index_cast %squeeze3A_116 : i32 to index
      %swap3A_702 = arith.constant 0 : index
      %swap3A_703 = tpu.vector_load %arg14[%swap3A_701, %swap3A_702] {strides = array<i32>} : memref<256x16xf32, #tpu.memory_space<vmem>>, vector<1x16xf32>,
      %swap3A_704 = vector.shape_cast %swap3A_703 : vector<1x16xf32> to vector<16xf32>
      %swap3A_705 = vector.shape_cast %exp3A_547 : vector<16xf32> to vector<1x16xf32>
      tpu.vector_store %arg14[%swap3A_701, %swap3A_702], %swap3A_705 {add = true, strides = array<i32>} : memref<256x16xf32, #tpu.memory_space<vmem>>, vector<1x16xf32>,
    }
    %scan3A_81 = arith.constant 25 : i32
    %mul3A_82 = arith.constant 256 : i32
    %mul3A_83 = arith.muli %add3A, %mul3A_82 : i32
    "tpu.region"() ({
      %run_scoped3A = tpu.sem_alloc : memref<!tpu.dma_semaphore, #tpu.memory_space<semaphore_mem>>
      %dma_start3A_86 = arith.constant 0 : i32
      %dma_start3A_87 = tpu.memref_slice %arg6[%mul3A_83, %dma_start3A_86] : memref<8192x128xf32, #tpu.memory_space<hbm>> -> memref<256x128xf32, #tpu.memory_space<hbm>>
      %dma_start3A_88 = arith.constant 0 : i32
      %dma_start3A_89 = tpu.memref_slice %arg6[%mul3A_83, %dma_start3A_88] : memref<8192x128xf32, #tpu.memory_space<hbm>> -> memref<256x128xf32, #tpu.memory_space<hbm>>
      tpu.enqueue_dma source(%arg13 : memref<256x128xf32, #tpu.memory_space<vmem>>) target(%dma_start3A_89 : memref<256x128xf32, #tpu.memory_space<hbm>>) target_semaphore(%run_scoped3A : memref<!tpu.dma_semaphore, #tpu.memory_space<semaphore_mem>>)
      %dma_wait3A_90 = arith.constant 0 : i32
      %dma_wait3A_91 = tpu.memref_slice %arg6[%mul3A_83, %dma_wait3A_90] : memref<8192x128xf32, #tpu.memory_space<hbm>> -> memref<256x128xf32, #tpu.memory_space<hbm>>
      %dma_wait3A_92 = arith.constant 0 : i32
      %dma_wait3A_93 = tpu.memref_slice %arg6[%mul3A_83, %dma_wait3A_92] : memref<8192x128xf32, #tpu.memory_space<hbm>> -> memref<256x128xf32, #tpu.memory_space<hbm>>
      tpu.wait_dma2 semaphore(%run_scoped3A : memref<!tpu.dma_semaphore, #tpu.memory_space<semaphore_mem>>) src(%arg13 : memref<256x128xf32, #tpu.memory_space<vmem>>) dst(%dma_wait3A_93 : memref<256x128xf32, #tpu.memory_space<hbm>>)
      tpu.yield
    }) : () -> ()
    %mul3A_84 = arith.constant 256 : i32
    %mul3A_85 = arith.muli %add3A, %mul3A_84 : i32
    "tpu.region"() ({
      %run_scoped3A = tpu.sem_alloc : memref<!tpu.dma_semaphore, #tpu.memory_space<semaphore_mem>>
      %dma_start3A_86 = arith.constant 0 : i32
      %dma_start3A_87 = tpu.memref_slice %arg7[%mul3A_85, %dma_start3A_86] : memref<8192x16xf32, #tpu.memory_space<hbm>> -> memref<256x16xf32, #tpu.memory_space<hbm>>
      %dma_start3A_88 = arith.constant 0 : i32
      %dma_start3A_89 = tpu.memref_slice %arg7[%mul3A_85, %dma_start3A_88] : memref<8192x16xf32, #tpu.memory_space<hbm>> -> memref<256x16xf32, #tpu.memory_space<hbm>>
      tpu.enqueue_dma source(%arg14 : memref<256x16xf32, #tpu.memory_space<vmem>>) target(%dma_start3A_89 : memref<256x16xf32, #tpu.memory_space<hbm>>) target_semaphore(%run_scoped3A : memref<!tpu.dma_semaphore, #tpu.memory_space<semaphore_mem>>)
      %dma_wait3A_90 = arith.constant 0 : i32
      %dma_wait3A_91 = tpu.memref_slice %arg7[%mul3A_85, %dma_wait3A_90] : memref<8192x16xf32, #tpu.memory_space<hbm>> -> memref<256x16xf32, #tpu.memory_space<hbm>>
      %dma_wait3A_92 = arith.constant 0 : i32
      %dma_wait3A_93 = tpu.memref_slice %arg7[%mul3A_85, %dma_wait3A_92] : memref<8192x16xf32, #tpu.memory_space<hbm>> -> memref<256x16xf32, #tpu.memory_space<hbm>>
      tpu.wait_dma2 semaphore(%run_scoped3A : memref<!tpu.dma_semaphore, #tpu.memory_space<semaphore_mem>>) src(%arg14 : memref<256x16xf32, #tpu.memory_space<vmem>>) dst(%dma_wait3A_93 : memref<256x16xf32, #tpu.memory_space<hbm>>)
      tpu.yield
    }) : () -> ()
    return
  }
}

module attributes {stable_mosaic.version = 14 : i64} {
  func.func @_ep_body(%arg0: memref<32x256x128xf32, #tpu.memory_space<vmem>>, %arg1: memref<32x256x16xf32, #tpu.memory_space<vmem>>, %arg2: memref<256x128xf32, #tpu.memory_space<vmem>>, %arg3: memref<256x8xf32, #tpu.memory_space<vmem>>, %arg4: memref<256x128xf32, #tpu.memory_space<vmem>>) attributes {dimension_semantics = [], scalar_prefetch = 0 : i64, scratch_operands = 0 : i64, tpu.core_type = #tpu.core_type<tc>} {
    %get3A = arith.constant 0 : index
    %get3A_0 = arith.constant 0 : index
    %get3A_1 = vector.load %arg2[%get3A, %get3A_0] : memref<256x128xf32, #tpu.memory_space<vmem>>, vector<256x128xf32>
    %get3A_2 = arith.constant 0 : index
    %get3A_3 = arith.constant 0 : index
    %get3A_4 = arith.constant 0 : index
    %get3A_5 = vector.load %arg0[%get3A_2, %get3A_3, %get3A_4] : memref<32x256x128xf32, #tpu.memory_space<vmem>>, vector<32x256x128xf32>
    %reduce_sum3A = arith.constant dense<0.000000e+00> : vector<256x128xf32>
    %reduce_sum3A_6 = vector.multi_reduction <add>, %get3A_5, %reduce_sum3A [0] : vector<32x256x128xf32> to vector<256x128xf32>
    %add3A = arith.addf %get3A_1, %reduce_sum3A_6 : vector<256x128xf32>
    %get3A_7 = arith.constant 0 : index
    %get3A_8 = arith.constant 0 : index
    %get3A_9 = vector.load %arg3[%get3A_7, %get3A_8] : memref<256x8xf32, #tpu.memory_space<vmem>>, vector<256x1xf32>
    %get3A_10 = arith.constant 0 : index
    %get3A_11 = arith.constant 0 : index
    %get3A_12 = arith.constant 0 : index
    %get3A_13 = vector.load %arg1[%get3A_10, %get3A_11, %get3A_12] : memref<32x256x16xf32, #tpu.memory_space<vmem>>, vector<32x256x1xf32>
    %reduce_sum3A_14 = arith.constant dense<0.000000e+00> : vector<256x1xf32>
    %reduce_sum3A_15 = vector.multi_reduction <add>, %get3A_13, %reduce_sum3A_14 [0] : vector<32x256x1xf32> to vector<256x1xf32>
    %add3A_16 = arith.addf %get3A_9, %reduce_sum3A_15 : vector<256x1xf32>
    %max3A = arith.constant 1.000000e-30 : f32
    %max3A_17 = vector.broadcast %max3A : f32 to vector<256x1xf32>
    %max3A_18 = arith.maximumf %add3A_16, %max3A_17 : vector<256x1xf32>
    %div3A = vector.broadcast %max3A_18 : vector<256x1xf32> to vector<256x128xf32>
    %div3A_19 = arith.divf %add3A, %div3A : vector<256x128xf32>
    %swap3A = arith.constant 0 : index
    %swap3A_20 = arith.constant 0 : index
    %swap3A_21 = vector.load %arg4[%swap3A, %swap3A_20] : memref<256x128xf32, #tpu.memory_space<vmem>>, vector<256x128xf32>
    tpu.vector_store %arg4[%swap3A, %swap3A_20], %div3A_19 {strides = array<i32>} : memref<256x128xf32, #tpu.memory_space<vmem>>, vector<256x128xf32>,
    return
  }
}

module attributes {stable_mosaic.version = 14 : i64} {
  func.func @_tc_body(%arg0: i32, %arg1: memref<1x1x4000xi32, #tpu.memory_space<vmem>>, %arg2: memref<4000x128xf32, #tpu.memory_space<vmem>>, %arg3: memref<128x8xf32, #tpu.memory_space<vmem>>, %arg4: memref<1x1xf32, #tpu.memory_space<vmem>>, %arg5: memref<256x128xf32, #tpu.memory_space<vmem>>, %arg6: memref<256x8xf32, #tpu.memory_space<vmem>>, %arg7: memref<256x136xf32, #tpu.memory_space<vmem>>) attributes {dimension_semantics = [#tpu.dimension_semantics<arbitrary>], iteration_bounds = array<i64: 16>, scalar_prefetch = 0 : i64, scratch_operands = 1 : i64, tpu.core_type = #tpu.core_type<tc>, window_params = [{transform_indices = @transform_0, window_bounds = array<i64: 1, 1, 4000>}, {transform_indices = @transform_1, window_bounds = array<i64: 4000, 128>}, {pipeline_mode = #tpu.pipeline_mode<synchronous>, transform_indices = @transform_2, window_bounds = array<i64: 128, 8>}, {pipeline_mode = #tpu.pipeline_mode<synchronous>, transform_indices = @transform_3, window_bounds = array<i64: 1, 1>}, {pipeline_mode = #tpu.pipeline_mode<synchronous>, transform_indices = @transform_4, window_bounds = array<i64: 256, 128>}, {pipeline_mode = #tpu.pipeline_mode<synchronous>, transform_indices = @transform_5, window_bounds = array<i64: 256, 8>}]} {
    %eq3A = arith.constant 0 : i32
    %eq3A_0 = arith.cmpi eq, %arg0, %eq3A : i32
    %convert_element_type3A = arith.extui %eq3A_0 : i1 to i32
    %cond3A = arith.constant 0 : i32
    %cond3A_1 = arith.cmpi ne, %convert_element_type3A, %cond3A : i32
    scf.if %cond3A_1 {
      %broadcast_in_dim3A_40 = arith.constant 0.000000e+00 : f32
      %broadcast_in_dim3A_41 = vector.broadcast %broadcast_in_dim3A_40 : f32 to vector<256x136xf32>
      %swap3A_42 = arith.constant 0 : index
      %swap3A_43 = arith.constant 0 : index
      %swap3A_44 = vector.load %arg7[%swap3A_42, %swap3A_43] : memref<256x136xf32, #tpu.memory_space<vmem>>, vector<256x136xf32>
      tpu.vector_store %arg7[%swap3A_42, %swap3A_43], %broadcast_in_dim3A_41 {strides = array<i32>} : memref<256x136xf32, #tpu.memory_space<vmem>>, vector<256x136xf32>,
    } else {
    }
    %get3A = arith.constant 0 : index
    %get3A_2 = arith.constant 0 : index
    %get3A_3 = vector.load %arg2[%get3A, %get3A_2] : memref<4000x128xf32, #tpu.memory_space<vmem>>, vector<4000x128xf32>
    %get3A_4 = arith.constant 0 : index
    %get3A_5 = arith.constant 0 : index
    %get3A_6 = vector.load %arg3[%get3A_4, %get3A_5] : memref<128x8xf32, #tpu.memory_space<vmem>>, vector<128x8xf32>
    %dot_general3A = arith.constant dense<0.000000e+00> : vector<4000x8xf32>
    %dot_general3A_7 = tpu.matmul %get3A_3, %get3A_6, %dot_general3A {dimension_numbers = #tpu.dot_dimension_numbers<[1], [0], [0], [1], [0, 0, 1, 1], [], []>, transpose_lhs_hint = false} : vector<4000x128xf32>, vector<128x8xf32>, vector<4000x8xf32> -> vector<4000x8xf32>
    %slice3A = vector.extract_strided_slice %dot_general3A_7 {offsets = [0, 0], sizes = [4000, 1], strides = [1, 1]} : vector<4000x8xf32> to vector<4000x1xf32>
    %get3A_8 = arith.constant 0 : index
    %get3A_9 = arith.constant 0 : index
    %get3A_10 = vector.load %arg4[%get3A_8, %get3A_9] : memref<1x1xf32, #tpu.memory_space<vmem>>, vector<1x1xf32>
    %get3A_11 = vector.extract %get3A_10[0, 0] : f32 from vector<1x1xf32>
    %add3A = vector.broadcast %get3A_11 : f32 to vector<4000x1xf32>
    %add3A_12 = arith.addf %slice3A, %add3A : vector<4000x1xf32>
    %exp3A = math.exp %add3A_12 : vector<4000x1xf32>
    %get3A_13 = arith.constant 0 : index
    %get3A_14 = arith.constant 0 : index
    %get3A_15 = arith.constant 0 : index
    %get3A_16 = vector.load %arg1[%get3A_13, %get3A_14, %get3A_15] : memref<1x1x4000xi32, #tpu.memory_space<vmem>>, vector<1x1x4000xi32>
    %get3A_17 = vector.shape_cast %get3A_16 : vector<1x1x4000xi32> to vector<1x4000xi32>
    %iota3A = tpu.iota {dimensions = array<i32: 0>} : vector<256x4000xi32>
    %eq3A_18 = vector.broadcast %get3A_17 : vector<1x4000xi32> to vector<256x4000xi32>
    %eq3A_19 = arith.cmpi eq, %iota3A, %eq3A_18 : vector<256x4000xi32>
    %convert_element_type3A_20 = arith.extui %eq3A_19 : vector<256x4000xi1> to vector<256x4000xi32>
    %convert_element_type3A_21 = arith.sitofp %convert_element_type3A_20 : vector<256x4000xi32> to vector<256x4000xf32>
    %convert_element_type3A_22 = arith.truncf %convert_element_type3A_21 : vector<256x4000xf32> to vector<256x4000xbf16>
    %mul3A = vector.broadcast %exp3A : vector<4000x1xf32> to vector<4000x128xf32>
    %mul3A_23 = arith.mulf %get3A_3, %mul3A : vector<4000x128xf32>
    %convert_element_type3A_24 = arith.truncf %mul3A_23 : vector<4000x128xf32> to vector<4000x128xbf16>
    %broadcast_in_dim3A = vector.shape_cast %exp3A : vector<4000x1xf32> to vector<4000x1xf32>
    %broadcast_in_dim3A_25 = vector.broadcast %broadcast_in_dim3A : vector<4000x1xf32> to vector<4000x8xf32>
    %convert_element_type3A_26 = arith.truncf %broadcast_in_dim3A_25 : vector<4000x8xf32> to vector<4000x8xbf16>
    %concatenate3A = tpu.concatenate %convert_element_type3A_24, %convert_element_type3A_26 in 1 : vector<4000x128xbf16>, vector<4000x8xbf16> -> vector<4000x136xbf16>
    %get3A_27 = arith.constant 0 : index
    %get3A_28 = arith.constant 0 : index
    %get3A_29 = vector.load %arg7[%get3A_27, %get3A_28] : memref<256x136xf32, #tpu.memory_space<vmem>>, vector<256x136xf32>
    %dot_general3A_30 = arith.constant dense<0.000000e+00> : vector<256x136xf32>
    %dot_general3A_31 = tpu.matmul %convert_element_type3A_22, %concatenate3A, %dot_general3A_30 {dimension_numbers = #tpu.dot_dimension_numbers<[1], [0], [0], [1], [0, 0, 1, 1], [], []>, transpose_lhs_hint = false} : vector<256x4000xbf16>, vector<4000x136xbf16>, vector<256x136xf32> -> vector<256x136xf32>
    %add3A_32 = arith.addf %get3A_29, %dot_general3A_31 : vector<256x136xf32>
    %swap3A = arith.constant 0 : index
    %swap3A_33 = arith.constant 0 : index
    %swap3A_34 = vector.load %arg7[%swap3A, %swap3A_33] : memref<256x136xf32, #tpu.memory_space<vmem>>, vector<256x136xf32>
    tpu.vector_store %arg7[%swap3A, %swap3A_33], %add3A_32 {strides = array<i32>} : memref<256x136xf32, #tpu.memory_space<vmem>>, vector<256x136xf32>,
    %eq3A_35 = arith.constant 15 : i32
    %eq3A_36 = arith.cmpi eq, %arg0, %eq3A_35 : i32
    %convert_element_type3A_37 = arith.extui %eq3A_36 : i1 to i32
    %cond3A_38 = arith.constant 0 : i32
    %cond3A_39 = arith.cmpi ne, %convert_element_type3A_37, %cond3A_38 : i32
    scf.if %cond3A_39 {
      %get3A_40 = arith.constant 0 : index
      %get3A_41 = arith.constant 0 : index
      %get3A_42 = vector.load %arg7[%get3A_40, %get3A_41] : memref<256x136xf32, #tpu.memory_space<vmem>>, vector<256x128xf32>
      %swap3A_43 = arith.constant 0 : index
      %swap3A_44 = arith.constant 0 : index
      %swap3A_45 = vector.load %arg5[%swap3A_43, %swap3A_44] : memref<256x128xf32, #tpu.memory_space<vmem>>, vector<256x128xf32>
      tpu.vector_store %arg5[%swap3A_43, %swap3A_44], %get3A_42 {strides = array<i32>} : memref<256x128xf32, #tpu.memory_space<vmem>>, vector<256x128xf32>,
      %get3A_46 = arith.constant 0 : index
      %get3A_47 = arith.constant 128 : index
      %get3A_48 = vector.load %arg7[%get3A_46, %get3A_47] : memref<256x136xf32, #tpu.memory_space<vmem>>, vector<256x8xf32>
      %swap3A_49 = arith.constant 0 : index
      %swap3A_50 = arith.constant 0 : index
      %swap3A_51 = vector.load %arg6[%swap3A_49, %swap3A_50] : memref<256x8xf32, #tpu.memory_space<vmem>>, vector<256x8xf32>
      tpu.vector_store %arg6[%swap3A_49, %swap3A_50], %get3A_48 {strides = array<i32>} : memref<256x8xf32, #tpu.memory_space<vmem>>, vector<256x8xf32>,
    } else {
    }
    return
  }
  func.func @transform_0(%arg0: i32) -> (i32, i32, i32) {
    %add3A = arith.constant 9 : i32
    %add3A_0 = arith.addi %arg0, %add3A : i32
    %c0_i32 = arith.constant 0 : i32
    %c0_i32_1 = arith.constant 0 : i32
    %c0_i32_2 = arith.constant 0 : i32
    return %add3A_0, %c0_i32, %c0_i32_1 : i32, i32, i32
  }
  func.func @transform_1(%arg0: i32) -> (i32, i32) {
    %add3A = arith.constant 9 : i32
    %add3A_0 = arith.addi %arg0, %add3A : i32
    %c0_i32 = arith.constant 0 : i32
    %c0_i32_1 = arith.constant 0 : i32
    return %add3A_0, %c0_i32 : i32, i32
  }
  func.func @transform_2(%arg0: i32) -> (i32, i32) {
    %c0_i32 = arith.constant 0 : i32
    %c0_i32_0 = arith.constant 0 : i32
    %c0_i32_1 = arith.constant 0 : i32
    return %c0_i32, %c0_i32_0 : i32, i32
  }
  func.func @transform_3(%arg0: i32) -> (i32, i32) {
    %c0_i32 = arith.constant 0 : i32
    %c0_i32_0 = arith.constant 0 : i32
    %c0_i32_1 = arith.constant 0 : i32
    return %c0_i32, %c0_i32_0 : i32, i32
  }
  func.func @transform_4(%arg0: i32) -> (i32, i32) {
    %c0_i32 = arith.constant 0 : i32
    %c0_i32_0 = arith.constant 0 : i32
    %c0_i32_1 = arith.constant 0 : i32
    return %c0_i32, %c0_i32_0 : i32, i32
  }
  func.func @transform_5(%arg0: i32) -> (i32, i32) {
    %c0_i32 = arith.constant 0 : i32
    %c0_i32_0 = arith.constant 0 : i32
    %c0_i32_1 = arith.constant 0 : i32
    return %c0_i32, %c0_i32_0 : i32, i32
  }
}

</mosaic_0001>

<sc_bundles>
// kernel: kernel.5.cloned.1.call-start
scs
__scs_entry_jumppad:
0x0: {  	(pc) =	sbr.rel $0x88, $3  }
0x1: {  	(tag) =	ssettag $0x0;
	lr =	simm.s32 $0x1  }
0x2: {  	[smem:$0x3F9D] =	sst lr;
	_ =	strace $0xD0000000  }
0x3: {  	_ = 	snop  }
0x4: {  	_ = 	snop  }
0x5: {  	_ = 	snop  }
0x6: {  	_ = 	snop  }
0x7: {  	_ = 	snop  }
__scs_overlays_trampoline_lowered:
0x8: {  	[smem:$0x3FAC] =	sst s0  }
0x9: {  	[smem:$0x3FAD] =	sst s1  }
0xa: {  	[smem:$0x3FAE] =	sst s2  }
0xb: {  	[smem:$0x3FAF] =	sst s3  }
0xc: {  	[smem:$0x3FB0] =	sst s4  }
0xd: {  	[smem:$0x3FB1] =	sst s5  }
0xe: {  	[smem:$0x3FB2] =	sst s6  }
0xf: {  	[smem:$0x3FB3] =	sst s7  }
0x10: {  	[smem:$0x3FB4] =	sst s8  }
0x11: {  	[smem:$0x3FB5] =	sst s9;
	s0 =	simm.s32 @!p0 $0x0  }
0x12: {  	s1 =	sld [smem:$0x3F9B];
	s0 =	simm.s32 @p0 $0x1  }
0x13: {  	[smem:$0x3FB6] =	sst s0;
	s0 =	simm.s32 @!p1 $0x0  }
0x14: {  	s2 =	sld [smem:$0x3F9A];
	s0 =	simm.s32 @p1 $0x1  }
0x15: {  	[smem:$0x3FB7] =	sst s0;
	s0 =	simm.s32 @!p2 $0x0  }
0x16: {  	s3 =	sld [smem:$0x3FDB];
	s0 =	simm.s32 @p2 $0x1  }
0x17: {  	s4 =	simm.s32 $0x1BF5;
	[smem:$0x3FB9] =	sst s0  }
0x18: {  	s0 =	sld [smem:$0x3F9C];
	_ =	swait.ge [sflag:s4], $0x0  }
0x19: {  	s7 =	sld [smem:$0x3F9D]  }
0x1a: {  	s8 =	sadd.s32 $0xFFFFE003, lr  }
0x1b: {  	s9 =	sadd.s32 $0xFFFFFEF7, lr;
	s5 =	simm.s32 $0xFFFFFFFF;
	p2 =	slt.u32 s8, $0xFFFFF086  }
0x1c: {  	p1 =	slt.u32 s9, $0xF7A;
	s5 =	simm.s32 @!p2 $0x0  }
0x1d: {  	s5 =	simm.s32 @p1 $0x1;
	p0 =	seq.s32 s7, s2  }
0x1e: {  	s7 =	smul.u32 @!p0 $0xF7A, s2;
	p2 =	seq.s32 @!p0 s5, $0x0  }
0x1f: {  	s9 =	smul.u32 $0xF7A, s1;
	s8 =	simm.s32 @!p0 $0x1BF5;
	p2 =	por !p2, p0  }
0x20: {  	[sflag:s8] =	ssyncset.s32 @!p0 $0xFFFFF086;
	s6 =	sadd.s32 @!p0 s3, s7;
	s7 =	simm.s32 @!p0 $0x108  }
0x21: {  	s3 =	sadd.s32 s3, s9;
	s6 =	sadd.s32 @!p0 $0x88, s6;
	s7 =	simm.s32 @p2 $0x1082  }
0x22: {  	[simem:s7], [sflag:s8] =	dma.local @!p0 [hbm:s6], $0xF7A  }
0x23: {  	s9 =	sor.u32 $0xD0000000, s2;
	s6 =	simm.s32 $0x108;
	_ =	swait.ge @!p0 [sflag:s8], $0x0  }
0x24: {  	s3 =	sadd.s32 $0x88, s3;
	s6 =	simm.s32 @!p1 $0x1082;
	[sflag:s4] =	ssyncset.s32 $0xFFFFF086  }
0x25: {  	[simem:s6], [sflag:s4] =	dma.local [hbm:s3], $0xF7A  }
0x26: {  	[smem:$0x3F9D] =	sst s1;
	(tag) =	ssettag s2;
	_ =	strace s9  }
0x27: {  	s1 =	sld [smem:$0x3FAD]  }
0x28: {  	s2 =	sld [smem:$0x3FAE]  }
0x29: {  	s4 =	sld [smem:$0x3FB0]  }
0x2a: {  	p0 =	seq.s32 s5, $0x0;
	s5 =	sld [smem:$0x3FB1]  }
0x2b: {  	s6 =	sld [smem:$0x3FB2]  }
0x2c: {  	s7 =	sld [smem:$0x3FB3]  }
0x2d: {  	s3 =	simm.s32 $0x108;
	s8 =	sld [smem:$0x3FB4]  }
0x2e: {  	s3 =	simm.s32 @!p0 $0x1082;
	s9 =	sld [smem:$0x3FB5]  }
0x2f: {  	lr =	sadd.s32 s0, s3;
	s0 =	sld [smem:$0x3FAC]  }
0x30: {  	s3 =	sld [smem:$0x3FAF]  }
0x31: {  	[smem:$0x3FB8] =	sst s10  }
0x32: {  	s10 =	sld [smem:$0x3FB6];
	_ =	sdelay $0x3  }
0x33: {  	p0 =	seq.s32 s10, $0x1;
	s10 =	sld [smem:$0x3FB8];
	_ =	sdelay $0x3  }
0x34: {  	[smem:$0x3FB8] =	sst s10  }
0x35: {  	s10 =	sld [smem:$0x3FB7];
	_ =	sdelay $0x3  }
0x36: {  	p1 =	seq.s32 s10, $0x1;
	s10 =	sld [smem:$0x3FB8];
	_ =	sdelay $0x3  }
0x37: {  	[smem:$0x3FB8] =	sst s10  }
0x38: {  	s10 =	sld [smem:$0x3FB9]  }
0x39: {  	_ = 	snop;
	(pc) =	sbr.ind lr, $3  }
0x3a: {  	_ = 	snop  }
0x3b: {  	_ = 	snop  }
0x3c: {  	p2 =	seq.s32 s10, $0x1;
	s10 =	sld [smem:$0x3FB8]  }
0x3d: {  	_ =	shalt  }
0x3e: {  	_ =	shalt  }
0x3f: {  	_ =	shalt  }
0x40: {  	_ =	shalt  }
0x41: {  	_ =	shalt  }
0x42: {  	_ =	shalt  }
0x43: {  	_ =	shalt  }
0x44: {  	_ =	shalt  }
0x45: {  	_ =	shalt  }
0x46: {  	_ =	shalt  }
0x47: {  	_ =	shalt  }
0x48: {  	_ =	shalt  }
0x49: {  	_ =	shalt  }
0x4a: {  	_ =	shalt  }
0x4b: {  	_ =	shalt  }
0x4c: {  	_ =	shalt  }
0x4d: {  	_ =	shalt  }
0x4e: {  	_ =	shalt  }
0x4f: {  	_ =	shalt  }
0x50: {  	_ =	shalt  }
0x51: {  	_ =	shalt  }
0x52: {  	_ =	shalt  }
0x53: {  	_ =	shalt  }
0x54: {  	_ =	shalt  }
0x55: {  	_ =	shalt  }
0x56: {  	_ =	shalt  }
0x57: {  	_ =	shalt  }
0x58: {  	_ =	shalt  }
0x59: {  	_ =	shalt  }
0x5a: {  	_ =	shalt  }
0x5b: {  	_ =	shalt  }
0x5c: {  	_ =	shalt  }
0x5d: {  	_ =	shalt  }
0x5e: {  	_ =	shalt  }
0x5f: {  	_ =	shalt  }
0x60: {  	_ =	shalt  }
0x61: {  	_ =	shalt  }
0x62: {  	_ =	shalt  }
0x63: {  	_ =	shalt  }
0x64: {  	_ =	shalt  }
0x65: {  	_ =	shalt  }
0x66: {  	_ =	shalt  }
0x67: {  	_ =	shalt  }
0x68: {  	_ =	shalt  }
0x69: {  	_ =	shalt  }
0x6a: {  	_ =	shalt  }
0x6b: {  	_ =	shalt  }
0x6c: {  	_ =	shalt  }
0x6d: {  	_ =	shalt  }
0x6e: {  	_ =	shalt  }
0x6f: {  	_ =	shalt  }
0x70: {  	_ =	shalt  }
0x71: {  	_ =	shalt  }
0x72: {  	_ =	shalt  }
0x73: {  	_ =	shalt  }
0x74: {  	_ =	shalt  }
0x75: {  	_ =	shalt  }
0x76: {  	_ =	shalt  }
0x77: {  	_ =	shalt  }
0x78: {  	_ =	shalt  }
0x79: {  	_ =	shalt  }
0x7a: {  	_ =	shalt  }
0x7b: {  	_ =	shalt  }
0x7c: {  	_ =	shalt  }
0x7d: {  	_ =	shalt  }
0x7e: {  	_ =	shalt  }
0x7f: {  	_ =	shalt  }
0x80: {  	_ =	shalt  }
0x81: {  	_ =	shalt  }
0x82: {  	_ =	shalt  }
0x83: {  	_ =	shalt  }
0x84: {  	_ =	shalt  }
0x85: {  	_ =	shalt  }
0x86: {  	_ =	shalt  }
0x87: {  	_ =	shalt  }
.Lfunc_end0:
.L_simem_size_0:
called_computation_lowered:
.L_overlay_start_0:
0x88: {  	s2 =	sld [smem:$0x3FD9]  }
0x89: {  	s3 =	sld [smem:$0x3FFE];
	_ =	sdelay $0x1  }
0x8a: {  	s1 =	srdreg.scid  }
0x8b: {  	s0 =	sand.u32 $0x1, s1  }
0x8c: {  	s17 =	sshll.u32 s0, $0xA;
	s2 =	sadd.s32 s3, s2  }
0x8d: {  	s2 =	sadd.s32 s2, s17  }
0x8e: {  	[smem:$0x3FC4] =	sst s2  }
0x8f: {  	_ = 	snop  }
0x90: {  	s2 =	sld [smem:$0x3FC9]  }
0x91: {  	s18 =	sld [smem:$0x3FC8]  }
0x92: {  	s4 =	sld [smem:$0x3FC7];
	(tm) =	ssettm $0x1  }
0x93: {  	s5 =	sld [smem:$0x3FFB];
	_ =	sdelay $0x3  }
0x94: {  	_ =	strace s5  }
0x95: {  	s5 =	sld [smem:$0x3FFC];
	_ =	sdelay $0x3  }
0x96: {  	_ =	strace s5  }
0x97: {  	s5 =	sld [smem:$0x3FFD];
	_ =	sdelay $0x3  }
0x98: {  	_ =	strace s5  }
0x99: {  	_ =	strace $0x8FFFFFFF  }
0x9a: {  	s19 =	sld [smem:$0x3FDB];
	_ =	sdelay $0x1  }
0x9b: {  	s6 =	simm.s32 $_scs_section_size  }
0x9c: {  	s7 =	simm.s32 $_size__tile_overlayer_lowered;
	s8 =	simm.s32 $_tile_overlayer_lowered  }
0x9d: {  	s22 =	simm.s32 $0x1BFF;
	s21 =	sshll.u32 s8, $0x1;
	s5 =	sadd.s32 s6, s19  }
0x9e: {  	s9 =	simm.s32 $0x0;
	s20 =	sshll.u32 s7, $0x1;
	s7 =	sadd.s32 s21, s5  }
0x9f: {  	[timem:s9], [sflag:s22] =	dma.local [hbm:s7], s20  }
0xa0: {  	_ =	swait.ge [sflag:s22], s20  }
0xa1: {  	s6 =	ssub.s32 $0x0, s20;
	[sflag:s22] =	ssyncset.done $0x0  }
0xa2: {  	[sflag:s22] =	ssyncadd.s32 s6;
	_ =	sdelay $0x1  }
0xa3: {  	s23 =	simm.s32 $0x1B8B  }
0xa4: {  	_ =	swait.ge [sflag:s23], $0x1  }
0xa5: {  	[sflag:s23] =	ssyncset.done $0x0  }
0xa6: {  	s25 =	simm.s32 $0x1B8E;
	s24 =	sld [smem:$0x3FFE];
	[sflag:s23] =	ssyncadd.s32 $0xFFFFFFFF  }
0xa7: {  	s26 =	simm.s32 $execute0_lowered;
	[smem:$0x3FD2] =	sst s25  }
0xa8: {  	s7 =	sshll.u32 s26, $0x1;
	_ =	strace $0x80000046;
	[dreg:$0x1] =	wrdreg $0xFFFFFFFF  }
0xa9: {  	s28 =	simm.s32 $_size_execute0_lowered;
	s5 =	sadd.s32 s5, s7;
	[dreg:$0x0] =	wrdreg $0x0  }
0xaa: {  	s7 =	sshll.u32 s28, $0x1;
	[dreg:$0x2] =	wrdreg s5  }
0xab: {  	[dreg:$0x3] =	wrdreg s7  }
0xac: {  	[dreg:$0x4] =	wrdreg $0xC0  }
0xad: {  	_ =	task [dreg:s9], $0x5FFFF  }
0xae: {  	[dreg:$0x1] =	wrdreg $0xFFFFFFFF  }
0xaf: {  	[dreg:$0x0] =	wrdreg $0x60  }
0xb0: {  	[dreg:$0x2] =	wrdreg s2  }
0xb1: {  	[dreg:$0x3] =	wrdreg s18  }
0xb2: {  	[dreg:$0x4] =	wrdreg s4  }
0xb3: {  	[dreg:$0x5] =	wrdreg s24  }
0xb4: {  	[dreg:$0x6] =	wrdreg $0x9  }
0xb5: {  	_ =	task.clear_ibuf [dreg:s9], $0x7FFFF;
	_ =	strace $0x90000046  }
0xb6: {  	s29 =	simm.s32 $0x9;
	_ =	strace $0x80000048  }
0xb7: {  	_ =	swait.ge [sflag:s29], $0x1  }
0xb8: {  	[sflag:s29] =	ssyncadd.s32 $0xFFFFFFFF  }
0xb9: {  	_ =	strace $0x90000048  }
0xba: {  	_ =	sfence  }
0xbb: {  	s30 =	sld [smem:$0x0];
	_ =	sdelay $0x2  }
0xbc: {  	s31 =	sshll.u32 s1, $0xD;
	s1 =	sshrl.u32 s1, $0x2  }
0xbd: {  	s3 =	sand.u32 $0x4000, s31;
	s1 =	sadd.s32 s1, s30  }
0xbe: {  	s0 =	sor.u32 s3, s0;
	s1 =	sshll.u32 s1, $0x11  }
0xbf: {  	s0 =	sor.u32 s1, s0  }
0xc0: {  	s0 =	sadd.s32 $0x8F2B, s0  }
0xc1: {  	[sflag:s0] =	ssyncadd.remote.s32 $0x1  }
0xc2: {  	_ =	sfence.sel $0xFFFF  }
0xc3: {  	[dreg:$0x0] =	wrdreg $0xFFFFFFFF;
	(pc) =	sbr.abs _section_cstart, $3  }
0xc4: {  	[dreg:$0x1] =	wrdreg $0xFFFFFFFF  }
0xc5: {  	_ =	task.clear_ibuf [dreg:s9], $0x2FFFF;
	_ =	strace $0x9FFFFFFF  }
0xc6: {  	(tm) =	ssettm $0x7FFFFFFF  }
0xc7: {  	_ =	shalt  }
tec
execute0_lowered:
.L_overlay_start_1:
0x0: {  	(tag) =	ssettag $0x1  }
0x1: {  	s1 =	rddreg [dreg:$0x0]  }
0x2: {  	s0 =	rddreg [dreg:$0x1]  }
0x3: {  	s2 =	rddreg [dreg:$0x3]  }
0x4: {  	s3 =	srdreg.scid;
	s5 =	stileid.u32  }
0x5: {  	s4 =	simm.s32 $0x0;
	v0 =	vimm.s32 $0xFEDCBA98;
	s16 =	simm.s32 $0x3;
	s17 =	simm.s32 $0x4B00  }
0x6: {  	v1 =	vimm.s32 $0x76543210;
	v2 =	vimm.s32 $0xBA98FEDC;
	s18 =	simm.s32 $0x4B80;
	s19 =	simm.s32 $0x2580;
	s20 =	simm.s32 $0x1  }
0x7: {  	v3 =	vimm.s32 $0x32107654;
	v4 =	vimm.s32 $0xDCFE98BA;
	s21 =	simm.s32 $0x2;
	s22 =	simm.s32 $0x5080;
	s23 =	simm.s32 $0xD080  }
0x8: {  	v5 =	vimm.s32 $0x54761032;
	v6 =	vimm.s32 $0xEFCDAB89;
	v7 =	vimm.s32 $0x67452301;
	s24 =	simm.s32 $0x0;
	s3 =	sand.u32 $0x1, s3;
	s7 =	sshll.u32 s5, $0x1  }
0x9: {  	[smem:$0x7FF] =	sst s4;
	v0 =	vunpack.c.l.s4.s8 v0;
	s5 =	sadd.s32 $0x1200, s2;
	v1 =	vunpack.c.l.s4.s8 v1;
	v2 =	vunpack.c.l.s4.s8 v2;
	s8 =	sor.u32 s3, s7  }
0xa: {  	v3 =	vunpack.c.l.s4.s8 v3;
	v4 =	vunpack.c.l.s4.s8 v4;
	v5 =	vunpack.c.l.s4.s8 v5;
	_ =	strace $0x80000047;
	s10 =	ssub.s32 $0x2, s3;
	s3 =	smul.u32 $0x3, s3  }
0xb: {  	v6 =	vunpack.c.l.s4.s8 v6;
	v7 =	vunpack.c.l.s4.s8 v7;
	s6 =	smul.u32 $0x465, s8;
	s9 =	sshll.u32 s8, $0xC;
	v0 =	vunpack.c.0.s8.s32 v0;
	s29 =	sshrl.u32 s10, $0x1  }
0xc: {  	s8 =	smul.u32 $0x4650, s8;
	v2 =	vunpack.c.0.s8.s32 v2;
	v3 =	vunpack.c.0.s8.s32 v3;
	v4 =	vunpack.c.0.s8.s32 v4;
	s2 =	sadd.s32 s9, s2;
	s3 =	ssub.s32 s7, s3  }
0xd: {  	v5 =	vunpack.c.0.s8.s32 v5;
	v6 =	vunpack.c.0.s8.s32 v6;
	v7 =	vunpack.c.0.s8.s32 v7;
	s12 =	ssub.s32 s10, s29;
	s11 =	sshrl.u32 s6, $0x3;
	s30 =	sand.u32 $0x7, s3  }
0xe: {  	v1 =	vunpack.c.0.s8.s32 v1;
	s8 =	sadd.s32 s1, s8;
	s9 =	sadd.s32 $0x96, s6;
	v2 =	vcombine.low v3, v2;
	s3 =	sshll.u32 s30, $0x2  }
0xf: {  	s10 =	sadd.s32 $0x1400, s2;
	v3 =	vcombine.low v5, v4;
	v4 =	vand.u32 $0xF, v0;
	v5 =	vcombine.low v7, v6;
	s7 =	sadd.s32 s0, s11;
	s31 =	sadd.s32 $0x12C, s3  }
0x10: {  	v0 =	vimm.f32 $0.0e+00;
	s11 =	sadd.s32 $0x21400, s2;
	s0 =	sadd.s32 $0x501A, s30;
	v1 =	vcombine.low v4, v1;
	v2 =	vand.u32 $0xF, v2;
	s2 =	sshrl.u32 s31, $0x2  }
0x11: {  	s12 =	smax.u32 s12, $0x1;
	s13 =	sor.u32 $0x4C00, s30;
	v3 =	vand.u32 $0xF, v3;
	v4 =	vand.u32 $0xF, v5;
	v5 =	vmov s0;
	s14 =	sor.u32 $0x4C00, s2  }
.LBB2_1:
0x12: {  	s0 =	simm.s32 $0x4C00  }
0x13: {  	[tilespmem:s0], [sflag:$0x3] =	stream.linear.gather [hbm4b:s7+s4], $0x480, $0x38;
	[tilespmem:$0x15080] =	vst v63  }
0x14: {  	_ =	swait.ge [sflag:s16], $0x480  }
0x15: {  	[sflag:s16] =	ssyncset.done $0x0  }
0x16: {  	[sflag:s16] =	ssyncadd.s32 $0xFFFFFB80  }
0x17: {  	s31 =	rddreg [dreg:$0x2]  }
0x18: {  	[tilespmem:s17], [sflag:$0x3] =	stream.linear.gather [hbm4b:s31+s4], $0x80, $0x38;
	[tilespmem:$0x15080] =	vst v63  }
0x19: {  	_ =	swait.ge [sflag:s16], $0x80  }
0x1a: {  	[sflag:s16] =	ssyncset.done $0x0  }
0x1b: {  	[sflag:s16] =	ssyncadd.s32 $0xFFFFFF80  }
0x1c: {  	[tilespmem:s18], [sflag:$0x3] =	stream.linear.gather [hbm4b:s5+s4], $0x80, $0x38;
	[tilespmem:$0x15080] =	vst v63  }
0x1d: {  	_ =	swait.ge [sflag:s16], $0x80  }
0x1e: {  	[sflag:s16] =	ssyncset.done $0x0  }
0x1f: {  	s2 =	simm.s32 $0x0;
	s0 =	simm.s32 $0x0;
	[sflag:s16] =	ssyncadd.s32 $0xFFFFFF80  }
.LBB2_2:
0x20: {  	p0 =	sne.s32 s2, $0x1FFC0  }
.Ltmp0:
0x21: {  	_ = 	snop;
	(pc) =	sbr.rel @p0 .LBB2_2-.Ltmp0, $4  }
0x22: {  	s3 =	sand.u32 $0x1FE00, s2  }
0x23: {  	s25 =	sand.u32 $0x70, s0;
	s3 =	sshrl.u32 s3, $0x2  }
0x24: {  	s3 =	sor.u32 s25, s3  }
0x25: {  	s0 =	sadd.s32 $0x10, s0;
	s2 =	sadd.s32 $0x40, s2;
	[tilespmem:s3+$0x5080] =	vst v0  }
0x26: {  	s0 =	simm.s32 $0x200;
	s2 =	simm.s32 $0x0  }
.LBB2_4:
0x27: {  	p0 =	sne.s32 s0, $0x1FE00;
	[tilespmem:s2+$0xD080] =	vst v0;
	s2 =	smov.u32 s0;
	s0 =	sadd.s32 $0x200, s0  }
.Ltmp1:
0x28: {  	(pc) =	sbr.rel @p0 .LBB2_4-.Ltmp1, $2  }
0x29: {  	_ =	sdelay $0x2  }
0x2a: {  	s2 =	sshra.s32 s2, $0x2  }
0x2b: {  	[tilespmem:s2+$0xD080] =	vst v0  }
0x2c: {  	v6 =	vld [tilespmem:$0x4B00]  }
0x2d: {  	v7 =	vld [tilespmem:$0x4B10]  }
0x2e: {  	v8 =	vld [tilespmem:$0x4B20]  }
0x2f: {  	v9 =	vld [tilespmem:$0x4B30]  }
0x30: {  	v10 =	vld [tilespmem:$0x4B40]  }
0x31: {  	v11 =	vld [tilespmem:$0x4B50]  }
0x32: {  	s25 =	simm.s32 $0x0;
	v12 =	vld [tilespmem:$0x4B60]  }
0x33: {  	s26 =	smov.u32 s14;
	s28 =	smov.u32 s13;
	s29 =	simm.s32 $0x0;
	v13 =	vld [tilespmem:$0x4B70]  }
0x34: {  	v14 =	vld [tilespmem:$0x4B80];
	[tilespmem:s25], [sflag:$0x1] =	stream.linear.gather [hbm4b:s8+s25], $0x2580, $0x38  }
.LBB2_6:
0x35: {  	s30 =	smul.u32 $0x96, s29;
	_ =	sdelay $0x1  }
0x36: {  	s0 =	sadd.s32 s6, s30  }
0x37: {  	s0 =	sshll.u32 s0, $0x4  }
0x38: {  	s0 =	sadd.s32 $0x4B0, s0  }
0x39: {  	s0 =	sand.u32 $0x1FFFFFF0, s0  }
0x3a: {  	s0 =	sadd.s32 s1, s0  }
0x3b: {  	[tilespmem:s19], [sflag:$0x2] =	stream.linear.gather [hbm4b:s0+s25], $0x2580, $0x38;
	[tilespmem:$0x15080] =	vst v63  }
0x3c: {  	_ =	swait.ge [sflag:s20], $0x2580  }
0x3d: {  	[sflag:s20] =	ssyncset.done $0x0  }
0x3e: {  	s31 =	simm.s32 $0xC0;
	[sflag:s20] =	ssyncadd.s32 $0xFFFFDA80  }
0x3f: {  	v32 =	vld [tilespmem:s31+$0xFFFFFFB0]  }
0x40: {  	v33 =	vld [tilespmem:s31+$0xFFFFFFA0]  }
0x41: {  	v39 =	vld [tilespmem:s31+$0xFFFFFF90]  }
0x42: {  	v34 =	vld [tilespmem:s31+$0xFFFFFF80]  }
0x43: {  	v41 =	vld [tilespmem:s31+$0xFFFFFF70]  }
0x44: {  	v35 =	vld [tilespmem:s31+$0xFFFFFF60]  }
0x45: {  	v37 =	vld [tilespmem:s31+$0xFFFFFF50]  }
0x46: {  	v36 =	vld [tilespmem:s31+$0xFFFFFF40];
	_ =	sdelay $0x1  }
0x47: {  	v15 =	vmul.f32 v32, v13;
	v16 =	vmul.f32 v33, v12  }
0x48: {  	v20 =	vld [tilespmem:s31+$0x30];
	v17 =	vmul.f32 v39, v11;
	v18 =	vmul.f32 v34, v10  }
0x49: {  	v21 =	vld [tilespmem:s31+$0x10];
	v19 =	vmul.f32 v37, v7;
	v25 =	vmul.f32 v41, v9  }
0x4a: {  	v24 =	vld [tilespmem:s31+$0x0];
	v26 =	vmul.f32 v36, v6;
	v27 =	vmul.f32 v35, v8  }
0x4b: {  	v23 =	vld [tilespmem:s31+$0x20];
	v15 =	vadd.f32 v15, v16;
	v16 =	vadd.f32 v17, v18  }
0x4c: {  	v28 =	vld [tilespmem:s31+$0xFFFFFFF0];
	v17 =	vadd.f32 v19, v26;
	v18 =	vadd.f32 v25, v27  }
0x4d: {  	v22 =	vld [tilespmem:s31+$0xFFFFFFE0]  }
0x4e: {  	v27 =	vld [tilespmem:s31+$0xFFFFFFD0];
	v17 =	vadd.f32 v18, v17;
	v15 =	vadd.f32 v15, v16  }
0x4f: {  	v30 =	vmul.f32 v21, v11;
	v31 =	vmul.f32 v24, v10;
	v26 =	vld [tilespmem:s31+$0xFFFFFFC0]  }
0x50: {  	v19 =	vld [tilespmem:s31+$0xA0];
	v15 =	vadd.f32 v15, v17  }
0x51: {  	v29 =	vmul.f32 v23, v12;
	v31 =	vadd.f32 v30, v31;
	v30 =	vld [tilespmem:s31+$0x50]  }
0x52: {  	v25 =	vmul.f32 v20, v13;
	v16 =	vld [tilespmem:s31+$0xB0];
	v42 =	vperm.xlane v15, v1  }
0x53: {  	v38 =	vmul.f32 v28, v9;
	v40 =	vmul.f32 v22, v8;
	v18 =	vld [tilespmem:s31+$0x80]  }
0x54: {  	v43 =	vadd.f32 v25, v29;
	v25 =	vld [tilespmem:s31+$0x70];
	v42 =	vadd.f32 v42, v15;
	v15 =	vmov s28  }
0x55: {  	v29 =	vld [tilespmem:s31+$0x60];
	v44 =	vmul.f32 v27, v7;
	v45 =	vmul.f32 v26, v6  }
0x56: {  	v38 =	vadd.f32 v38, v40;
	v17 =	vld [tilespmem:s31+$0x90]  }
0x57: {  	v43 =	vadd.f32 v43, v31;
	v31 =	vld [tilespmem:s31+$0x40];
	v58 =	vadd.f32 v44, v45  }
0x58: {  	s15 =	simm.s32 $0x0;
	v60 =	vmul.f32 v19, v12;
	v59 =	vperm.xlane v42, v2  }
0x59: {  	v48 =	vmul.f32 v30, v7;
	v61 =	vmul.f32 v18, v10;
	v38 =	vadd.f32 v38, v58;
	v49 =	vld.idx.msk [tilespmem:v15+s15+$0x0 ss:$0x1], $0xffff  }
0x5a: {  	v47 =	vmul.f32 v16, v13;
	v62 =	vmul.f32 v29, v8;
	v42 =	vadd.f32 v59, v42  }
0x5b: {  	v63 =	vmul.f32 v25, v9;
	v46 =	vmul.f32 v17, v11;
	v38 =	vadd.f32 v43, v38  }
0x5c: {  	v50 =	vmul.f32 v31, v6;
	v45 =	vadd.f32 v47, v60;
	v52 =	vperm.xlane v42, v3  }
0x5d: {  	v40 =	vadd.f32 v46, v61;
	v43 =	vadd.f32 v63, v62;
	v53 =	vperm.xlane v38, v1  }
0x5e: {  	v42 =	vadd.f32 v52, v42;
	(v2sf) =	vpush v49, $0x0  }
0x5f: {  	v54 =	vadd.f32 v48, v50;
	v38 =	vadd.f32 v53, v38  }
0x60: {  	v55 =	vperm.xlane v42, v4  }
0x61: {  	v43 =	vadd.f32 v43, v54;
	v40 =	vadd.f32 v45, v40;
	v56 =	vperm.xlane v38, v2  }
0x62: {  	v42 =	vadd.f32 v55, v42  }
0x63: {  	v40 =	vadd.f32 v40, v43;
	v38 =	vadd.f32 v56, v38  }
0x64: {  	v42 =	vadd.f32 v42, v14  }
0x65: {  	v43 =	vperm.xlane v40, v1;
	v57 =	vperm.xlane v38, v3  }
0x66: {  	v42 =	vmul.f32 $1.442695020e+00, v42  }
0x67: {  	v40 =	vadd.f32 v40, v43;
	v38 =	vadd.f32 v57, v38  }
0x68: {  	v60 =	vld.idx.msk [tilespmem:v15+s15+$0x1 ss:$0x1], $0xffff;
	(erf) = vpow2.f32 v42  }
0x69: {  	v58 =	vperm.xlane v40, v2;
	v59 =	vperm.xlane v38, v4;
	_ =	sdelay $0x1  }
0x6a: {  	v40 =	vadd.f32 v58, v40;
	v38 =	vadd.f32 v59, v38;
	_ =	sdelay $0x1  }
0x6b: {  	v42 =	vperm.xlane v40, v3;
	v38 =	vadd.f32 v38, v14;
	s2 =	spop (v2sf);
	(v2sf) =	vpush v60, $0x0;
	_ =	sdelay $0x1  }
0x6c: {  	v42 =	vadd.f32 v42, v40;
	v38 =	vmul.f32 $1.442695020e+00, v38;
	_ =	sdelay $0x1  }
0x6d: {  	v61 =	vperm.xlane v42, v4;
	v62 =	vpop (erf);
	(erf) = vpow2.f32 v38  }
0x6e: {  	v40 =	vld.idx.msk [tilespmem:v15+s15+$0x2 ss:$0x1], $0xffff;
	s3 =	sshll.u32 s2, $0x7;
	v63 =	vmul.f32 v62, v36;
	v32 =	vmul.f32 v62, v32  }
0x6f: {  	v42 =	vadd.f32 v61, v42;
	v38 =	vmul.f32 v62, v35;
	v36 =	vmul.f32 v62, v33;
	[tilespmem:s3+$0xD080] =	vst.add.f32.msk $0xffff, v62  }
0x70: {  	v35 =	vmul.f32 v62, v37;
	v34 =	vmul.f32 v62, v34;
	[tilespmem:s3+$0x50F0] =	vst.add.f32.msk $0xffff, v32  }
0x71: {  	s0 =	simm.s32 $0xC;
	v37 =	vadd.f32 v42, v14;
	v33 =	vmul.f32 v62, v41;
	[tilespmem:s3+$0x5080] =	vst.add.f32.msk $0xffff, v63;
	v32 =	vmul.f32 v62, v39  }
.LBB2_7:
0x72: {  	p0 =	sne.s32 s0, $0x120  }
0x73: {  	[tilespmem:s3+$0x50A0] =	vst.add.f32.msk $0xffff, v38;
	s31 =	sadd.s32 $0x180, s31;
	(v2sf) =	vpush v40, $0x0;
	s2 =	smov.u32 s0;
	s0 =	sadd.s32 $0xC, s0  }
0x74: {  	v37 =	vmul.f32 $1.442695020e+00, v37;
	[tilespmem:s3+$0x50C0] =	vst.add.f32.msk $0xffff, v34  }
0x75: {  	[tilespmem:s3+$0x50D0] =	vst.add.f32.msk $0xffff, v32  }
0x76: {  	[tilespmem:s3+$0x50E0] =	vst.add.f32.msk $0xffff, v36;
	(erf) = vpow2.f32 v37  }
0x77: {  	[tilespmem:s3+$0x50B0] =	vst.add.f32.msk $0xffff, v33;
	v32 =	vpop (erf)  }
0x78: {  	[tilespmem:s3+$0x5090] =	vst.add.f32.msk $0xffff, v35;
	v28 =	vmul.f32 v32, v28;
	v23 =	vmul.f32 v32, v23;
	s3 =	spop (v2sf)  }
0x79: {  	v24 =	vmul.f32 v32, v24;
	v20 =	vmul.f32 v32, v20  }
0x7a: {  	v27 =	vmul.f32 v32, v27;
	v21 =	vmul.f32 v32, v21;
	s3 =	sshll.u32 s3, $0x7  }
0x7b: {  	v22 =	vmul.f32 v32, v22;
	[tilespmem:s3+$0xD080] =	vst.add.f32.msk $0xffff, v32  }
0x7c: {  	[tilespmem:s3+$0x50E0] =	vst.add.f32.msk $0xffff, v23  }
0x7d: {  	v23 =	vmul.f32 v32, v26;
	[tilespmem:s3+$0x50F0] =	vst.add.f32.msk $0xffff, v20  }
0x7e: {  	[tilespmem:s3+$0x50B0] =	vst.add.f32.msk $0xffff, v28  }
0x7f: {  	[tilespmem:s3+$0x50D0] =	vst.add.f32.msk $0xffff, v21;
	v20 =	vpop (erf)  }
0x80: {  	[tilespmem:s3+$0x50C0] =	vst.add.f32.msk $0xffff, v24;
	v21 =	vmul.f32 v20, v31;
	v24 =	vmul.f32 v20, v30  }
0x81: {  	[tilespmem:s3+$0x5080] =	vst.add.f32.msk $0xffff, v23;
	v23 =	vmul.f32 v20, v29  }
0x82: {  	[tilespmem:s3+$0x5090] =	vst.add.f32.msk $0xffff, v27;
	s15 =	spop (v2sf)  }
0x83: {  	[tilespmem:s3+$0x50A0] =	vst.add.f32.msk $0xffff, v22;
	s3 =	sshll.u32 s15, $0x7  }
0x84: {  	v19 =	vmul.f32 v20, v19;
	[tilespmem:s3+$0x5090] =	vst.add.f32.msk $0xffff, v24  }
0x85: {  	v16 =	vmul.f32 v20, v16;
	[tilespmem:s3+$0x5080] =	vst.add.f32.msk $0xffff, v21  }
0x86: {  	v21 =	vmul.f32 v20, v25;
	[tilespmem:s3+$0xD080] =	vst.add.f32.msk $0xffff, v20  }
0x87: {  	v18 =	vmul.f32 v20, v18;
	v17 =	vmul.f32 v20, v17;
	[tilespmem:s3+$0x50A0] =	vst.add.f32.msk $0xffff, v23  }
0x88: {  	[tilespmem:s3+$0x50E0] =	vst.add.f32.msk $0xffff, v19  }
0x89: {  	[tilespmem:s3+$0x50F0] =	vst.add.f32.msk $0xffff, v16  }
0x8a: {  	[tilespmem:s3+$0x50B0] =	vst.add.f32.msk $0xffff, v21  }
0x8b: {  	[tilespmem:s3+$0x50C0] =	vst.add.f32.msk $0xffff, v18  }
0x8c: {  	[tilespmem:s3+$0x50D0] =	vst.add.f32.msk $0xffff, v17;
	_ =	sdelay $0x1  }
0x8d: {  	v36 =	vld [tilespmem:s31+$0xFFFFFFB0]  }
0x8e: {  	v35 =	vld [tilespmem:s31+$0xFFFFFFA0]  }
0x8f: {  	v32 =	vld [tilespmem:s31+$0xFFFFFF90]  }
0x90: {  	v34 =	vld [tilespmem:s31+$0xFFFFFF80]  }
0x91: {  	v33 =	vld [tilespmem:s31+$0xFFFFFF70]  }
0x92: {  	v38 =	vld [tilespmem:s31+$0xFFFFFF60];
	v16 =	vmul.f32 v36, v13  }
0x93: {  	v37 =	vld [tilespmem:s31+$0xFFFFFF50];
	v17 =	vmul.f32 v35, v12  }
0x94: {  	v39 =	vld [tilespmem:s31+$0xFFFFFF40];
	v18 =	vmul.f32 v32, v11  }
0x95: {  	v19 =	vmul.f32 v34, v10;
	v16 =	vadd.f32 v16, v17  }
0x96: {  	v20 =	vld [tilespmem:s31+$0x30]  }
0x97: {  	v23 =	vld [tilespmem:s31+$0x20];
	v17 =	vadd.f32 v18, v19  }
0x98: {  	v19 =	vmul.f32 v33, v9;
	v21 =	vld [tilespmem:s31+$0x10];
	v18 =	vmul.f32 v37, v7  }
0x99: {  	v26 =	vmul.f32 v38, v8;
	v24 =	vld [tilespmem:s31+$0x0];
	v25 =	vmul.f32 v39, v6  }
0x9a: {  	v28 =	vld [tilespmem:s31+$0xFFFFFFF0]  }
0x9b: {  	v19 =	vadd.f32 v19, v26;
	v22 =	vld [tilespmem:s31+$0xFFFFFFE0];
	v18 =	vadd.f32 v18, v25;
	v25 =	vmul.f32 v20, v13  }
0x9c: {  	v27 =	vld [tilespmem:s31+$0xFFFFFFD0];
	v29 =	vmul.f32 v23, v12  }
0x9d: {  	v17 =	vadd.f32 v16, v17;
	v26 =	vld [tilespmem:s31+$0xFFFFFFC0];
	v18 =	vadd.f32 v19, v18;
	v30 =	vmul.f32 v21, v11  }
0x9e: {  	v16 =	vld [tilespmem:s31+$0xB0];
	v31 =	vmul.f32 v24, v10;
	v29 =	vadd.f32 v25, v29  }
0x9f: {  	v19 =	vld [tilespmem:s31+$0xA0];
	v40 =	vadd.f32 v17, v18;
	v41 =	vmul.f32 v28, v9  }
0xa0: {  	v17 =	vld [tilespmem:s31+$0x90];
	v42 =	vmul.f32 v22, v8;
	v30 =	vadd.f32 v30, v31  }
0xa1: {  	v18 =	vld [tilespmem:s31+$0x80];
	v31 =	vmul.f32 v27, v7;
	v43 =	vperm.xlane v40, v1  }
0xa2: {  	v25 =	vld [tilespmem:s31+$0x70];
	v44 =	vmul.f32 v26, v6;
	v41 =	vadd.f32 v41, v42;
	v42 =	vadd.f32 v29, v30  }
0xa3: {  	v29 =	vld [tilespmem:s31+$0x60];
	v40 =	vadd.f32 v43, v40  }
0xa4: {  	v30 =	vld [tilespmem:s31+$0x50];
	v43 =	vadd.f32 v31, v44;
	v44 =	vmul.f32 v19, v12  }
0xa5: {  	v31 =	vld [tilespmem:s31+$0x40];
	v45 =	vperm.xlane v40, v2  }
0xa6: {  	v41 =	vadd.f32 v41, v43;
	v43 =	vmul.f32 v18, v10  }
0xa7: {  	v47 =	vmul.f32 v16, v13;
	v46 =	vmul.f32 v17, v11;
	v40 =	vadd.f32 v45, v40  }
0xa8: {  	s2 =	sshra.s32 s2, $0x2;
	v45 =	vmul.f32 v25, v9;
	v41 =	vadd.f32 v42, v41;
	v42 =	vmul.f32 v29, v8  }
0xa9: {  	v43 =	vadd.f32 v46, v43;
	v48 =	vld.idx.msk [tilespmem:v15+s2+$0x0 ss:$0x1], $0xffff;
	v49 =	vmul.f32 v30, v7;
	v46 =	vperm.xlane v40, v3  }
0xaa: {  	v50 =	vmul.f32 v31, v6;
	v42 =	vadd.f32 v45, v42;
	v45 =	vperm.xlane v41, v1  }
0xab: {  	v44 =	vadd.f32 v47, v44;
	v40 =	vadd.f32 v46, v40  }
0xac: {  	v46 =	vadd.f32 v49, v50;
	v41 =	vadd.f32 v45, v41  }
0xad: {  	v45 =	vperm.xlane v40, v4  }
0xae: {  	v43 =	vadd.f32 v44, v43;
	v42 =	vadd.f32 v42, v46;
	v44 =	vperm.xlane v41, v2  }
0xaf: {  	v40 =	vadd.f32 v45, v40;
	(v2sf) =	vpush v48, $0x0  }
0xb0: {  	v42 =	vadd.f32 v43, v42;
	v41 =	vadd.f32 v44, v41  }
0xb1: {  	v40 =	vadd.f32 v40, v14  }
0xb2: {  	v43 =	vld.idx.msk [tilespmem:v15+s2+$0x1 ss:$0x1], $0xffff;
	v44 =	vperm.xlane v42, v1;
	v45 =	vperm.xlane v41, v3  }
0xb3: {  	v40 =	vmul.f32 $1.442695020e+00, v40  }
0xb4: {  	v42 =	vadd.f32 v42, v44;
	v41 =	vadd.f32 v45, v41  }
0xb5: {  	(erf) = vpow2.f32 v40  }
0xb6: {  	v40 =	vperm.xlane v42, v2;
	v44 =	vperm.xlane v41, v4;
	_ =	sdelay $0x1  }
0xb7: {  	v40 =	vadd.f32 v40, v42;
	v41 =	vadd.f32 v44, v41  }
0xb8: {  	(v2sf) =	vpush v43, $0x0  }
0xb9: {  	v42 =	vperm.xlane v40, v3;
	v41 =	vadd.f32 v41, v14;
	_ =	sdelay $0x1  }
0xba: {  	v42 =	vadd.f32 v42, v40;
	v41 =	vmul.f32 $1.442695020e+00, v41  }
0xbb: {  	v40 =	vld.idx.msk [tilespmem:v15+s2+$0x2 ss:$0x1], $0xffff  }
.Ltmp2:
0xbc: {  	v43 =	vperm.xlane v42, v4;
	s2 =	spop (v2sf);
	v44 =	vpop (erf);
	(erf) = vpow2.f32 v41;
	(pc) =	sbr.rel @p0 .LBB2_7-.Ltmp2, $4  }
0xbd: {  	v39 =	vmul.f32 v44, v39;
	s3 =	sshll.u32 s2, $0x7;
	v41 =	vmul.f32 v44, v36  }
0xbe: {  	v38 =	vmul.f32 v44, v38;
	v36 =	vmul.f32 v44, v35;
	v42 =	vadd.f32 v43, v42;
	[tilespmem:s3+$0xD080] =	vst.add.f32.msk $0xffff, v44  }
0xbf: {  	v35 =	vmul.f32 v44, v37;
	v34 =	vmul.f32 v44, v34;
	[tilespmem:s3+$0x50F0] =	vst.add.f32.msk $0xffff, v41  }
0xc0: {  	v33 =	vmul.f32 v44, v33;
	v32 =	vmul.f32 v44, v32;
	v37 =	vadd.f32 v42, v14;
	[tilespmem:s3+$0x5080] =	vst.add.f32.msk $0xffff, v39  }
0xc1: {  	(v2sf) =	vpush v40, $0x0;
	_ =	sdelay $0x1  }
0xc2: {  	[tilespmem:s3+$0x50A0] =	vst.add.f32.msk $0xffff, v38;
	v15 =	vmul.f32 $1.442695020e+00, v37  }
0xc3: {  	[tilespmem:s3+$0x50C0] =	vst.add.f32.msk $0xffff, v34  }
0xc4: {  	[tilespmem:s3+$0x50E0] =	vst.add.f32.msk $0xffff, v36  }
0xc5: {  	[tilespmem:s3+$0x5090] =	vst.add.f32.msk $0xffff, v35;
	(erf) = vpow2.f32 v15  }
0xc6: {  	[tilespmem:s3+$0x50D0] =	vst.add.f32.msk $0xffff, v32;
	v15 =	vpop (erf);
	s0 =	spop (v2sf)  }
0xc7: {  	[tilespmem:s3+$0x50B0] =	vst.add.f32.msk $0xffff, v33;
	v23 =	vmul.f32 v15, v23;
	s0 =	sshll.u32 s0, $0x7  }
0xc8: {  	v20 =	vmul.f32 v15, v20;
	[tilespmem:s0+$0xD080] =	vst.add.f32.msk $0xffff, v15  }
0xc9: {  	v28 =	vmul.f32 v15, v28;
	[tilespmem:s0+$0x50E0] =	vst.add.f32.msk $0xffff, v23  }
0xca: {  	v21 =	vmul.f32 v15, v21;
	[tilespmem:s0+$0x50F0] =	vst.add.f32.msk $0xffff, v20;
	v20 =	vmul.f32 v15, v24  }
0xcb: {  	[tilespmem:s0+$0x50B0] =	vst.add.f32.msk $0xffff, v28  }
0xcc: {  	v23 =	vmul.f32 v15, v26;
	[tilespmem:s0+$0x50D0] =	vst.add.f32.msk $0xffff, v21  }
0xcd: {  	v21 =	vmul.f32 v15, v27;
	[tilespmem:s0+$0x50C0] =	vst.add.f32.msk $0xffff, v20  }
0xce: {  	v15 =	vmul.f32 v15, v22;
	[tilespmem:s0+$0x5080] =	vst.add.f32.msk $0xffff, v23;
	v20 =	vpop (erf)  }
0xcf: {  	[tilespmem:s0+$0x5090] =	vst.add.f32.msk $0xffff, v21;
	v22 =	vmul.f32 v20, v30;
	s2 =	spop (v2sf)  }
0xd0: {  	[tilespmem:s0+$0x50A0] =	vst.add.f32.msk $0xffff, v15;
	v21 =	vmul.f32 v20, v31;
	s15 =	sshll.u32 s2, $0x7  }
0xd1: {  	[tilespmem:s15+$0x5090] =	vst.add.f32.msk $0xffff, v22  }
0xd2: {  	v15 =	vmul.f32 v20, v29;
	[tilespmem:s15+$0x5080] =	vst.add.f32.msk $0xffff, v21  }
0xd3: {  	v19 =	vmul.f32 v20, v19;
	[tilespmem:s15+$0xD080] =	vst.add.f32.msk $0xffff, v20  }
0xd4: {  	v16 =	vmul.f32 v20, v16;
	[tilespmem:s15+$0x50A0] =	vst.add.f32.msk $0xffff, v15  }
0xd5: {  	v18 =	vmul.f32 v20, v18;
	[tilespmem:s15+$0x50E0] =	vst.add.f32.msk $0xffff, v19  }
0xd6: {  	s31 =	sadd.s32 s30, s9;
	v15 =	vmul.f32 v20, v25;
	[tilespmem:s15+$0x50F0] =	vst.add.f32.msk $0xffff, v16  }
0xd7: {  	s2 =	sshll.u32 s31, $0x4;
	v16 =	vmul.f32 v20, v17;
	[tilespmem:s15+$0x50C0] =	vst.add.f32.msk $0xffff, v18  }
0xd8: {  	s2 =	sand.u32 $0x1FFFFFF0, s2;
	[tilespmem:s15+$0x50B0] =	vst.add.f32.msk $0xffff, v15  }
0xd9: {  	s3 =	simm.s32 $0x0;
	s2 =	sadd.s32 s1, s2;
	[tilespmem:s15+$0x50D0] =	vst.add.f32.msk $0xffff, v16  }
0xda: {  	[tilespmem:s3], [sflag:$0x1] =	stream.linear.gather [hbm4b:s2+s3], $0x2580, $0x38;
	[tilespmem:$0x15080] =	vst v63  }
0xdb: {  	_ =	swait.ge [sflag:s21], $0x2580  }
0xdc: {  	[sflag:s21] =	ssyncset.done $0x0  }
0xdd: {  	s30 =	simm.s32 $0x2640;
	[sflag:s21] =	ssyncadd.s32 $0xFFFFDA80  }
0xde: {  	v32 =	vld [tilespmem:s30+$0xFFFFFFB0]  }
0xdf: {  	v33 =	vld [tilespmem:s30+$0xFFFFFFA0]  }
0xe0: {  	v39 =	vld [tilespmem:s30+$0xFFFFFF90]  }
0xe1: {  	v34 =	vld [tilespmem:s30+$0xFFFFFF80]  }
0xe2: {  	v41 =	vld [tilespmem:s30+$0xFFFFFF70]  }
0xe3: {  	v35 =	vld [tilespmem:s30+$0xFFFFFF60]  }
0xe4: {  	v37 =	vld [tilespmem:s30+$0xFFFFFF50]  }
0xe5: {  	v36 =	vld [tilespmem:s30+$0xFFFFFF40];
	_ =	sdelay $0x1  }
0xe6: {  	v15 =	vmul.f32 v32, v13;
	v16 =	vmul.f32 v33, v12  }
0xe7: {  	v20 =	vld [tilespmem:s30+$0x30];
	v17 =	vmul.f32 v39, v11;
	v18 =	vmul.f32 v34, v10  }
0xe8: {  	v21 =	vld [tilespmem:s30+$0x10];
	v19 =	vmul.f32 v37, v7;
	v25 =	vmul.f32 v41, v9  }
0xe9: {  	v24 =	vld [tilespmem:s30+$0x0];
	v26 =	vmul.f32 v36, v6;
	v27 =	vmul.f32 v35, v8  }
0xea: {  	v23 =	vld [tilespmem:s30+$0x20];
	v15 =	vadd.f32 v15, v16;
	v16 =	vadd.f32 v17, v18  }
0xeb: {  	v28 =	vld [tilespmem:s30+$0xFFFFFFF0];
	v17 =	vadd.f32 v19, v26;
	v18 =	vadd.f32 v25, v27  }
0xec: {  	v22 =	vld [tilespmem:s30+$0xFFFFFFE0]  }
0xed: {  	v27 =	vld [tilespmem:s30+$0xFFFFFFD0];
	v17 =	vadd.f32 v18, v17;
	v15 =	vadd.f32 v15, v16  }
0xee: {  	v30 =	vmul.f32 v21, v11;
	v31 =	vmul.f32 v24, v10;
	v26 =	vld [tilespmem:s30+$0xFFFFFFC0]  }
0xef: {  	v19 =	vld [tilespmem:s30+$0xA0];
	v15 =	vadd.f32 v15, v17  }
0xf0: {  	v29 =	vmul.f32 v23, v12;
	v31 =	vadd.f32 v30, v31;
	v30 =	vld [tilespmem:s30+$0x50]  }
0xf1: {  	v25 =	vmul.f32 v20, v13;
	v16 =	vld [tilespmem:s30+$0xB0];
	v42 =	vperm.xlane v15, v1  }
0xf2: {  	v56 =	vmul.f32 v28, v9;
	v57 =	vmul.f32 v22, v8;
	v18 =	vld [tilespmem:s30+$0x80]  }
0xf3: {  	v43 =	vadd.f32 v25, v29;
	v25 =	vld [tilespmem:s30+$0x70];
	v42 =	vadd.f32 v42, v15;
	v15 =	vmov s26  }
0xf4: {  	v29 =	vld [tilespmem:s30+$0x60];
	v44 =	vmul.f32 v27, v7;
	v45 =	vmul.f32 v26, v6  }
0xf5: {  	v38 =	vadd.f32 v56, v57;
	v17 =	vld [tilespmem:s30+$0x90]  }
0xf6: {  	v43 =	vadd.f32 v43, v31;
	v31 =	vld [tilespmem:s30+$0x40];
	v58 =	vadd.f32 v44, v45  }
0xf7: {  	s15 =	simm.s32 $0x0;
	v60 =	vmul.f32 v19, v12;
	v59 =	vperm.xlane v42, v2  }
0xf8: {  	v48 =	vmul.f32 v30, v7;
	v61 =	vmul.f32 v18, v10;
	v38 =	vadd.f32 v38, v58;
	v49 =	vld.idx.msk [tilespmem:v15+s15+$0x0 ss:$0x1], $0xffff  }
0xf9: {  	v47 =	vmul.f32 v16, v13;
	v62 =	vmul.f32 v29, v8;
	v42 =	vadd.f32 v59, v42  }
0xfa: {  	v63 =	vmul.f32 v25, v9;
	v46 =	vmul.f32 v17, v11;
	v38 =	vadd.f32 v43, v38  }
0xfb: {  	v50 =	vmul.f32 v31, v6;
	v45 =	vadd.f32 v47, v60;
	v52 =	vperm.xlane v42, v3  }
0xfc: {  	v40 =	vadd.f32 v46, v61;
	v43 =	vadd.f32 v63, v62;
	v53 =	vperm.xlane v38, v1  }
0xfd: {  	v42 =	vadd.f32 v52, v42;
	(v2sf) =	vpush v49, $0x0  }
0xfe: {  	v54 =	vadd.f32 v48, v50;
	v38 =	vadd.f32 v53, v38  }
0xff: {  	v55 =	vperm.xlane v42, v4  }
0x100: {  	v43 =	vadd.f32 v43, v54;
	v40 =	vadd.f32 v45, v40;
	v56 =	vperm.xlane v38, v2  }
0x101: {  	v42 =	vadd.f32 v55, v42  }
0x102: {  	v40 =	vadd.f32 v40, v43;
	v38 =	vadd.f32 v56, v38  }
0x103: {  	v42 =	vadd.f32 v42, v14  }
0x104: {  	v43 =	vperm.xlane v40, v1;
	v57 =	vperm.xlane v38, v3  }
0x105: {  	v42 =	vmul.f32 $1.442695020e+00, v42  }
0x106: {  	v40 =	vadd.f32 v40, v43;
	v38 =	vadd.f32 v57, v38  }
0x107: {  	v60 =	vld.idx.msk [tilespmem:v15+s15+$0x1 ss:$0x1], $0xffff;
	(erf) = vpow2.f32 v42  }
0x108: {  	v58 =	vperm.xlane v40, v2;
	v59 =	vperm.xlane v38, v4;
	_ =	sdelay $0x1  }
0x109: {  	v40 =	vadd.f32 v58, v40;
	v38 =	vadd.f32 v59, v38;
	_ =	sdelay $0x1  }
0x10a: {  	v42 =	vperm.xlane v40, v3;
	v38 =	vadd.f32 v38, v14;
	s31 =	spop (v2sf);
	(v2sf) =	vpush v60, $0x0;
	_ =	sdelay $0x1  }
0x10b: {  	v42 =	vadd.f32 v42, v40;
	v38 =	vmul.f32 $1.442695020e+00, v38;
	_ =	sdelay $0x1  }
0x10c: {  	v61 =	vperm.xlane v42, v4;
	v62 =	vpop (erf);
	(erf) = vpow2.f32 v38  }
0x10d: {  	v40 =	vld.idx.msk [tilespmem:v15+s15+$0x2 ss:$0x1], $0xffff;
	s3 =	sshll.u32 s31, $0x7;
	v63 =	vmul.f32 v62, v36;
	v32 =	vmul.f32 v62, v32  }
0x10e: {  	v42 =	vadd.f32 v61, v42;
	v38 =	vmul.f32 v62, v35;
	v36 =	vmul.f32 v62, v33;
	[tilespmem:s3+$0xD080] =	vst.add.f32.msk $0xffff, v62  }
0x10f: {  	v35 =	vmul.f32 v62, v37;
	v34 =	vmul.f32 v62, v34;
	[tilespmem:s3+$0x50F0] =	vst.add.f32.msk $0xffff, v32  }
0x110: {  	s0 =	simm.s32 $0xC;
	v37 =	vadd.f32 v42, v14;
	v33 =	vmul.f32 v62, v41;
	[tilespmem:s3+$0x5080] =	vst.add.f32.msk $0xffff, v63;
	v32 =	vmul.f32 v62, v39  }
.LBB2_9:
0x111: {  	p0 =	sne.s32 s0, $0x120  }
0x112: {  	[tilespmem:s3+$0x50A0] =	vst.add.f32.msk $0xffff, v38;
	s30 =	sadd.s32 $0x180, s30;
	(v2sf) =	vpush v40, $0x0;
	s2 =	smov.u32 s0;
	s0 =	sadd.s32 $0xC, s0  }
0x113: {  	v37 =	vmul.f32 $1.442695020e+00, v37;
	[tilespmem:s3+$0x50C0] =	vst.add.f32.msk $0xffff, v34  }
0x114: {  	[tilespmem:s3+$0x50D0] =	vst.add.f32.msk $0xffff, v32  }
0x115: {  	[tilespmem:s3+$0x50E0] =	vst.add.f32.msk $0xffff, v36;
	(erf) = vpow2.f32 v37  }
0x116: {  	[tilespmem:s3+$0x50B0] =	vst.add.f32.msk $0xffff, v33;
	v32 =	vpop (erf)  }
0x117: {  	[tilespmem:s3+$0x5090] =	vst.add.f32.msk $0xffff, v35;
	v28 =	vmul.f32 v32, v28;
	v23 =	vmul.f32 v32, v23;
	s3 =	spop (v2sf)  }
0x118: {  	v24 =	vmul.f32 v32, v24;
	v20 =	vmul.f32 v32, v20  }
0x119: {  	v27 =	vmul.f32 v32, v27;
	v21 =	vmul.f32 v32, v21;
	s3 =	sshll.u32 s3, $0x7  }
0x11a: {  	v22 =	vmul.f32 v32, v22;
	[tilespmem:s3+$0xD080] =	vst.add.f32.msk $0xffff, v32  }
0x11b: {  	[tilespmem:s3+$0x50E0] =	vst.add.f32.msk $0xffff, v23  }
0x11c: {  	v23 =	vmul.f32 v32, v26;
	[tilespmem:s3+$0x50F0] =	vst.add.f32.msk $0xffff, v20  }
0x11d: {  	[tilespmem:s3+$0x50B0] =	vst.add.f32.msk $0xffff, v28  }
0x11e: {  	[tilespmem:s3+$0x50D0] =	vst.add.f32.msk $0xffff, v21;
	v20 =	vpop (erf)  }
0x11f: {  	[tilespmem:s3+$0x50C0] =	vst.add.f32.msk $0xffff, v24;
	v21 =	vmul.f32 v20, v31;
	v24 =	vmul.f32 v20, v30  }
0x120: {  	[tilespmem:s3+$0x5080] =	vst.add.f32.msk $0xffff, v23;
	v23 =	vmul.f32 v20, v29  }
0x121: {  	[tilespmem:s3+$0x5090] =	vst.add.f32.msk $0xffff, v27;
	s15 =	spop (v2sf)  }
0x122: {  	[tilespmem:s3+$0x50A0] =	vst.add.f32.msk $0xffff, v22;
	s3 =	sshll.u32 s15, $0x7  }
0x123: {  	v19 =	vmul.f32 v20, v19;
	[tilespmem:s3+$0x5090] =	vst.add.f32.msk $0xffff, v24  }
0x124: {  	v16 =	vmul.f32 v20, v16;
	[tilespmem:s3+$0x5080] =	vst.add.f32.msk $0xffff, v21  }
0x125: {  	v21 =	vmul.f32 v20, v25;
	[tilespmem:s3+$0xD080] =	vst.add.f32.msk $0xffff, v20  }
0x126: {  	v18 =	vmul.f32 v20, v18;
	v17 =	vmul.f32 v20, v17;
	[tilespmem:s3+$0x50A0] =	vst.add.f32.msk $0xffff, v23  }
0x127: {  	[tilespmem:s3+$0x50E0] =	vst.add.f32.msk $0xffff, v19  }
0x128: {  	[tilespmem:s3+$0x50F0] =	vst.add.f32.msk $0xffff, v16  }
0x129: {  	[tilespmem:s3+$0x50B0] =	vst.add.f32.msk $0xffff, v21  }
0x12a: {  	[tilespmem:s3+$0x50C0] =	vst.add.f32.msk $0xffff, v18  }
0x12b: {  	[tilespmem:s3+$0x50D0] =	vst.add.f32.msk $0xffff, v17;
	_ =	sdelay $0x1  }
0x12c: {  	v36 =	vld [tilespmem:s30+$0xFFFFFFB0]  }
0x12d: {  	v35 =	vld [tilespmem:s30+$0xFFFFFFA0]  }
0x12e: {  	v32 =	vld [tilespmem:s30+$0xFFFFFF90]  }
0x12f: {  	v34 =	vld [tilespmem:s30+$0xFFFFFF80]  }
0x130: {  	v33 =	vld [tilespmem:s30+$0xFFFFFF70]  }
0x131: {  	v38 =	vld [tilespmem:s30+$0xFFFFFF60];
	v16 =	vmul.f32 v36, v13  }
0x132: {  	v37 =	vld [tilespmem:s30+$0xFFFFFF50];
	v17 =	vmul.f32 v35, v12  }
0x133: {  	v39 =	vld [tilespmem:s30+$0xFFFFFF40];
	v18 =	vmul.f32 v32, v11  }
0x134: {  	v19 =	vmul.f32 v34, v10;
	v16 =	vadd.f32 v16, v17  }
0x135: {  	v20 =	vld [tilespmem:s30+$0x30]  }
0x136: {  	v23 =	vld [tilespmem:s30+$0x20];
	v17 =	vadd.f32 v18, v19  }
0x137: {  	v19 =	vmul.f32 v33, v9;
	v21 =	vld [tilespmem:s30+$0x10];
	v18 =	vmul.f32 v37, v7  }
0x138: {  	v26 =	vmul.f32 v38, v8;
	v24 =	vld [tilespmem:s30+$0x0];
	v25 =	vmul.f32 v39, v6  }
0x139: {  	v28 =	vld [tilespmem:s30+$0xFFFFFFF0]  }
0x13a: {  	v19 =	vadd.f32 v19, v26;
	v22 =	vld [tilespmem:s30+$0xFFFFFFE0];
	v18 =	vadd.f32 v18, v25;
	v25 =	vmul.f32 v20, v13  }
0x13b: {  	v27 =	vld [tilespmem:s30+$0xFFFFFFD0];
	v29 =	vmul.f32 v23, v12  }
0x13c: {  	v17 =	vadd.f32 v16, v17;
	v26 =	vld [tilespmem:s30+$0xFFFFFFC0];
	v18 =	vadd.f32 v19, v18;
	v30 =	vmul.f32 v21, v11  }
0x13d: {  	v16 =	vld [tilespmem:s30+$0xB0];
	v31 =	vmul.f32 v24, v10;
	v29 =	vadd.f32 v25, v29  }
0x13e: {  	v19 =	vld [tilespmem:s30+$0xA0];
	v40 =	vadd.f32 v17, v18;
	v41 =	vmul.f32 v28, v9  }
0x13f: {  	v17 =	vld [tilespmem:s30+$0x90];
	v42 =	vmul.f32 v22, v8;
	v30 =	vadd.f32 v30, v31  }
0x140: {  	v18 =	vld [tilespmem:s30+$0x80];
	v31 =	vmul.f32 v27, v7;
	v43 =	vperm.xlane v40, v1  }
0x141: {  	v25 =	vld [tilespmem:s30+$0x70];
	v44 =	vmul.f32 v26, v6;
	v41 =	vadd.f32 v41, v42;
	v42 =	vadd.f32 v29, v30  }
0x142: {  	v29 =	vld [tilespmem:s30+$0x60];
	v40 =	vadd.f32 v43, v40  }
0x143: {  	v30 =	vld [tilespmem:s30+$0x50];
	v43 =	vadd.f32 v31, v44;
	v44 =	vmul.f32 v19, v12  }
0x144: {  	v31 =	vld [tilespmem:s30+$0x40];
	v45 =	vperm.xlane v40, v2  }
0x145: {  	v41 =	vadd.f32 v41, v43;
	v43 =	vmul.f32 v18, v10  }
0x146: {  	v47 =	vmul.f32 v16, v13;
	v46 =	vmul.f32 v17, v11;
	v40 =	vadd.f32 v45, v40  }
0x147: {  	s2 =	sshra.s32 s2, $0x2;
	v45 =	vmul.f32 v25, v9;
	v41 =	vadd.f32 v42, v41;
	v42 =	vmul.f32 v29, v8  }
0x148: {  	v43 =	vadd.f32 v46, v43;
	v48 =	vld.idx.msk [tilespmem:v15+s2+$0x0 ss:$0x1], $0xffff;
	v49 =	vmul.f32 v30, v7;
	v46 =	vperm.xlane v40, v3  }
0x149: {  	v50 =	vmul.f32 v31, v6;
	v42 =	vadd.f32 v45, v42;
	v45 =	vperm.xlane v41, v1  }
0x14a: {  	v44 =	vadd.f32 v47, v44;
	v40 =	vadd.f32 v46, v40  }
0x14b: {  	v46 =	vadd.f32 v49, v50;
	v41 =	vadd.f32 v45, v41  }
0x14c: {  	v45 =	vperm.xlane v40, v4  }
0x14d: {  	v43 =	vadd.f32 v44, v43;
	v42 =	vadd.f32 v42, v46;
	v44 =	vperm.xlane v41, v2  }
0x14e: {  	v40 =	vadd.f32 v45, v40;
	(v2sf) =	vpush v48, $0x0  }
0x14f: {  	v42 =	vadd.f32 v43, v42;
	v41 =	vadd.f32 v44, v41  }
0x150: {  	v40 =	vadd.f32 v40, v14  }
0x151: {  	v43 =	vld.idx.msk [tilespmem:v15+s2+$0x1 ss:$0x1], $0xffff;
	v44 =	vperm.xlane v42, v1;
	v45 =	vperm.xlane v41, v3  }
0x152: {  	v40 =	vmul.f32 $1.442695020e+00, v40  }
0x153: {  	v42 =	vadd.f32 v42, v44;
	v41 =	vadd.f32 v45, v41  }
0x154: {  	(erf) = vpow2.f32 v40  }
0x155: {  	v40 =	vperm.xlane v42, v2;
	v44 =	vperm.xlane v41, v4;
	_ =	sdelay $0x1  }
0x156: {  	v40 =	vadd.f32 v40, v42;
	v41 =	vadd.f32 v44, v41  }
0x157: {  	(v2sf) =	vpush v43, $0x0  }
0x158: {  	v42 =	vperm.xlane v40, v3;
	v41 =	vadd.f32 v41, v14;
	_ =	sdelay $0x1  }
0x159: {  	v42 =	vadd.f32 v42, v40;
	v41 =	vmul.f32 $1.442695020e+00, v41  }
0x15a: {  	v40 =	vld.idx.msk [tilespmem:v15+s2+$0x2 ss:$0x1], $0xffff  }
.Ltmp3:
0x15b: {  	v43 =	vperm.xlane v42, v4;
	s2 =	spop (v2sf);
	v44 =	vpop (erf);
	(erf) = vpow2.f32 v41;
	(pc) =	sbr.rel @p0 .LBB2_9-.Ltmp3, $4  }
0x15c: {  	v39 =	vmul.f32 v44, v39;
	s3 =	sshll.u32 s2, $0x7;
	v41 =	vmul.f32 v44, v36  }
0x15d: {  	v38 =	vmul.f32 v44, v38;
	v36 =	vmul.f32 v44, v35;
	v42 =	vadd.f32 v43, v42;
	[tilespmem:s3+$0xD080] =	vst.add.f32.msk $0xffff, v44  }
0x15e: {  	v35 =	vmul.f32 v44, v37;
	v34 =	vmul.f32 v44, v34;
	[tilespmem:s3+$0x50F0] =	vst.add.f32.msk $0xffff, v41  }
0x15f: {  	v33 =	vmul.f32 v44, v33;
	v32 =	vmul.f32 v44, v32;
	v37 =	vadd.f32 v42, v14;
	[tilespmem:s3+$0x5080] =	vst.add.f32.msk $0xffff, v39  }
0x160: {  	(v2sf) =	vpush v40, $0x0;
	_ =	sdelay $0x1  }
0x161: {  	[tilespmem:s3+$0x50A0] =	vst.add.f32.msk $0xffff, v38;
	v15 =	vmul.f32 $1.442695020e+00, v37  }
0x162: {  	[tilespmem:s3+$0x50C0] =	vst.add.f32.msk $0xffff, v34  }
0x163: {  	[tilespmem:s3+$0x50E0] =	vst.add.f32.msk $0xffff, v36  }
0x164: {  	[tilespmem:s3+$0x5090] =	vst.add.f32.msk $0xffff, v35;
	(erf) = vpow2.f32 v15  }
0x165: {  	[tilespmem:s3+$0x50D0] =	vst.add.f32.msk $0xffff, v32;
	v15 =	vpop (erf);
	s0 =	spop (v2sf)  }
0x166: {  	[tilespmem:s3+$0x50B0] =	vst.add.f32.msk $0xffff, v33;
	v23 =	vmul.f32 v15, v23;
	s0 =	sshll.u32 s0, $0x7  }
0x167: {  	v20 =	vmul.f32 v15, v20;
	[tilespmem:s0+$0xD080] =	vst.add.f32.msk $0xffff, v15  }
0x168: {  	v28 =	vmul.f32 v15, v28;
	[tilespmem:s0+$0x50E0] =	vst.add.f32.msk $0xffff, v23  }
0x169: {  	v21 =	vmul.f32 v15, v21;
	[tilespmem:s0+$0x50F0] =	vst.add.f32.msk $0xffff, v20  }
0x16a: {  	v57 =	vmul.f32 v15, v24;
	[tilespmem:s0+$0x50B0] =	vst.add.f32.msk $0xffff, v28  }
0x16b: {  	v58 =	vmul.f32 v15, v26;
	[tilespmem:s0+$0x50D0] =	vst.add.f32.msk $0xffff, v21  }
0x16c: {  	v59 =	vmul.f32 v15, v27;
	[tilespmem:s0+$0x50C0] =	vst.add.f32.msk $0xffff, v57  }
0x16d: {  	v15 =	vmul.f32 v15, v22;
	[tilespmem:s0+$0x5080] =	vst.add.f32.msk $0xffff, v58;
	v60 =	vpop (erf)  }
0x16e: {  	[tilespmem:s0+$0x5090] =	vst.add.f32.msk $0xffff, v59;
	v61 =	vmul.f32 v60, v30;
	s2 =	spop (v2sf)  }
0x16f: {  	[tilespmem:s0+$0x50A0] =	vst.add.f32.msk $0xffff, v15;
	v62 =	vmul.f32 v60, v31;
	s31 =	sshll.u32 s2, $0x7  }
0x170: {  	[tilespmem:s31+$0x5090] =	vst.add.f32.msk $0xffff, v61  }
0x171: {  	v15 =	vmul.f32 v60, v29;
	[tilespmem:s31+$0x5080] =	vst.add.f32.msk $0xffff, v62  }
0x172: {  	s29 =	sadd.s32 $0x1, s29;
	v19 =	vmul.f32 v60, v19;
	[tilespmem:s31+$0xD080] =	vst.add.f32.msk $0xffff, v60  }
0x173: {  	p0 =	sne.s32 s29, $0x7;
	v16 =	vmul.f32 v60, v16;
	[tilespmem:s31+$0x50A0] =	vst.add.f32.msk $0xffff, v15  }
.Ltmp4:
0x174: {  	v18 =	vmul.f32 v60, v18;
	[tilespmem:s31+$0x50E0] =	vst.add.f32.msk $0xffff, v19;
	(pc) =	sbr.rel @p0 .LBB2_6-.Ltmp4, $4  }
0x175: {  	v63 =	vmul.f32 v60, v17;
	[tilespmem:s31+$0x50F0] =	vst.add.f32.msk $0xffff, v16  }
0x176: {  	v15 =	vmul.f32 v60, v25;
	[tilespmem:s31+$0x50C0] =	vst.add.f32.msk $0xffff, v18  }
0x177: {  	[tilespmem:s31+$0x50D0] =	vst.add.f32.msk $0xffff, v63  }
0x178: {  	s28 =	sadd.s32 $0x96, s28;
	s26 =	sadd.s32 $0x96, s26;
	[tilespmem:s31+$0x50B0] =	vst.add.f32.msk $0xffff, v15  }
0x179: {  	_ =	swait.ge [sflag:s20], $0x2580  }
0x17a: {  	[sflag:s20] =	ssyncset.done $0x0  }
0x17b: {  	s25 =	simm.s32 $0xC0;
	[sflag:s20] =	ssyncadd.s32 $0xFFFFDA80  }
0x17c: {  	v31 =	vld [tilespmem:s25+$0xFFFFFFB0]  }
0x17d: {  	v32 =	vld [tilespmem:s25+$0xFFFFFFA0]  }
0x17e: {  	v38 =	vld [tilespmem:s25+$0xFFFFFF90]  }
0x17f: {  	v33 =	vld [tilespmem:s25+$0xFFFFFF80]  }
0x180: {  	v40 =	vld [tilespmem:s25+$0xFFFFFF70]  }
0x181: {  	v34 =	vld [tilespmem:s25+$0xFFFFFF60]  }
0x182: {  	v36 =	vld [tilespmem:s25+$0xFFFFFF50]  }
0x183: {  	v35 =	vld [tilespmem:s25+$0xFFFFFF40]  }
0x184: {  	v19 =	vld [tilespmem:s25+$0x30]  }
0x185: {  	v20 =	vld [tilespmem:s25+$0x10];
	v15 =	vmul.f32 v31, v13;
	v16 =	vmul.f32 v32, v12  }
0x186: {  	v23 =	vld [tilespmem:s25+$0x0];
	v17 =	vmul.f32 v38, v11;
	v18 =	vmul.f32 v33, v10  }
0x187: {  	v22 =	vld [tilespmem:s25+$0x20];
	v24 =	vmul.f32 v36, v7;
	v25 =	vmul.f32 v40, v9  }
0x188: {  	v27 =	vld [tilespmem:s25+$0xFFFFFFF0];
	v26 =	vmul.f32 v35, v6;
	v28 =	vmul.f32 v34, v8  }
0x189: {  	s0 =	simm.s32 $0x0;
	v21 =	vld [tilespmem:s25+$0xFFFFFFE0];
	v15 =	vadd.f32 v15, v16;
	v16 =	vadd.f32 v17, v18  }
0x18a: {  	v48 =	vld.idx.msk [tilespmem:v5+s0+$0x0 ss:$0x1], $0xffff;
	v17 =	vadd.f32 v24, v26;
	v18 =	vadd.f32 v25, v28  }
0x18b: {  	v29 =	vmul.f32 v20, v11;
	v37 =	vmul.f32 v23, v10;
	v26 =	vld [tilespmem:s25+$0xFFFFFFD0]  }
0x18c: {  	v25 =	vld [tilespmem:s25+$0xFFFFFFC0];
	v17 =	vadd.f32 v18, v17;
	v16 =	vadd.f32 v15, v16  }
0x18d: {  	v37 =	vadd.f32 v29, v37;
	v29 =	vld [tilespmem:s25+$0x50]  }
0x18e: {  	v24 =	vmul.f32 v19, v13;
	v28 =	vmul.f32 v22, v12;
	v15 =	vld [tilespmem:s25+$0xB0];
	v30 =	vadd.f32 v16, v17  }
0x18f: {  	v39 =	vmul.f32 v27, v9;
	v18 =	vld [tilespmem:s25+$0xA0]  }
0x190: {  	v41 =	vmul.f32 v21, v8;
	v43 =	vadd.f32 v24, v28;
	v28 =	vld [tilespmem:s25+$0x60];
	v42 =	vperm.xlane v30, v1  }
0x191: {  	v16 =	vld [tilespmem:s25+$0x90];
	v44 =	vmul.f32 v26, v7;
	v45 =	vmul.f32 v25, v6  }
0x192: {  	v17 =	vld [tilespmem:s25+$0x80];
	v42 =	vadd.f32 v42, v30  }
0x193: {  	v39 =	vadd.f32 v39, v41;
	v24 =	vld [tilespmem:s25+$0x70];
	v56 =	vadd.f32 v44, v45  }
0x194: {  	(v2sf) =	vpush v48, $0x0;
	v37 =	vadd.f32 v43, v37;
	v30 =	vld [tilespmem:s25+$0x40];
	v57 =	vperm.xlane v42, v2  }
0x195: {  	v47 =	vmul.f32 v29, v7;
	v58 =	vmul.f32 v18, v12;
	v39 =	vadd.f32 v39, v56  }
0x196: {  	v46 =	vmul.f32 v15, v13;
	v61 =	vmul.f32 v28, v8;
	v42 =	vadd.f32 v57, v42  }
0x197: {  	v59 =	vmul.f32 v17, v10;
	v60 =	vmul.f32 v16, v11;
	v37 =	vadd.f32 v37, v39  }
0x198: {  	v62 =	vmul.f32 v24, v9;
	v44 =	vadd.f32 v46, v58;
	v63 =	vperm.xlane v42, v3  }
0x199: {  	v41 =	vadd.f32 v60, v59;
	v49 =	vmul.f32 v30, v6;
	v51 =	vperm.xlane v37, v1  }
0x19a: {  	v39 =	vadd.f32 v62, v61;
	v42 =	vadd.f32 v63, v42  }
0x19b: {  	v52 =	vadd.f32 v47, v49;
	v37 =	vadd.f32 v51, v37  }
0x19c: {  	v53 =	vperm.xlane v42, v4  }
0x19d: {  	v41 =	vadd.f32 v44, v41;
	v39 =	vadd.f32 v39, v52;
	v54 =	vperm.xlane v37, v2  }
0x19e: {  	v42 =	vadd.f32 v53, v42  }
0x19f: {  	v39 =	vadd.f32 v41, v39;
	v37 =	vadd.f32 v54, v37  }
0x1a0: {  	v55 =	vadd.f32 v42, v14  }
0x1a1: {  	v56 =	vperm.xlane v39, v1;
	v57 =	vperm.xlane v37, v3  }
0x1a2: {  	v41 =	vmul.f32 $1.442695020e+00, v55  }
0x1a3: {  	v39 =	vadd.f32 v39, v56;
	v37 =	vadd.f32 v57, v37  }
0x1a4: {  	v60 =	vld.idx.msk [tilespmem:v5+s0+$0x1 ss:$0x1], $0xffff;
	(erf) = vpow2.f32 v41  }
0x1a5: {  	v58 =	vperm.xlane v39, v2;
	v59 =	vperm.xlane v37, v4;
	_ =	sdelay $0x1  }
0x1a6: {  	v39 =	vadd.f32 v58, v39;
	v37 =	vadd.f32 v59, v37;
	_ =	sdelay $0x1  }
0x1a7: {  	s2 =	spop (v2sf);
	(v2sf) =	vpush v60, $0x0;
	v41 =	vperm.xlane v39, v3;
	v37 =	vadd.f32 v37, v14;
	_ =	sdelay $0x1  }
0x1a8: {  	v41 =	vadd.f32 v41, v39;
	v37 =	vmul.f32 $1.442695020e+00, v37;
	_ =	sdelay $0x1  }
0x1a9: {  	v61 =	vperm.xlane v41, v4;
	v62 =	vpop (erf);
	(erf) = vpow2.f32 v37  }
0x1aa: {  	s3 =	sshll.u32 s2, $0x7;
	v39 =	vld.idx.msk [tilespmem:v5+s0+$0x2 ss:$0x1], $0xffff;
	v63 =	vmul.f32 v62, v35;
	v31 =	vmul.f32 v62, v31  }
0x1ab: {  	v41 =	vadd.f32 v61, v41;
	v37 =	vmul.f32 v62, v34;
	v35 =	vmul.f32 v62, v32;
	[tilespmem:s3+$0xD080] =	vst.add.f32.msk $0xffff, v62  }
0x1ac: {  	v34 =	vmul.f32 v62, v36;
	v33 =	vmul.f32 v62, v33;
	[tilespmem:s3+$0x50F0] =	vst.add.f32.msk $0xffff, v31  }
0x1ad: {  	s0 =	simm.s32 $0xC;
	v32 =	vmul.f32 v62, v40;
	v36 =	vadd.f32 v41, v14;
	[tilespmem:s3+$0x5080] =	vst.add.f32.msk $0xffff, v63;
	v31 =	vmul.f32 v62, v38  }
.LBB2_12:
0x1ae: {  	p0 =	sne.s32 s0, $0x120  }
0x1af: {  	[tilespmem:s3+$0x50A0] =	vst.add.f32.msk $0xffff, v37;
	s25 =	sadd.s32 $0x180, s25;
	(v2sf) =	vpush v39, $0x0;
	s2 =	smov.u32 s0;
	s0 =	sadd.s32 $0xC, s0  }
0x1b0: {  	v36 =	vmul.f32 $1.442695020e+00, v36;
	[tilespmem:s3+$0x50C0] =	vst.add.f32.msk $0xffff, v33  }
0x1b1: {  	[tilespmem:s3+$0x50D0] =	vst.add.f32.msk $0xffff, v31  }
0x1b2: {  	[tilespmem:s3+$0x50E0] =	vst.add.f32.msk $0xffff, v35;
	(erf) = vpow2.f32 v36  }
0x1b3: {  	[tilespmem:s3+$0x50B0] =	vst.add.f32.msk $0xffff, v32;
	v31 =	vpop (erf)  }
0x1b4: {  	[tilespmem:s3+$0x5090] =	vst.add.f32.msk $0xffff, v34;
	v27 =	vmul.f32 v31, v27;
	v22 =	vmul.f32 v31, v22;
	s3 =	spop (v2sf)  }
0x1b5: {  	v23 =	vmul.f32 v31, v23;
	v19 =	vmul.f32 v31, v19  }
0x1b6: {  	v26 =	vmul.f32 v31, v26;
	v20 =	vmul.f32 v31, v20;
	s3 =	sshll.u32 s3, $0x7  }
0x1b7: {  	v21 =	vmul.f32 v31, v21;
	[tilespmem:s3+$0xD080] =	vst.add.f32.msk $0xffff, v31  }
0x1b8: {  	[tilespmem:s3+$0x50E0] =	vst.add.f32.msk $0xffff, v22  }
0x1b9: {  	v22 =	vmul.f32 v31, v25;
	[tilespmem:s3+$0x50F0] =	vst.add.f32.msk $0xffff, v19  }
0x1ba: {  	[tilespmem:s3+$0x50B0] =	vst.add.f32.msk $0xffff, v27  }
0x1bb: {  	[tilespmem:s3+$0x50D0] =	vst.add.f32.msk $0xffff, v20;
	v19 =	vpop (erf)  }
0x1bc: {  	[tilespmem:s3+$0x50C0] =	vst.add.f32.msk $0xffff, v23;
	v20 =	vmul.f32 v19, v30;
	v23 =	vmul.f32 v19, v29  }
0x1bd: {  	[tilespmem:s3+$0x5080] =	vst.add.f32.msk $0xffff, v22;
	v22 =	vmul.f32 v19, v28  }
0x1be: {  	[tilespmem:s3+$0x5090] =	vst.add.f32.msk $0xffff, v26;
	s15 =	spop (v2sf)  }
0x1bf: {  	[tilespmem:s3+$0x50A0] =	vst.add.f32.msk $0xffff, v21;
	s3 =	sshll.u32 s15, $0x7  }
0x1c0: {  	v18 =	vmul.f32 v19, v18;
	[tilespmem:s3+$0x5090] =	vst.add.f32.msk $0xffff, v23  }
0x1c1: {  	v15 =	vmul.f32 v19, v15;
	[tilespmem:s3+$0x5080] =	vst.add.f32.msk $0xffff, v20  }
0x1c2: {  	v20 =	vmul.f32 v19, v24;
	[tilespmem:s3+$0xD080] =	vst.add.f32.msk $0xffff, v19  }
0x1c3: {  	v17 =	vmul.f32 v19, v17;
	v16 =	vmul.f32 v19, v16;
	[tilespmem:s3+$0x50A0] =	vst.add.f32.msk $0xffff, v22  }
0x1c4: {  	[tilespmem:s3+$0x50E0] =	vst.add.f32.msk $0xffff, v18  }
0x1c5: {  	[tilespmem:s3+$0x50F0] =	vst.add.f32.msk $0xffff, v15  }
0x1c6: {  	[tilespmem:s3+$0x50B0] =	vst.add.f32.msk $0xffff, v20  }
0x1c7: {  	[tilespmem:s3+$0x50C0] =	vst.add.f32.msk $0xffff, v17  }
0x1c8: {  	[tilespmem:s3+$0x50D0] =	vst.add.f32.msk $0xffff, v16;
	_ =	sdelay $0x1  }
0x1c9: {  	v35 =	vld [tilespmem:s25+$0xFFFFFFB0]  }
0x1ca: {  	v34 =	vld [tilespmem:s25+$0xFFFFFFA0]  }
0x1cb: {  	v31 =	vld [tilespmem:s25+$0xFFFFFF90]  }
0x1cc: {  	v33 =	vld [tilespmem:s25+$0xFFFFFF80]  }
0x1cd: {  	v32 =	vld [tilespmem:s25+$0xFFFFFF70]  }
0x1ce: {  	v37 =	vld [tilespmem:s25+$0xFFFFFF60];
	v15 =	vmul.f32 v35, v13  }
0x1cf: {  	v36 =	vld [tilespmem:s25+$0xFFFFFF50];
	v16 =	vmul.f32 v34, v12  }
0x1d0: {  	v38 =	vld [tilespmem:s25+$0xFFFFFF40];
	v17 =	vmul.f32 v31, v11  }
0x1d1: {  	v18 =	vmul.f32 v33, v10;
	v15 =	vadd.f32 v15, v16  }
0x1d2: {  	v19 =	vld [tilespmem:s25+$0x30]  }
0x1d3: {  	v22 =	vld [tilespmem:s25+$0x20];
	v16 =	vadd.f32 v17, v18  }
0x1d4: {  	v18 =	vmul.f32 v32, v9;
	v20 =	vld [tilespmem:s25+$0x10];
	v17 =	vmul.f32 v36, v7  }
0x1d5: {  	v25 =	vmul.f32 v37, v8;
	v23 =	vld [tilespmem:s25+$0x0];
	v24 =	vmul.f32 v38, v6  }
0x1d6: {  	v27 =	vld [tilespmem:s25+$0xFFFFFFF0]  }
0x1d7: {  	v18 =	vadd.f32 v18, v25;
	v21 =	vld [tilespmem:s25+$0xFFFFFFE0];
	v17 =	vadd.f32 v17, v24;
	v24 =	vmul.f32 v19, v13  }
0x1d8: {  	v26 =	vld [tilespmem:s25+$0xFFFFFFD0];
	v28 =	vmul.f32 v22, v12  }
0x1d9: {  	v16 =	vadd.f32 v15, v16;
	v25 =	vld [tilespmem:s25+$0xFFFFFFC0];
	v17 =	vadd.f32 v18, v17;
	v29 =	vmul.f32 v20, v11  }
0x1da: {  	v15 =	vld [tilespmem:s25+$0xB0];
	v30 =	vmul.f32 v23, v10;
	v28 =	vadd.f32 v24, v28  }
0x1db: {  	v18 =	vld [tilespmem:s25+$0xA0];
	v39 =	vadd.f32 v16, v17;
	v40 =	vmul.f32 v27, v9  }
0x1dc: {  	v16 =	vld [tilespmem:s25+$0x90];
	v41 =	vmul.f32 v21, v8;
	v29 =	vadd.f32 v29, v30  }
0x1dd: {  	v17 =	vld [tilespmem:s25+$0x80];
	v30 =	vmul.f32 v26, v7;
	v42 =	vperm.xlane v39, v1  }
0x1de: {  	v24 =	vld [tilespmem:s25+$0x70];
	v43 =	vmul.f32 v25, v6;
	v40 =	vadd.f32 v40, v41;
	v41 =	vadd.f32 v28, v29  }
0x1df: {  	v28 =	vld [tilespmem:s25+$0x60];
	v39 =	vadd.f32 v42, v39  }
0x1e0: {  	v29 =	vld [tilespmem:s25+$0x50];
	v42 =	vadd.f32 v30, v43;
	v43 =	vmul.f32 v18, v12  }
0x1e1: {  	v30 =	vld [tilespmem:s25+$0x40];
	v44 =	vperm.xlane v39, v2  }
0x1e2: {  	v40 =	vadd.f32 v40, v42;
	v42 =	vmul.f32 v17, v10  }
0x1e3: {  	v46 =	vmul.f32 v15, v13;
	v45 =	vmul.f32 v16, v11;
	v39 =	vadd.f32 v44, v39  }
0x1e4: {  	s2 =	sshra.s32 s2, $0x2;
	v44 =	vmul.f32 v24, v9;
	v40 =	vadd.f32 v41, v40;
	v41 =	vmul.f32 v28, v8  }
0x1e5: {  	v42 =	vadd.f32 v45, v42;
	v47 =	vld.idx.msk [tilespmem:v5+s2+$0x0 ss:$0x1], $0xffff;
	v48 =	vmul.f32 v29, v7;
	v45 =	vperm.xlane v39, v3  }
0x1e6: {  	v49 =	vmul.f32 v30, v6;
	v41 =	vadd.f32 v44, v41;
	v44 =	vperm.xlane v40, v1  }
0x1e7: {  	v43 =	vadd.f32 v46, v43;
	v39 =	vadd.f32 v45, v39  }
0x1e8: {  	v45 =	vadd.f32 v48, v49;
	v40 =	vadd.f32 v44, v40  }
0x1e9: {  	v44 =	vperm.xlane v39, v4  }
0x1ea: {  	v42 =	vadd.f32 v43, v42;
	v41 =	vadd.f32 v41, v45;
	v43 =	vperm.xlane v40, v2  }
0x1eb: {  	v39 =	vadd.f32 v44, v39;
	(v2sf) =	vpush v47, $0x0  }
0x1ec: {  	v41 =	vadd.f32 v42, v41;
	v40 =	vadd.f32 v43, v40  }
0x1ed: {  	v39 =	vadd.f32 v39, v14  }
0x1ee: {  	v42 =	vld.idx.msk [tilespmem:v5+s2+$0x1 ss:$0x1], $0xffff;
	v43 =	vperm.xlane v41, v1;
	v44 =	vperm.xlane v40, v3  }
0x1ef: {  	v39 =	vmul.f32 $1.442695020e+00, v39  }
0x1f0: {  	v41 =	vadd.f32 v41, v43;
	v40 =	vadd.f32 v44, v40  }
0x1f1: {  	(erf) = vpow2.f32 v39  }
0x1f2: {  	v39 =	vperm.xlane v41, v2;
	v43 =	vperm.xlane v40, v4;
	_ =	sdelay $0x1  }
0x1f3: {  	v39 =	vadd.f32 v39, v41;
	v40 =	vadd.f32 v43, v40  }
0x1f4: {  	(v2sf) =	vpush v42, $0x0  }
0x1f5: {  	v41 =	vperm.xlane v39, v3;
	v40 =	vadd.f32 v40, v14;
	_ =	sdelay $0x1  }
0x1f6: {  	v41 =	vadd.f32 v41, v39;
	v40 =	vmul.f32 $1.442695020e+00, v40  }
0x1f7: {  	v39 =	vld.idx.msk [tilespmem:v5+s2+$0x2 ss:$0x1], $0xffff  }
.Ltmp5:
0x1f8: {  	v42 =	vperm.xlane v41, v4;
	s2 =	spop (v2sf);
	v43 =	vpop (erf);
	(erf) = vpow2.f32 v40;
	(pc) =	sbr.rel @p0 .LBB2_12-.Ltmp5, $4  }
0x1f9: {  	v38 =	vmul.f32 v43, v38;
	s3 =	sshll.u32 s2, $0x7;
	v40 =	vmul.f32 v43, v35  }
0x1fa: {  	v37 =	vmul.f32 v43, v37;
	v35 =	vmul.f32 v43, v34;
	v41 =	vadd.f32 v42, v41;
	[tilespmem:s3+$0xD080] =	vst.add.f32.msk $0xffff, v43  }
0x1fb: {  	v34 =	vmul.f32 v43, v36;
	v33 =	vmul.f32 v43, v33;
	[tilespmem:s3+$0x50F0] =	vst.add.f32.msk $0xffff, v40  }
0x1fc: {  	v32 =	vmul.f32 v43, v32;
	v31 =	vmul.f32 v43, v31;
	v36 =	vadd.f32 v41, v14;
	[tilespmem:s3+$0x5080] =	vst.add.f32.msk $0xffff, v38  }
0x1fd: {  	(v2sf) =	vpush v39, $0x0;
	_ =	sdelay $0x1  }
0x1fe: {  	[tilespmem:s3+$0x50A0] =	vst.add.f32.msk $0xffff, v37;
	v6 =	vmul.f32 $1.442695020e+00, v36  }
0x1ff: {  	[tilespmem:s3+$0x50C0] =	vst.add.f32.msk $0xffff, v33  }
0x200: {  	[tilespmem:s3+$0x50E0] =	vst.add.f32.msk $0xffff, v35  }
0x201: {  	[tilespmem:s3+$0x5090] =	vst.add.f32.msk $0xffff, v34;
	(erf) = vpow2.f32 v6  }
0x202: {  	[tilespmem:s3+$0x50D0] =	vst.add.f32.msk $0xffff, v31;
	v6 =	vpop (erf);
	s0 =	spop (v2sf)  }
0x203: {  	[tilespmem:s3+$0x50B0] =	vst.add.f32.msk $0xffff, v32;
	v7 =	vmul.f32 v6, v22;
	s0 =	sshll.u32 s0, $0x7  }
0x204: {  	v8 =	vmul.f32 v6, v19;
	[tilespmem:s0+$0xD080] =	vst.add.f32.msk $0xffff, v6  }
0x205: {  	v9 =	vmul.f32 v6, v27;
	[tilespmem:s0+$0x50E0] =	vst.add.f32.msk $0xffff, v7  }
0x206: {  	v59 =	vmul.f32 v6, v23;
	[tilespmem:s0+$0x50F0] =	vst.add.f32.msk $0xffff, v8  }
0x207: {  	v7 =	vmul.f32 v6, v20;
	[tilespmem:s0+$0x50B0] =	vst.add.f32.msk $0xffff, v9  }
0x208: {  	v60 =	vmul.f32 v6, v25;
	[tilespmem:s0+$0x50C0] =	vst.add.f32.msk $0xffff, v59  }
0x209: {  	[tilespmem:s0+$0x50D0] =	vst.add.f32.msk $0xffff, v7;
	v7 =	vmul.f32 v6, v26  }
0x20a: {  	[tilespmem:s0+$0x5080] =	vst.add.f32.msk $0xffff, v60;
	v6 =	vmul.f32 v6, v21;
	v61 =	vpop (erf)  }
0x20b: {  	[tilespmem:s0+$0x5090] =	vst.add.f32.msk $0xffff, v7;
	v62 =	vmul.f32 v61, v29;
	s2 =	spop (v2sf)  }
0x20c: {  	[tilespmem:s0+$0x50A0] =	vst.add.f32.msk $0xffff, v6;
	v7 =	vmul.f32 v61, v30;
	s31 =	sshll.u32 s2, $0x7  }
0x20d: {  	[tilespmem:s31+$0x5090] =	vst.add.f32.msk $0xffff, v62  }
0x20e: {  	v6 =	vmul.f32 v61, v28;
	[tilespmem:s31+$0x5080] =	vst.add.f32.msk $0xffff, v7  }
0x20f: {  	v63 =	vmul.f32 v61, v15;
	[tilespmem:s31+$0xD080] =	vst.add.f32.msk $0xffff, v61  }
0x210: {  	v8 =	vmul.f32 v61, v16;
	[tilespmem:s31+$0x50A0] =	vst.add.f32.msk $0xffff, v6  }
0x211: {  	v7 =	vmul.f32 v61, v18;
	[tilespmem:s31+$0x50F0] =	vst.add.f32.msk $0xffff, v63  }
0x212: {  	v6 =	vmul.f32 v61, v24;
	[tilespmem:s31+$0x50D0] =	vst.add.f32.msk $0xffff, v8  }
0x213: {  	[tilespmem:s31+$0x50E0] =	vst.add.f32.msk $0xffff, v7;
	v7 =	vmul.f32 v61, v17  }
0x214: {  	[tilespmem:s31+$0x50B0] =	vst.add.f32.msk $0xffff, v6  }
0x215: {  	[tilespmem:s31+$0x50C0] =	vst.add.f32.msk $0xffff, v7  }
0x216: {  	[hbm4b:s10+s4] =	stream.linear.scatter [tilespmem:s22], [sflag:$0x3], $0x8000, $0x38;
	[tilespmem:$0x15080] =	vst v63  }
0x217: {  	s24 =	sadd.s32 $0x1, s24;
	_ =	swait.ge [sflag:s16], $0x8000  }
0x218: {  	p0 =	sne.s32 s24, s12;
	[sflag:s16] =	ssyncset.done $0x0  }
.Ltmp6:
0x219: {  	[sflag:s16] =	ssyncadd.s32 $0xFFFF8000;
	(pc) =	sbr.rel @p0 .LBB2_1-.Ltmp6, $4  }
0x21a: {  	[hbm4b:s11+s4] =	stream.linear.scatter [tilespmem:s23], [sflag:$0x3], $0x8000, $0x38;
	[tilespmem:$0x15080] =	vst v63  }
0x21b: {  	_ =	swait.ge [sflag:s16], $0x8000  }
0x21c: {  	[sflag:s16] =	ssyncset.done $0x0  }
0x21d: {  	[sflag:s16] =	ssyncadd.s32 $0xFFFF8000  }
0x21e: {  	_ =	sfence.sel $0x180000  }
0x21f: {  	[bflag:$0x0] =	sbarrier.arrive $0xFFFF  }
0x220: {  	_ =	strace $0x90000047  }
0x221: {  	s0 =	stileid.u32;
	[bflag:$0x2] =	sbarrier.arrive $0xFFFF  }
0x222: {  	p0 =	sne.s32 s0, $0x0;
	s0 =	rddreg [dreg:$0x4]  }
0x223: {  	s0 =	sadd.s32 @!p0 $0x100000, s0  }
0x224: {  	[sflag:s0] =	ssyncadd.tile.s32 @!p0 $0x1;
	_ =	shalt  }
.Lfunc_end2:
_tile_overlayer_lowered:
.L_overlay_start_2:
0x225: {  	(tag) =	ssettag $0x2  }
0x226: {  	s0 =	rddreg [dreg:$0x0];
	s2 =	stileid.u32  }
0x227: {  	s1 =	rddreg [dreg:$0x1];
	p0 =	sne.s32 s2, $0x0  }
0x228: {  	s3 =	rddreg [dreg:$0x2];
	[bflag:$0x3] =	sbarrier.arrive $0xFFFF;
	s2 =	simm.s32 @!p0 $0x1C03  }
0x229: {  	[timem:s3], [sflag:s2] =	dma.local @!p0 [hbm:s0], s1  }
0x22a: {  	s0 =	simm.s32 @!p0 $0x3  }
0x22b: {  	_ =	swait.ge @!p0 [sflag:s0], s1  }
0x22c: {  	s1 =	ssub.s32 @!p0 $0x0, s1;
	[sflag:s0] =	ssyncset.done @!p0 $0x0  }
0x22d: {  	[sflag:s0] =	ssyncadd.s32 @!p0 s1  }
0x22e: {  	[bflag:$0x3] =	sbarrier.arrive $0xFFFF  }
0x22f: {  	_ =	shalt  }

</sc_bundles>
